<compile_context>
chip_gen: v7x
topology: tpu7x:2x2x1
jax: 0.10.2.dev20260603
libtpu: 0.0.44.dev20260713+nightly
codegen_flags: <defaults>
</compile_context>

<pallas_src>
import jax
import jax.numpy as jnp
from jax.experimental import pallas as pl
from jax.experimental.pallas import tpu as pltpu
from jax.experimental.pallas import tpu_sc as plsc

_R = 64
_N = 32768
_K = 64
_G = 128
_NG = _N // _G
_C = _K * _G
_NEG_INF = float("-inf")


def _select_kernel(x_ref, gids_ref):
    x = x_ref[...]
    gmax = jnp.max(x.reshape(_R * _NG, _G), axis=1).reshape(_R, _NG)
    gk = _to_key(gmax)
    gi = jax.lax.broadcasted_iota(jnp.int32, (_R, _NG), 1)
    liota = jax.lax.broadcasted_iota(jnp.int32, (_R, _NG), 1)

    for s in range(1, 9):
        asc = ((liota >> s) & 1) == 1
        for t in range(s - 1, -1, -1):
            d = 1 << t
            low = (liota & d) == 0
            pk = jnp.where(low, jnp.roll(gk, -d, axis=1),
                           jnp.roll(gk, d, axis=1))
            pi = jnp.where(low, jnp.roll(gi, -d, axis=1),
                           jnp.roll(gi, d, axis=1))
            self_hi = (gk > pk) | ((gk == pk) & (gi < pi))
            keep_hi = low != asc
            take_self = keep_hi == self_hi
            gk = jnp.where(take_self, gk, pk)
            gi = jnp.where(take_self, gi, pi)

    gids_ref[...] = gi[:, :_K]


_IMIN = -0x80000000
_IMAX = 0x7FFFFFFF


def _to_key(x):
    b = x.view(jnp.int32)
    return jnp.where(b >= 0, b, b ^ 0x7FFFFFFF)


_F = 4
_W = _C // _F


def _ce(ak, ai, bk, bi):
    a_first = (ak > bk) | ((ak == bk) & (ai < bi))
    hk = jnp.where(a_first, ak, bk)
    hi = jnp.where(a_first, ai, bi)
    lk = jnp.where(a_first, bk, ak)
    li = jnp.where(a_first, bi, ai)
    return hk, hi, lk, li


def _final_kernel(cand_ref, gids_ref, ids_ref, vals_ref,
                  sk_ref, si_ref, n_ref):
    ik = _to_key(cand_ref[...]).reshape(_R, _F, _W)
    g = gids_ref[...]
    lane = jax.lax.broadcasted_iota(jnp.int32, (_R, _W), 1) % _G
    ci = []
    for c in range(_F):
        gs = g[:, c * 16:(c + 1) * 16]
        rep = jnp.broadcast_to(gs[:, :, None], (_R, 16, _G)).reshape(_R, _W)
        ci.append(rep * _G + lane)
    k0, i0, k1, i1 = _ce(ik[:, 0], ci[0], ik[:, 1], ci[1])
    k2, i2, k3, i3 = _ce(ik[:, 2], ci[2], ik[:, 3], ci[3])
    k0, i0, k2, i2 = _ce(k0, i0, k2, i2)
    k1, i1, k3, i3 = _ce(k1, i1, k3, i3)
    k1, i1, k2, i2 = _ce(k1, i1, k2, i2)
    sk_ref[0], sk_ref[1], sk_ref[2], sk_ref[3] = k0, k1, k2, k3
    si_ref[0], si_ref[1], si_ref[2], si_ref[3] = i0, i1, i2, i3
    n_ref[...] = jnp.zeros((_R, _W), jnp.int32)

    kiota = jax.lax.broadcasted_iota(jnp.int32, (_R, _K), 1)

    def body(it, carry):
        ids, keys = carry
        n = n_ref[...]
        e0 = n == 0
        e1 = n == 1
        e2 = n == 2
        e3 = n == 3
        l0k, l1k, l2k, l3k = sk_ref[0], sk_ref[1], sk_ref[2], sk_ref[3]
        l0i, l1i, l2i, l3i = si_ref[0], si_ref[1], si_ref[2], si_ref[3]
        c0k = jnp.where(e0, l0k, jnp.where(e1, l1k,
              jnp.where(e2, l2k, jnp.where(e3, l3k, _IMIN))))
        c0i = jnp.where(e0, l0i, jnp.where(e1, l1i,
              jnp.where(e2, l2i, jnp.where(e3, l3i, _N))))
        c1k = jnp.where(e0, l1k, jnp.where(e1, l2k,
              jnp.where(e2, l3k, _IMIN)))
        c1i = jnp.where(e0, l1i, jnp.where(e1, l2i,
              jnp.where(e2, l3i, _N)))
        c2k = jnp.where(e0, l2k, jnp.where(e1, l3k, _IMIN))
        c2i = jnp.where(e0, l2i, jnp.where(e1, l3i, _N))
        c3k = jnp.where(e0, l3k, _IMIN)
        c3i = jnp.where(e0, l3i, _N)

        for sub in range(4):
            m = jnp.max(c0k, axis=1, keepdims=True)
            idx = jnp.min(jnp.where(c0k == m, c0i, _N), axis=1, keepdims=True)
            sel = kiota == (it * 4 + sub)
            keys = jnp.where(sel, m, keys)
            ids = jnp.where(sel, idx, ids)
            hit = c0i == idx
            n = n + hit.astype(jnp.int32)
            c0k = jnp.where(hit, c1k, c0k)
            c0i = jnp.where(hit, c1i, c0i)
            c1k = jnp.where(hit, c2k, c1k)
            c1i = jnp.where(hit, c2i, c1i)
            c2k = jnp.where(hit, c3k, c2k)
            c2i = jnp.where(hit, c3i, c2i)
            c3k = jnp.where(hit, _IMIN, c3k)
            c3i = jnp.where(hit, _N, c3i)
        n_ref[...] = n
        return ids, keys

    ids, keys = jax.lax.fori_loop(
        0, _K // 4, body,
        (jnp.zeros((_R, _K), jnp.int32), jnp.zeros((_R, _K), jnp.int32)))
    ids_ref[...] = ids
    vals_ref[...] = jnp.where(keys >= 0, keys, keys ^ 0x7FFFFFFF).view(jnp.float32)


_GATHER_WINDOW = 128
_NUM_IDX = _R * _K


def _gather(x2d, indices):
    indices = indices.reshape(1, _NUM_IDX)
    mesh = plsc.VectorSubcoreMesh(core_axis_name="core",
                                  subcore_axis_name="subcore")

    @pl.kernel(out_type=jax.ShapeDtypeStruct((_NUM_IDX, _G), x2d.dtype),
               mesh=mesh)
    def sc_gather(x_hbm, i_hbm, o_hbm):
        def gather_body(i_vmem, o_vmem):
            pltpu.sync_copy(x_hbm.at[i_vmem.at[0]], o_vmem)

        pltpu.emit_pipeline(
            gather_body,
            grid=(_NUM_IDX // _GATHER_WINDOW,),
            in_specs=[pl.BlockSpec((1, _GATHER_WINDOW),
                                   index_map=lambda i: (0, i))],
            out_specs=[pl.BlockSpec((_GATHER_WINDOW, _G),
                                    index_map=lambda i: (i, 0))],
            core_axis_name=("core", "subcore"),
            dimension_semantics=(pltpu.PARALLEL,),
        )(i_hbm, o_hbm)

    return sc_gather(x2d, indices)


def kernel(i):
    gids = pl.pallas_call(
        _select_kernel,
        out_shape=jax.ShapeDtypeStruct((_R, _K), jnp.int32),
    )(i)

    rows = jnp.arange(_R, dtype=jnp.int32)[:, None]
    grows = (gids + rows * _NG).reshape(_NUM_IDX)
    cand = _gather(i.reshape(_R * _NG, _G), grows).reshape(_R, _C)

    ids, vals = pl.pallas_call(
        _final_kernel,
        out_shape=(
            jax.ShapeDtypeStruct((_R, _K), jnp.int32),
            jax.ShapeDtypeStruct((_R, _K), jnp.float32),
        ),
        scratch_shapes=[pltpu.VMEM((_F, _R, _W), jnp.int32),
                        pltpu.VMEM((_F, _R, _W), jnp.int32),
                        pltpu.VMEM((_R, _W), jnp.int32)],
    )(cand, gids)
    return ids, vals

# --- scband reference (transcript-rebuilt; emitter-appended) ---
"""Pipeline reference for scband-top-k-4114578669579 (READ-ONLY COPY).

The authoritative reference and input builder live on the scoring server;
editing this copy changes nothing except your own understanding.
"""

import jax, jax.numpy as jnp
import numpy as np

K = 64

def setup_inputs(seed: int = 0) -> dict:
    key = jax.random.key(seed)
    i = jax.random.normal(key, (64, 32768), dtype=jnp.float32)
    return {"i": i}

def reference(i):
    # torch.topk returns (vals, ids); the module returns (top_ids, vals)
    vals, top_ids = jax.lax.top_k(i, K)
    return (top_ids, vals)

if __name__ == "__main__":
    import jax
    _d = setup_inputs()
    print(jax.jit(kernel)(*tuple(_d.values())))

</pallas_src>

<mosaic_0001>
#map = affine_map<(d0, d1) -> (0, 0)>
module attributes {stable_mosaic.version = 14 : i64} {
  func.func @sc_gather(%arg0: i32, %arg1: i32, %arg2: memref<16384x128xf32, #tpu.memory_space<hbm>>, %arg3: memref<1x4096xi32, #tpu.memory_space<hbm>>, %arg4: memref<4096x128xf32, #tpu.memory_space<hbm>>) attributes {dimension_semantics = [#tpu.dimension_semantics<core_parallel>, #tpu.dimension_semantics<subcore_parallel>], iteration_bounds = array<i64: 2, 16>, scalar_prefetch = 0 : i64, scratch_operands = 0 : i64, tpu.core_type = #tpu.core_type<sc_vector_subcore>, window_params = [{transform_indices = #map}, {transform_indices = #map}, {transform_indices = #map}]} {
    %mul3A = arith.constant 1 : i32
    %mul3A_0 = arith.muli %arg1, %mul3A : i32
    %add3A = arith.constant 0 : i32
    %add3A_1 = arith.addi %add3A, %mul3A_0 : i32
    %mul3A_2 = arith.constant 16 : i32
    %mul3A_3 = arith.muli %arg0, %mul3A_2 : i32
    %add3A_4 = arith.addi %add3A_1, %mul3A_3 : i32
    %mul3A_5 = arith.constant 1 : i32
    %mul3A_6 = arith.muli %add3A_4, %mul3A_5 : i32
    "tpu.region"() ({
      %run_scoped3A = memref.alloca() : memref<2x1x128xi32, #tpu.memory_space<vmem>>
      %run_scoped3A_7 = tpu.sem_alloc : memref<2x!tpu.dma_semaphore, #tpu.memory_space<semaphore_mem>>
      %run_scoped3A_8 = memref.alloca() : memref<2x128x128xf32, #tpu.memory_space<vmem>>
      %run_scoped3A_9 = tpu.sem_alloc : memref<2x!tpu.dma_semaphore, #tpu.memory_space<semaphore_mem>>
      %add3A_10 = arith.constant 0 : i32
      %add3A_11 = arith.addi %add3A_10, %mul3A_6 : i32
      %select_n3A = arith.constant true
      %select_n3A_12 = arith.constant 0 : i32
      %select_n3A_13 = arith.constant -1 : i32
      %select_n3A_14 = arith.select %select_n3A, %select_n3A_13, %select_n3A_12 : i32
      %eq3A = arith.constant -1 : i32
      %eq3A_15 = arith.cmpi eq, %select_n3A_14, %eq3A : i32
      %select_n3A_16 = arith.constant 0 : i32
      %select_n3A_17 = arith.select %eq3A_15, %select_n3A_16, %select_n3A_14 : i32
      %add3A_18 = arith.constant 0 : i32
      %add3A_19 = arith.addi %add3A_18, %mul3A_6 : i32
      %select_n3A_20 = arith.constant true
      %select_n3A_21 = arith.constant 0 : i32
      %select_n3A_22 = arith.constant 1 : i32
      %select_n3A_23 = arith.select %select_n3A_20, %select_n3A_22, %select_n3A_21 : i32
      %eq3A_24 = arith.constant 1 : i32
      %eq3A_25 = arith.cmpi eq, %select_n3A_23, %eq3A_24 : i32
      %select_n3A_26 = arith.constant 0 : i32
      %select_n3A_27 = arith.select %eq3A_25, %select_n3A_26, %select_n3A_23 : i32
      %add3A_28 = arith.constant 0 : i32
      %add3A_29 = arith.addi %add3A_28, %mul3A_6 : i32
      %select_n3A_30 = arith.constant true
      %select_n3A_31 = arith.constant 0 : i32
      %select_n3A_32 = arith.constant 1 : i32
      %select_n3A_33 = arith.select %select_n3A_30, %select_n3A_32, %select_n3A_31 : i32
      %eq3A_34 = arith.constant 1 : i32
      %eq3A_35 = arith.cmpi eq, %select_n3A_33, %eq3A_34 : i32
      %select_n3A_36 = arith.constant 0 : i32
      %select_n3A_37 = arith.select %eq3A_35, %select_n3A_36, %select_n3A_33 : i32
      %add3A_38 = arith.constant 0 : i32
      %add3A_39 = arith.addi %add3A_38, %mul3A_6 : i32
      "tpu.trace_start"() <{level = 10 : i32, message = "ep_initialize_0"}> : () -> ()
      %rem3A = arith.constant 0 : i32
      %rem3A_40 = arith.constant 2 : i32
      %rem3A_41 = arith.remui %rem3A, %rem3A_40 : i32
      %mul3A_42 = arith.constant 128 : i32
      %mul3A_43 = arith.muli %mul3A_42, %add3A_11 : i32
      %dma_start3A = arith.constant 0 : i32
      %dma_start3A_44 = arith.constant 0 : i32
      %dma_start3A_45 = tpu.memref_slice %run_scoped3A[%rem3A_41, %dma_start3A, %dma_start3A_44] : memref<2x1x128xi32, #tpu.memory_space<vmem>> -> memref<1x1x128xi32, #tpu.memory_space<vmem>>
      %dma_start3A_46 = tpu.memref_squeeze %dma_start3A_45 : memref<1x1x128xi32, #tpu.memory_space<vmem>> -> memref<1x128xi32, #tpu.memory_space<vmem>>
      %dma_start3A_47 = arith.constant 0 : i32
      %dma_start3A_48 = tpu.memref_slice %arg3[%dma_start3A_47, %mul3A_43] : memref<1x4096xi32, #tpu.memory_space<hbm>> -> memref<1x128xi32, #tpu.memory_space<hbm>>
      %dma_start3A_49 = tpu.memref_slice %run_scoped3A_7[%rem3A_41] : memref<2x!tpu.dma_semaphore, #tpu.memory_space<semaphore_mem>> -> memref<1x!tpu.dma_semaphore, #tpu.memory_space<semaphore_mem>>
      %dma_start3A_50 = tpu.memref_squeeze %dma_start3A_49 : memref<1x!tpu.dma_semaphore, #tpu.memory_space<semaphore_mem>> -> memref<!tpu.dma_semaphore, #tpu.memory_space<semaphore_mem>>
      %dma_start3A_51 = arith.constant 0 : i32
      %dma_start3A_52 = arith.constant 0 : i32
      %dma_start3A_53 = tpu.memref_slice %run_scoped3A[%rem3A_41, %dma_start3A_51, %dma_start3A_52] : memref<2x1x128xi32, #tpu.memory_space<vmem>> -> memref<1x1x128xi32, #tpu.memory_space<vmem>>
      %dma_start3A_54 = tpu.memref_squeeze %dma_start3A_53 : memref<1x1x128xi32, #tpu.memory_space<vmem>> -> memref<1x128xi32, #tpu.memory_space<vmem>>
      %dma_start3A_55 = arith.constant 0 : i32
      %dma_start3A_56 = tpu.memref_slice %arg3[%dma_start3A_55, %mul3A_43] : memref<1x4096xi32, #tpu.memory_space<hbm>> -> memref<1x128xi32, #tpu.memory_space<hbm>>
      tpu.enqueue_dma source(%dma_start3A_56 : memref<1x128xi32, #tpu.memory_space<hbm>>) target(%dma_start3A_54 : memref<1x128xi32, #tpu.memory_space<vmem>>) target_semaphore(%dma_start3A_50 : memref<!tpu.dma_semaphore, #tpu.memory_space<semaphore_mem>>)
      %add3A_57 = arith.constant 0 : i32
      %add3A_58 = arith.constant 1 : i32
      %add3A_59 = arith.addi %add3A_57, %add3A_58 : i32
      %select_n3A_60 = arith.constant true
      %select_n3A_61 = arith.constant 0 : i32
      %select_n3A_62 = arith.select %select_n3A_60, %add3A_59, %select_n3A_61 : i32
      "tpu.trace_stop"() : () -> ()
      %scan3A = arith.constant 0 : i32
      %scan3A_63 = arith.constant 0 : i32
      %scan3A_64 = arith.constant 0 : i32
      %scan3A_65 = arith.constant 0 : i32
      %scan3A_66 = arith.constant 0 : i32
      %eq3A_67 = arith.constant 0 : i32
      %eq3A_68 = arith.cmpi eq, %scan3A_66, %eq3A_67 : i32
      %eq3A_69 = arith.constant 0 : i32
      %eq3A_70 = arith.cmpi eq, %scan3A_66, %eq3A_69 : i32
      %add3A_71 = arith.constant 0 : i32
      %add3A_72 = arith.addi %add3A_71, %mul3A_6 : i32
      %select_n3A_73 = arith.constant true
      %select_n3A_74 = arith.constant 0 : i32
      %select_n3A_75 = arith.constant -1 : i32
      %select_n3A_76 = arith.select %select_n3A_73, %select_n3A_75, %select_n3A_74 : i32
      %eq3A_77 = arith.constant -1 : i32
      %eq3A_78 = arith.cmpi eq, %select_n3A_76, %eq3A_77 : i32
      %select_n3A_79 = arith.constant 0 : i32
      %select_n3A_80 = arith.select %eq3A_78, %select_n3A_79, %select_n3A_76 : i32
      %add3A_81 = arith.constant 0 : i32
      %add3A_82 = arith.addi %add3A_81, %mul3A_6 : i32
      %select_n3A_83 = arith.constant true
      %select_n3A_84 = arith.constant 0 : i32
      %select_n3A_85 = arith.constant 1 : i32
      %select_n3A_86 = arith.select %select_n3A_83, %select_n3A_85, %select_n3A_84 : i32
      %eq3A_87 = arith.constant 1 : i32
      %eq3A_88 = arith.cmpi eq, %select_n3A_86, %eq3A_87 : i32
      %select_n3A_89 = arith.constant 0 : i32
      %select_n3A_90 = arith.select %eq3A_88, %select_n3A_89, %select_n3A_86 : i32
      %add3A_91 = arith.constant 0 : i32
      %add3A_92 = arith.addi %add3A_91, %mul3A_6 : i32
      %select_n3A_93 = arith.constant true
      %select_n3A_94 = arith.constant 0 : i32
      %select_n3A_95 = arith.constant 1 : i32
      %select_n3A_96 = arith.select %select_n3A_93, %select_n3A_95, %select_n3A_94 : i32
      %eq3A_97 = arith.constant 1 : i32
      %eq3A_98 = arith.cmpi eq, %select_n3A_96, %eq3A_97 : i32
      %select_n3A_99 = arith.constant 0 : i32
      %select_n3A_100 = arith.select %eq3A_98, %select_n3A_99, %select_n3A_96 : i32
      %add3A_101 = arith.constant 0 : i32
      %add3A_102 = arith.addi %add3A_101, %mul3A_6 : i32
      %ne3A = arith.cmpi ne, %add3A_72, %add3A_92 : i32
      %or3A = arith.constant false
      %or3A_103 = arith.ori %or3A, %ne3A : i1
      %ge3A = arith.constant 0 : i32
      %ge3A_104 = arith.cmpi sge, %scan3A_66, %ge3A : i32
      %not3A = arith.constant true
      %not3A_105 = arith.xori %ge3A_104, %not3A : i1
      %and3A = arith.andi %or3A_103, %not3A_105 : i1
      %convert_element_type3A = arith.extui %and3A : i1 to i32
      %cond3A = arith.constant 0 : i32
      %cond3A_106 = arith.cmpi ne, %convert_element_type3A, %cond3A : i32
      scf.if %cond3A_106 {
        "tpu.trace_start"() <{level = 10 : i32, message = "ep_copy_in"}> : () -> ()
        %rem3A_266 = arith.constant 2 : i32
        %rem3A_267 = arith.remui %select_n3A_62, %rem3A_266 : i32
        %mul3A_268 = arith.constant 128 : i32
        %mul3A_269 = arith.muli %mul3A_268, %add3A_92 : i32
        %dma_start3A_270 = arith.constant 0 : i32
        %dma_start3A_271 = arith.constant 0 : i32
        %dma_start3A_272 = tpu.memref_slice %run_scoped3A[%rem3A_267, %dma_start3A_270, %dma_start3A_271] : memref<2x1x128xi32, #tpu.memory_space<vmem>> -> memref<1x1x128xi32, #tpu.memory_space<vmem>>
        %dma_start3A_273 = tpu.memref_squeeze %dma_start3A_272 : memref<1x1x128xi32, #tpu.memory_space<vmem>> -> memref<1x128xi32, #tpu.memory_space<vmem>>
        %dma_start3A_274 = arith.constant 0 : i32
        %dma_start3A_275 = tpu.memref_slice %arg3[%dma_start3A_274, %mul3A_269] : memref<1x4096xi32, #tpu.memory_space<hbm>> -> memref<1x128xi32, #tpu.memory_space<hbm>>
        %dma_start3A_276 = tpu.memref_slice %run_scoped3A_7[%rem3A_267] : memref<2x!tpu.dma_semaphore, #tpu.memory_space<semaphore_mem>> -> memref<1x!tpu.dma_semaphore, #tpu.memory_space<semaphore_mem>>
        %dma_start3A_277 = tpu.memref_squeeze %dma_start3A_276 : memref<1x!tpu.dma_semaphore, #tpu.memory_space<semaphore_mem>> -> memref<!tpu.dma_semaphore, #tpu.memory_space<semaphore_mem>>
        %dma_start3A_278 = arith.constant 0 : i32
        %dma_start3A_279 = arith.constant 0 : i32
        %dma_start3A_280 = tpu.memref_slice %run_scoped3A[%rem3A_267, %dma_start3A_278, %dma_start3A_279] : memref<2x1x128xi32, #tpu.memory_space<vmem>> -> memref<1x1x128xi32, #tpu.memory_space<vmem>>
        %dma_start3A_281 = tpu.memref_squeeze %dma_start3A_280 : memref<1x1x128xi32, #tpu.memory_space<vmem>> -> memref<1x128xi32, #tpu.memory_space<vmem>>
        %dma_start3A_282 = arith.constant 0 : i32
        %dma_start3A_283 = tpu.memref_slice %arg3[%dma_start3A_282, %mul3A_269] : memref<1x4096xi32, #tpu.memory_space<hbm>> -> memref<1x128xi32, #tpu.memory_space<hbm>>
        tpu.enqueue_dma source(%dma_start3A_283 : memref<1x128xi32, #tpu.memory_space<hbm>>) target(%dma_start3A_281 : memref<1x128xi32, #tpu.memory_space<vmem>>) target_semaphore(%dma_start3A_277 : memref<!tpu.dma_semaphore, #tpu.memory_space<semaphore_mem>>)
        "tpu.trace_stop"() : () -> ()
      } else {
      }
      %and3A_107 = arith.constant true
      %and3A_108 = arith.andi %and3A, %and3A_107 : i1
      %add3A_109 = arith.constant 1 : i32
      %add3A_110 = arith.addi %select_n3A_62, %add3A_109 : i32
      %select_n3A_111 = arith.select %and3A_108, %add3A_110, %select_n3A_62 : i32
      %ne3A_112 = arith.cmpi ne, %add3A_72, %add3A_92 : i32
      %or3A_113 = arith.constant false
      %or3A_114 = arith.ori %or3A_113, %ne3A_112 : i1
      %or3A_115 = arith.constant false
      %or3A_116 = arith.ori %or3A_114, %or3A_115 : i1
      %ge3A_117 = arith.constant 0 : i32
      %ge3A_118 = arith.cmpi sge, %scan3A_66, %ge3A_117 : i32
      %not3A_119 = arith.constant true
      %not3A_120 = arith.xori %ge3A_118, %not3A_119 : i1
      %and3A_121 = arith.andi %or3A_116, %not3A_120 : i1
      %ne3A_122 = arith.cmpi ne, %add3A_72, %add3A_82 : i32
      %or3A_123 = arith.constant false
      %or3A_124 = arith.ori %or3A_123, %ne3A_122 : i1
      %or3A_125 = arith.ori %or3A_124, %eq3A_68 : i1
      %convert_element_type3A_126 = arith.extui %or3A_125 : i1 to i32
      %cond3A_127 = arith.constant 0 : i32
      %cond3A_128 = arith.cmpi ne, %convert_element_type3A_126, %cond3A_127 : i32
      scf.if %cond3A_128 {
        "tpu.trace_start"() <{level = 10 : i32, message = "ep_wait_in"}> : () -> ()
        %mul3A_266 = arith.constant 128 : i32
        %mul3A_267 = arith.muli %mul3A_266, %add3A_72 : i32
        %rem3A_268 = arith.constant 2 : i32
        %rem3A_269 = arith.remui %scan3A, %rem3A_268 : i32
        %dma_wait3A_270 = arith.constant 0 : i32
        %dma_wait3A_271 = arith.constant 0 : i32
        %dma_wait3A_272 = tpu.memref_slice %run_scoped3A[%rem3A_269, %dma_wait3A_270, %dma_wait3A_271] : memref<2x1x128xi32, #tpu.memory_space<vmem>> -> memref<1x1x128xi32, #tpu.memory_space<vmem>>
        %dma_wait3A_273 = tpu.memref_squeeze %dma_wait3A_272 : memref<1x1x128xi32, #tpu.memory_space<vmem>> -> memref<1x128xi32, #tpu.memory_space<vmem>>
        %dma_wait3A_274 = arith.constant 0 : i32
        %dma_wait3A_275 = tpu.memref_slice %arg3[%dma_wait3A_274, %mul3A_267] : memref<1x4096xi32, #tpu.memory_space<hbm>> -> memref<1x128xi32, #tpu.memory_space<hbm>>
        %dma_wait3A_276 = tpu.memref_slice %run_scoped3A_7[%rem3A_269] : memref<2x!tpu.dma_semaphore, #tpu.memory_space<semaphore_mem>> -> memref<1x!tpu.dma_semaphore, #tpu.memory_space<semaphore_mem>>
        %dma_wait3A_277 = tpu.memref_squeeze %dma_wait3A_276 : memref<1x!tpu.dma_semaphore, #tpu.memory_space<semaphore_mem>> -> memref<!tpu.dma_semaphore, #tpu.memory_space<semaphore_mem>>
        %dma_wait3A_278 = arith.constant 0 : i32
        %dma_wait3A_279 = arith.constant 0 : i32
        %dma_wait3A_280 = tpu.memref_slice %run_scoped3A[%rem3A_269, %dma_wait3A_278, %dma_wait3A_279] : memref<2x1x128xi32, #tpu.memory_space<vmem>> -> memref<1x1x128xi32, #tpu.memory_space<vmem>>
        %dma_wait3A_281 = tpu.memref_squeeze %dma_wait3A_280 : memref<1x1x128xi32, #tpu.memory_space<vmem>> -> memref<1x128xi32, #tpu.memory_space<vmem>>
        %dma_wait3A_282 = arith.constant 0 : i32
        %dma_wait3A_283 = tpu.memref_slice %arg3[%dma_wait3A_282, %mul3A_267] : memref<1x4096xi32, #tpu.memory_space<hbm>> -> memref<1x128xi32, #tpu.memory_space<hbm>>
        tpu.wait_dma2 semaphore(%dma_wait3A_277 : memref<!tpu.dma_semaphore, #tpu.memory_space<semaphore_mem>>) src(%dma_wait3A_283 : memref<1x128xi32, #tpu.memory_space<hbm>>) dst(%dma_wait3A_281 : memref<1x128xi32, #tpu.memory_space<vmem>>)
        "tpu.trace_stop"() : () -> ()
      } else {
      }
      %ne3A_129 = arith.cmpi ne, %add3A_72, %add3A_82 : i32
      %or3A_130 = arith.constant false
      %or3A_131 = arith.ori %or3A_130, %ne3A_129 : i1
      %or3A_132 = arith.constant false
      %or3A_133 = arith.ori %or3A_131, %or3A_132 : i1
      %or3A_134 = arith.ori %or3A_133, %eq3A_68 : i1
      %convert_element_type3A_135 = arith.extui %or3A_134 : i1 to i32
      %cond3A_136 = arith.constant 0 : i32
      %cond3A_137 = arith.cmpi ne, %convert_element_type3A_135, %cond3A_136 : i32
      scf.if %cond3A_137 {
      } else {
      }
      %rem3A_138 = arith.constant 2 : i32
      %rem3A_139 = arith.remui %scan3A, %rem3A_138 : i32
      %rem3A_140 = arith.constant 2 : i32
      %rem3A_141 = arith.remui %scan3A_63, %rem3A_140 : i32
      %run_scoped3A_142 = arith.constant 0 : i32
      "tpu.trace_start"() <{level = 10 : i32, message = "ep_run_kernel"}> : () -> ()
      "tpu.region"() ({
        %run_scoped3A_266 = tpu.sem_alloc : memref<!tpu.dma_semaphore, #tpu.memory_space<semaphore_mem>>
        %dma_start3A_267 = arith.constant 0 : i32
        %dma_start3A_268 = arith.constant 0 : i32
        %dma_start3A_269 = tpu.memref_slice %run_scoped3A_8[%rem3A_141, %dma_start3A_267, %dma_start3A_268] : memref<2x128x128xf32, #tpu.memory_space<vmem>> -> memref<1x128x128xf32, #tpu.memory_space<vmem>>
        %dma_start3A_270 = tpu.memref_squeeze %dma_start3A_269 : memref<1x128x128xf32, #tpu.memory_space<vmem>> -> memref<128x128xf32, #tpu.memory_space<vmem>>
        %dma_start3A_271 = arith.constant 0 : i32
        %dma_start3A_272 = arith.constant 0 : i32
        %dma_start3A_273 = tpu.memref_slice %run_scoped3A[%rem3A_139, %dma_start3A_271, %dma_start3A_272] : memref<2x1x128xi32, #tpu.memory_space<vmem>> -> memref<1x1x128xi32, #tpu.memory_space<vmem>>
        %dma_start3A_274 = tpu.memref_squeeze %dma_start3A_273 : memref<1x1x128xi32, #tpu.memory_space<vmem>> -> memref<1x128xi32, #tpu.memory_space<vmem>>
        %dma_start3A_275 = arith.constant 0 : i32
        %dma_start3A_276 = tpu.memref_slice %dma_start3A_274[%run_scoped3A_142, %dma_start3A_275] : memref<1x128xi32, #tpu.memory_space<vmem>> -> memref<1x128xi32, #tpu.memory_space<vmem>>
        %dma_start3A_277 = tpu.memref_squeeze %dma_start3A_276 : memref<1x128xi32, #tpu.memory_space<vmem>> -> memref<128xi32, #tpu.memory_space<vmem>>
        %dma_start3A_278 = arith.constant 0 : i32
        %dma_start3A_279 = arith.constant 0 : i32
        %dma_start3A_280 = tpu.memref_slice %arg2[%dma_start3A_278, %dma_start3A_279] : memref<16384x128xf32, #tpu.memory_space<hbm>> -> memref<16384x128xf32, #tpu.memory_space<hbm>>
        tpu.enqueue_indirect_dma source(%dma_start3A_280 : memref<16384x128xf32, #tpu.memory_space<hbm>>) target(%dma_start3A_270 : memref<128x128xf32, #tpu.memory_space<vmem>>) offsets(%dma_start3A_277 : memref<128xi32, #tpu.memory_space<vmem>>) semaphore(%run_scoped3A_266 : memref<!tpu.dma_semaphore, #tpu.memory_space<semaphore_mem>>)
        %dma_wait3A_281 = arith.constant 0 : i32
        %dma_wait3A_282 = arith.constant 0 : i32
        %dma_wait3A_283 = tpu.memref_slice %run_scoped3A_8[%rem3A_141, %dma_wait3A_281, %dma_wait3A_282] : memref<2x128x128xf32, #tpu.memory_space<vmem>> -> memref<1x128x128xf32, #tpu.memory_space<vmem>>
        %dma_wait3A_284 = tpu.memref_squeeze %dma_wait3A_283 : memref<1x128x128xf32, #tpu.memory_space<vmem>> -> memref<128x128xf32, #tpu.memory_space<vmem>>
        %dma_wait3A_285 = arith.constant 0 : i32
        %dma_wait3A_286 = arith.constant 0 : i32
        %dma_wait3A_287 = tpu.memref_slice %run_scoped3A[%rem3A_139, %dma_wait3A_285, %dma_wait3A_286] : memref<2x1x128xi32, #tpu.memory_space<vmem>> -> memref<1x1x128xi32, #tpu.memory_space<vmem>>
        %dma_wait3A_288 = tpu.memref_squeeze %dma_wait3A_287 : memref<1x1x128xi32, #tpu.memory_space<vmem>> -> memref<1x128xi32, #tpu.memory_space<vmem>>
        %dma_wait3A_289 = arith.constant 0 : i32
        %dma_wait3A_290 = tpu.memref_slice %dma_wait3A_288[%run_scoped3A_142, %dma_wait3A_289] : memref<1x128xi32, #tpu.memory_space<vmem>> -> memref<1x128xi32, #tpu.memory_space<vmem>>
        %dma_wait3A_291 = tpu.memref_squeeze %dma_wait3A_290 : memref<1x128xi32, #tpu.memory_space<vmem>> -> memref<128xi32, #tpu.memory_space<vmem>>
        %dma_wait3A_292 = arith.constant 0 : i32
        %dma_wait3A_293 = arith.constant 0 : i32
        %dma_wait3A_294 = tpu.memref_slice %arg2[%dma_wait3A_292, %dma_wait3A_293] : memref<16384x128xf32, #tpu.memory_space<hbm>> -> memref<16384x128xf32, #tpu.memory_space<hbm>>
        tpu.wait_indirect_dma semaphore(%run_scoped3A_266 : memref<!tpu.dma_semaphore, #tpu.memory_space<semaphore_mem>>) src(%dma_wait3A_294 : memref<16384x128xf32, #tpu.memory_space<hbm>>) dst(%dma_wait3A_284 : memref<128x128xf32, #tpu.memory_space<vmem>>)
        tpu.yield
      }) : () -> ()
      "tpu.trace_stop"() : () -> ()
      %ne3A_143 = arith.cmpi ne, %add3A_72, %add3A_92 : i32
      %or3A_144 = arith.constant false
      %or3A_145 = arith.ori %or3A_144, %ne3A_143 : i1
      %or3A_146 = arith.ori %or3A_145, %eq3A_70 : i1
      %convert_element_type3A_147 = arith.extui %or3A_146 : i1 to i32
      %cond3A_148 = arith.constant 0 : i32
      %cond3A_149 = arith.cmpi ne, %convert_element_type3A_147, %cond3A_148 : i32
      scf.if %cond3A_149 {
      } else {
      }
      %and3A_150 = arith.constant false
      %and3A_151 = arith.andi %or3A_146, %and3A_150 : i1
      %ne3A_152 = arith.cmpi ne, %add3A_72, %add3A_92 : i32
      %or3A_153 = arith.constant false
      %or3A_154 = arith.ori %or3A_153, %ne3A_152 : i1
      %or3A_155 = arith.constant false
      %or3A_156 = arith.ori %or3A_154, %or3A_155 : i1
      %or3A_157 = arith.ori %or3A_156, %eq3A_70 : i1
      %convert_element_type3A_158 = arith.extui %or3A_157 : i1 to i32
      %cond3A_159 = arith.constant 0 : i32
      %cond3A_160 = arith.cmpi ne, %convert_element_type3A_158, %cond3A_159 : i32
      scf.if %cond3A_160 {
        "tpu.trace_start"() <{level = 10 : i32, message = "ep_copy_out"}> : () -> ()
        %rem3A_266 = arith.constant 2 : i32
        %rem3A_267 = arith.remui %scan3A_63, %rem3A_266 : i32
        %mul3A_268 = arith.constant 128 : i32
        %mul3A_269 = arith.muli %mul3A_268, %add3A_72 : i32
        %dma_start3A_270 = arith.constant 0 : i32
        %dma_start3A_271 = arith.constant 0 : i32
        %dma_start3A_272 = tpu.memref_slice %run_scoped3A_8[%rem3A_267, %dma_start3A_270, %dma_start3A_271] : memref<2x128x128xf32, #tpu.memory_space<vmem>> -> memref<1x128x128xf32, #tpu.memory_space<vmem>>
        %dma_start3A_273 = tpu.memref_squeeze %dma_start3A_272 : memref<1x128x128xf32, #tpu.memory_space<vmem>> -> memref<128x128xf32, #tpu.memory_space<vmem>>
        %dma_start3A_274 = arith.constant 0 : i32
        %dma_start3A_275 = tpu.memref_slice %arg4[%mul3A_269, %dma_start3A_274] : memref<4096x128xf32, #tpu.memory_space<hbm>> -> memref<128x128xf32, #tpu.memory_space<hbm>>
        %dma_start3A_276 = tpu.memref_slice %run_scoped3A_9[%rem3A_267] : memref<2x!tpu.dma_semaphore, #tpu.memory_space<semaphore_mem>> -> memref<1x!tpu.dma_semaphore, #tpu.memory_space<semaphore_mem>>
        %dma_start3A_277 = tpu.memref_squeeze %dma_start3A_276 : memref<1x!tpu.dma_semaphore, #tpu.memory_space<semaphore_mem>> -> memref<!tpu.dma_semaphore, #tpu.memory_space<semaphore_mem>>
        %dma_start3A_278 = arith.constant 0 : i32
        %dma_start3A_279 = tpu.memref_slice %arg4[%mul3A_269, %dma_start3A_278] : memref<4096x128xf32, #tpu.memory_space<hbm>> -> memref<128x128xf32, #tpu.memory_space<hbm>>
        %dma_start3A_280 = arith.constant 0 : i32
        %dma_start3A_281 = arith.constant 0 : i32
        %dma_start3A_282 = tpu.memref_slice %run_scoped3A_8[%rem3A_267, %dma_start3A_280, %dma_start3A_281] : memref<2x128x128xf32, #tpu.memory_space<vmem>> -> memref<1x128x128xf32, #tpu.memory_space<vmem>>
        %dma_start3A_283 = tpu.memref_squeeze %dma_start3A_282 : memref<1x128x128xf32, #tpu.memory_space<vmem>> -> memref<128x128xf32, #tpu.memory_space<vmem>>
        tpu.enqueue_dma source(%dma_start3A_283 : memref<128x128xf32, #tpu.memory_space<vmem>>) target(%dma_start3A_279 : memref<128x128xf32, #tpu.memory_space<hbm>>) target_semaphore(%dma_start3A_277 : memref<!tpu.dma_semaphore, #tpu.memory_space<semaphore_mem>>)
        "tpu.trace_stop"() : () -> ()
      } else {
      }
      %and3A_161 = arith.constant true
      %and3A_162 = arith.andi %or3A_157, %and3A_161 : i1
      %add3A_163 = arith.constant 1 : i32
      %add3A_164 = arith.addi %scan3A_63, %add3A_163 : i32
      %select_n3A_165 = arith.select %and3A_162, %add3A_164, %scan3A_63 : i32
      %ne3A_166 = arith.cmpi ne, %add3A_72, %add3A_82 : i32
      %or3A_167 = arith.constant false
      %or3A_168 = arith.ori %or3A_167, %ne3A_166 : i1
      %not3A_169 = arith.constant true
      %not3A_170 = arith.xori %eq3A_68, %not3A_169 : i1
      %and3A_171 = arith.andi %or3A_168, %not3A_170 : i1
      %convert_element_type3A_172 = arith.extui %and3A_171 : i1 to i32
      %cond3A_173 = arith.constant 0 : i32
      %cond3A_174 = arith.cmpi ne, %convert_element_type3A_172, %cond3A_173 : i32
      scf.if %cond3A_174 {
      } else {
      }
      %and3A_175 = arith.constant false
      %and3A_176 = arith.andi %and3A_171, %and3A_175 : i1
      %ne3A_177 = arith.cmpi ne, %add3A_72, %add3A_82 : i32
      %or3A_178 = arith.constant false
      %or3A_179 = arith.ori %or3A_178, %ne3A_177 : i1
      %or3A_180 = arith.constant false
      %or3A_181 = arith.ori %or3A_179, %or3A_180 : i1
      %not3A_182 = arith.constant true
      %not3A_183 = arith.xori %eq3A_68, %not3A_182 : i1
      %and3A_184 = arith.andi %or3A_181, %not3A_183 : i1
      %convert_element_type3A_185 = arith.extui %and3A_184 : i1 to i32
      %cond3A_186 = arith.constant 0 : i32
      %cond3A_187 = arith.cmpi ne, %convert_element_type3A_185, %cond3A_186 : i32
      scf.if %cond3A_187 {
        "tpu.trace_start"() <{level = 10 : i32, message = "ep_wait_out"}> : () -> ()
        %rem3A_266 = arith.constant 2 : i32
        %rem3A_267 = arith.remui %scan3A_64, %rem3A_266 : i32
        %mul3A_268 = arith.constant 128 : i32
        %mul3A_269 = arith.muli %mul3A_268, %add3A_82 : i32
        %dma_wait3A_270 = arith.constant 0 : i32
        %dma_wait3A_271 = arith.constant 0 : i32
        %dma_wait3A_272 = tpu.memref_slice %run_scoped3A_8[%rem3A_267, %dma_wait3A_270, %dma_wait3A_271] : memref<2x128x128xf32, #tpu.memory_space<vmem>> -> memref<1x128x128xf32, #tpu.memory_space<vmem>>
        %dma_wait3A_273 = tpu.memref_squeeze %dma_wait3A_272 : memref<1x128x128xf32, #tpu.memory_space<vmem>> -> memref<128x128xf32, #tpu.memory_space<vmem>>
        %dma_wait3A_274 = arith.constant 0 : i32
        %dma_wait3A_275 = tpu.memref_slice %arg4[%mul3A_269, %dma_wait3A_274] : memref<4096x128xf32, #tpu.memory_space<hbm>> -> memref<128x128xf32, #tpu.memory_space<hbm>>
        %dma_wait3A_276 = tpu.memref_slice %run_scoped3A_9[%rem3A_267] : memref<2x!tpu.dma_semaphore, #tpu.memory_space<semaphore_mem>> -> memref<1x!tpu.dma_semaphore, #tpu.memory_space<semaphore_mem>>
        %dma_wait3A_277 = tpu.memref_squeeze %dma_wait3A_276 : memref<1x!tpu.dma_semaphore, #tpu.memory_space<semaphore_mem>> -> memref<!tpu.dma_semaphore, #tpu.memory_space<semaphore_mem>>
        %dma_wait3A_278 = arith.constant 0 : i32
        %dma_wait3A_279 = tpu.memref_slice %arg4[%mul3A_269, %dma_wait3A_278] : memref<4096x128xf32, #tpu.memory_space<hbm>> -> memref<128x128xf32, #tpu.memory_space<hbm>>
        %dma_wait3A_280 = arith.constant 0 : i32
        %dma_wait3A_281 = arith.constant 0 : i32
        %dma_wait3A_282 = tpu.memref_slice %run_scoped3A_8[%rem3A_267, %dma_wait3A_280, %dma_wait3A_281] : memref<2x128x128xf32, #tpu.memory_space<vmem>> -> memref<1x128x128xf32, #tpu.memory_space<vmem>>
        %dma_wait3A_283 = tpu.memref_squeeze %dma_wait3A_282 : memref<1x128x128xf32, #tpu.memory_space<vmem>> -> memref<128x128xf32, #tpu.memory_space<vmem>>
        tpu.wait_dma2 semaphore(%dma_wait3A_277 : memref<!tpu.dma_semaphore, #tpu.memory_space<semaphore_mem>>) src(%dma_wait3A_283 : memref<128x128xf32, #tpu.memory_space<vmem>>) dst(%dma_wait3A_279 : memref<128x128xf32, #tpu.memory_space<hbm>>)
        "tpu.trace_stop"() : () -> ()
      } else {
      }
      %and3A_188 = arith.constant true
      %and3A_189 = arith.andi %and3A_184, %and3A_188 : i1
      %add3A_190 = arith.constant 1 : i32
      %add3A_191 = arith.addi %scan3A_64, %add3A_190 : i32
      %select_n3A_192 = arith.select %and3A_189, %add3A_191, %scan3A_64 : i32
      %ne3A_193 = arith.cmpi ne, %add3A_72, %add3A_92 : i32
      %or3A_194 = arith.constant false
      %or3A_195 = arith.ori %or3A_194, %ne3A_193 : i1
      %or3A_196 = arith.ori %or3A_195, %eq3A_70 : i1
      %add3A_197 = arith.constant 1 : i32
      %add3A_198 = arith.addi %scan3A, %add3A_197 : i32
      %select_n3A_199 = arith.select %or3A_196, %add3A_198, %scan3A : i32
      %select_n3A_200 = arith.constant true
      %select_n3A_201 = arith.constant 0 : i32
      %select_n3A_202 = arith.constant 1 : i32
      %select_n3A_203 = arith.select %select_n3A_200, %select_n3A_202, %select_n3A_201 : i32
      %eq3A_204 = arith.constant 1 : i32
      %eq3A_205 = arith.cmpi eq, %select_n3A_203, %eq3A_204 : i32
      %select_n3A_206 = arith.constant 0 : i32
      %select_n3A_207 = arith.select %eq3A_205, %select_n3A_206, %select_n3A_203 : i32
      %scan3A_208 = arith.constant 0 : i32
      %scan3A_209 = arith.constant 1 : i32
      %sub3A = arith.constant 1 : i32
      %sub3A_210 = arith.subi %scan3A_208, %sub3A : i32
      %select_n3A_211 = arith.constant true
      %select_n3A_212 = arith.select %select_n3A_211, %sub3A_210, %scan3A_208 : i32
      %eq3A_213 = arith.constant -1 : i32
      %eq3A_214 = arith.cmpi eq, %select_n3A_212, %eq3A_213 : i32
      %select_n3A_215 = arith.constant 0 : i32
      %select_n3A_216 = arith.select %eq3A_214, %select_n3A_215, %select_n3A_212 : i32
      %add3A_217 = arith.constant 0 : i32
      %add3A_218 = arith.addi %add3A_217, %mul3A_6 : i32
      %select_n3A_219 = arith.constant true
      %select_n3A_220 = arith.constant 0 : i32
      %select_n3A_221 = arith.constant -1 : i32
      %select_n3A_222 = arith.select %select_n3A_219, %select_n3A_221, %select_n3A_220 : i32
      %eq3A_223 = arith.constant -1 : i32
      %eq3A_224 = arith.cmpi eq, %select_n3A_222, %eq3A_223 : i32
      %select_n3A_225 = arith.constant 0 : i32
      %select_n3A_226 = arith.select %eq3A_224, %select_n3A_225, %select_n3A_222 : i32
      %add3A_227 = arith.constant 0 : i32
      %add3A_228 = arith.addi %add3A_227, %mul3A_6 : i32
      %select_n3A_229 = arith.constant true
      %select_n3A_230 = arith.constant 0 : i32
      %select_n3A_231 = arith.constant 1 : i32
      %select_n3A_232 = arith.select %select_n3A_229, %select_n3A_231, %select_n3A_230 : i32
      %eq3A_233 = arith.constant 1 : i32
      %eq3A_234 = arith.cmpi eq, %select_n3A_232, %eq3A_233 : i32
      %select_n3A_235 = arith.constant 0 : i32
      %select_n3A_236 = arith.select %eq3A_234, %select_n3A_235, %select_n3A_232 : i32
      %add3A_237 = arith.constant 0 : i32
      %add3A_238 = arith.addi %add3A_237, %mul3A_6 : i32
      %select_n3A_239 = arith.constant true
      %select_n3A_240 = arith.constant 0 : i32
      %select_n3A_241 = arith.constant 1 : i32
      %select_n3A_242 = arith.select %select_n3A_239, %select_n3A_241, %select_n3A_240 : i32
      %eq3A_243 = arith.constant 1 : i32
      %eq3A_244 = arith.cmpi eq, %select_n3A_242, %eq3A_243 : i32
      %select_n3A_245 = arith.constant 0 : i32
      %select_n3A_246 = arith.select %eq3A_244, %select_n3A_245, %select_n3A_242 : i32
      %add3A_247 = arith.constant 0 : i32
      %add3A_248 = arith.addi %add3A_247, %mul3A_6 : i32
      "tpu.trace_start"() <{level = 10 : i32, message = "ep_finalize"}> : () -> ()
      %rem3A_249 = arith.constant 2 : i32
      %rem3A_250 = arith.remui %select_n3A_192, %rem3A_249 : i32
      %mul3A_251 = arith.constant 128 : i32
      %mul3A_252 = arith.muli %mul3A_251, %add3A_218 : i32
      %dma_wait3A = arith.constant 0 : i32
      %dma_wait3A_253 = arith.constant 0 : i32
      %dma_wait3A_254 = tpu.memref_slice %run_scoped3A_8[%rem3A_250, %dma_wait3A, %dma_wait3A_253] : memref<2x128x128xf32, #tpu.memory_space<vmem>> -> memref<1x128x128xf32, #tpu.memory_space<vmem>>
      %dma_wait3A_255 = tpu.memref_squeeze %dma_wait3A_254 : memref<1x128x128xf32, #tpu.memory_space<vmem>> -> memref<128x128xf32, #tpu.memory_space<vmem>>
      %dma_wait3A_256 = arith.constant 0 : i32
      %dma_wait3A_257 = tpu.memref_slice %arg4[%mul3A_252, %dma_wait3A_256] : memref<4096x128xf32, #tpu.memory_space<hbm>> -> memref<128x128xf32, #tpu.memory_space<hbm>>
      %dma_wait3A_258 = tpu.memref_slice %run_scoped3A_9[%rem3A_250] : memref<2x!tpu.dma_semaphore, #tpu.memory_space<semaphore_mem>> -> memref<1x!tpu.dma_semaphore, #tpu.memory_space<semaphore_mem>>
      %dma_wait3A_259 = tpu.memref_squeeze %dma_wait3A_258 : memref<1x!tpu.dma_semaphore, #tpu.memory_space<semaphore_mem>> -> memref<!tpu.dma_semaphore, #tpu.memory_space<semaphore_mem>>
      %dma_wait3A_260 = arith.constant 0 : i32
      %dma_wait3A_261 = tpu.memref_slice %arg4[%mul3A_252, %dma_wait3A_260] : memref<4096x128xf32, #tpu.memory_space<hbm>> -> memref<128x128xf32, #tpu.memory_space<hbm>>
      %dma_wait3A_262 = arith.constant 0 : i32
      %dma_wait3A_263 = arith.constant 0 : i32
      %dma_wait3A_264 = tpu.memref_slice %run_scoped3A_8[%rem3A_250, %dma_wait3A_262, %dma_wait3A_263] : memref<2x128x128xf32, #tpu.memory_space<vmem>> -> memref<1x128x128xf32, #tpu.memory_space<vmem>>
      %dma_wait3A_265 = tpu.memref_squeeze %dma_wait3A_264 : memref<1x128x128xf32, #tpu.memory_space<vmem>> -> memref<128x128xf32, #tpu.memory_space<vmem>>
      tpu.wait_dma2 semaphore(%dma_wait3A_259 : memref<!tpu.dma_semaphore, #tpu.memory_space<semaphore_mem>>) src(%dma_wait3A_265 : memref<128x128xf32, #tpu.memory_space<vmem>>) dst(%dma_wait3A_261 : memref<128x128xf32, #tpu.memory_space<hbm>>)
      "tpu.trace_stop"() : () -> ()
      tpu.yield
    }) : () -> ()
    return
  }
}

module attributes {stable_mosaic.version = 14 : i64} {
  func.func @_select_kernel(%arg0: memref<64x32768xf32, #tpu.memory_space<vmem>>, %arg1: memref<64x64xi32, #tpu.memory_space<vmem>>) attributes {dimension_semantics = [], scalar_prefetch = 0 : i64, scratch_operands = 0 : i64, tpu.core_type = #tpu.core_type<tc>} {
    %get3A = arith.constant 0 : index
    %get3A_0 = arith.constant 0 : index
    %get3A_1 = vector.load %arg0[%get3A, %get3A_0] : memref<64x32768xf32, #tpu.memory_space<vmem>>, vector<64x32768xf32>
    %reshape3A = vector.shape_cast %get3A_1 : vector<64x32768xf32> to vector<16384x128xf32>
    %reduce_max3A = arith.constant dense<0xFF800000> : vector<16384xf32>
    %reduce_max3A_2 = vector.multi_reduction <maximumf>, %reshape3A, %reduce_max3A [1] : vector<16384x128xf32> to vector<16384xf32>
    %reshape3A_3 = vector.shape_cast %reduce_max3A_2 : vector<16384xf32> to vector<64x256xf32>
    %bitcast_convert_type3A = tpu.bitcast %reshape3A_3 : vector<64x256xf32> -> vector<64x256xi32>
    %ge3A = arith.constant 0 : i32
    %ge3A_4 = vector.broadcast %ge3A : i32 to vector<64x256xi32>
    %ge3A_5 = arith.cmpi sge, %bitcast_convert_type3A, %ge3A_4 : vector<64x256xi32>
    %xor3A = arith.constant 2147483647 : i32
    %xor3A_6 = vector.broadcast %xor3A : i32 to vector<64x256xi32>
    %xor3A_7 = arith.xori %bitcast_convert_type3A, %xor3A_6 : vector<64x256xi32>
    %select_n3A = arith.select %ge3A_5, %bitcast_convert_type3A, %xor3A_7 : vector<64x256xi1>, vector<64x256xi32>
    %iota3A = tpu.iota {dimensions = array<i32: 1>} : vector<64x256xi32>
    %iota3A_8 = tpu.iota {dimensions = array<i32: 1>} : vector<64x256xi32>
    %shift_right_arithmetic3A = arith.constant 1 : i32
    %shift_right_arithmetic3A_9 = vector.broadcast %shift_right_arithmetic3A : i32 to vector<64x256xi32>
    %shift_right_arithmetic3A_10 = arith.shrsi %iota3A_8, %shift_right_arithmetic3A_9 : vector<64x256xi32>
    %and3A = arith.constant 1 : i32
    %and3A_11 = vector.broadcast %and3A : i32 to vector<64x256xi32>
    %and3A_12 = arith.andi %shift_right_arithmetic3A_10, %and3A_11 : vector<64x256xi32>
    %eq3A = arith.constant 1 : i32
    %eq3A_13 = vector.broadcast %eq3A : i32 to vector<64x256xi32>
    %eq3A_14 = arith.cmpi eq, %and3A_12, %eq3A_13 : vector<64x256xi32>
    %and3A_15 = arith.constant 1 : i32
    %and3A_16 = vector.broadcast %and3A_15 : i32 to vector<64x256xi32>
    %and3A_17 = arith.andi %iota3A_8, %and3A_16 : vector<64x256xi32>
    %eq3A_18 = arith.constant 0 : i32
    %eq3A_19 = vector.broadcast %eq3A_18 : i32 to vector<64x256xi32>
    %eq3A_20 = arith.cmpi eq, %and3A_17, %eq3A_19 : vector<64x256xi32>
    %slice3A = vector.extract_strided_slice %select_n3A {offsets = [0, 1], sizes = [64, 255], strides = [1, 1]} : vector<64x256xi32> to vector<64x255xi32>
    %slice3A_21 = vector.extract_strided_slice %select_n3A {offsets = [0, 0], sizes = [64, 1], strides = [1, 1]} : vector<64x256xi32> to vector<64x1xi32>
    %concatenate3A = tpu.concatenate %slice3A, %slice3A_21 in 1 : vector<64x255xi32>, vector<64x1xi32> -> vector<64x256xi32>
    %slice3A_22 = vector.extract_strided_slice %select_n3A {offsets = [0, 255], sizes = [64, 1], strides = [1, 1]} : vector<64x256xi32> to vector<64x1xi32>
    %slice3A_23 = vector.extract_strided_slice %select_n3A {offsets = [0, 0], sizes = [64, 255], strides = [1, 1]} : vector<64x256xi32> to vector<64x255xi32>
    %concatenate3A_24 = tpu.concatenate %slice3A_22, %slice3A_23 in 1 : vector<64x1xi32>, vector<64x255xi32> -> vector<64x256xi32>
    %select_n3A_25 = arith.select %eq3A_20, %concatenate3A, %concatenate3A_24 : vector<64x256xi1>, vector<64x256xi32>
    %slice3A_26 = vector.extract_strided_slice %iota3A {offsets = [0, 1], sizes = [64, 255], strides = [1, 1]} : vector<64x256xi32> to vector<64x255xi32>
    %slice3A_27 = vector.extract_strided_slice %iota3A {offsets = [0, 0], sizes = [64, 1], strides = [1, 1]} : vector<64x256xi32> to vector<64x1xi32>
    %concatenate3A_28 = tpu.concatenate %slice3A_26, %slice3A_27 in 1 : vector<64x255xi32>, vector<64x1xi32> -> vector<64x256xi32>
    %slice3A_29 = vector.extract_strided_slice %iota3A {offsets = [0, 255], sizes = [64, 1], strides = [1, 1]} : vector<64x256xi32> to vector<64x1xi32>
    %slice3A_30 = vector.extract_strided_slice %iota3A {offsets = [0, 0], sizes = [64, 255], strides = [1, 1]} : vector<64x256xi32> to vector<64x255xi32>
    %concatenate3A_31 = tpu.concatenate %slice3A_29, %slice3A_30 in 1 : vector<64x1xi32>, vector<64x255xi32> -> vector<64x256xi32>
    %select_n3A_32 = arith.select %eq3A_20, %concatenate3A_28, %concatenate3A_31 : vector<64x256xi1>, vector<64x256xi32>
    %gt3A = arith.cmpi sgt, %select_n3A, %select_n3A_25 : vector<64x256xi32>
    %eq3A_33 = arith.cmpi eq, %select_n3A, %select_n3A_25 : vector<64x256xi32>
    %lt3A = arith.cmpi slt, %iota3A, %select_n3A_32 : vector<64x256xi32>
    %and3A_34 = arith.andi %eq3A_33, %lt3A : vector<64x256xi1>
    %or3A = arith.ori %gt3A, %and3A_34 : vector<64x256xi1>
    %ne3A = arith.xori %eq3A_20, %eq3A_14 : vector<64x256xi1>
    %eq3A_35 = arith.xori %ne3A, %or3A : vector<64x256xi1>
    %eq3A_36 = arith.constant dense<true> : vector<64x256xi1>
    %eq3A_37 = arith.xori %eq3A_35, %eq3A_36 : vector<64x256xi1>
    %select_n3A_38 = arith.select %eq3A_37, %select_n3A, %select_n3A_25 : vector<64x256xi1>, vector<64x256xi32>
    %select_n3A_39 = arith.select %eq3A_37, %iota3A, %select_n3A_32 : vector<64x256xi1>, vector<64x256xi32>
    %shift_right_arithmetic3A_40 = arith.constant 2 : i32
    %shift_right_arithmetic3A_41 = vector.broadcast %shift_right_arithmetic3A_40 : i32 to vector<64x256xi32>
    %shift_right_arithmetic3A_42 = arith.shrsi %iota3A_8, %shift_right_arithmetic3A_41 : vector<64x256xi32>
    %and3A_43 = arith.constant 1 : i32
    %and3A_44 = vector.broadcast %and3A_43 : i32 to vector<64x256xi32>
    %and3A_45 = arith.andi %shift_right_arithmetic3A_42, %and3A_44 : vector<64x256xi32>
    %eq3A_46 = arith.constant 1 : i32
    %eq3A_47 = vector.broadcast %eq3A_46 : i32 to vector<64x256xi32>
    %eq3A_48 = arith.cmpi eq, %and3A_45, %eq3A_47 : vector<64x256xi32>
    %and3A_49 = arith.constant 2 : i32
    %and3A_50 = vector.broadcast %and3A_49 : i32 to vector<64x256xi32>
    %and3A_51 = arith.andi %iota3A_8, %and3A_50 : vector<64x256xi32>
    %eq3A_52 = arith.constant 0 : i32
    %eq3A_53 = vector.broadcast %eq3A_52 : i32 to vector<64x256xi32>
    %eq3A_54 = arith.cmpi eq, %and3A_51, %eq3A_53 : vector<64x256xi32>
    %slice3A_55 = vector.extract_strided_slice %select_n3A_38 {offsets = [0, 2], sizes = [64, 254], strides = [1, 1]} : vector<64x256xi32> to vector<64x254xi32>
    %slice3A_56 = vector.extract_strided_slice %select_n3A_38 {offsets = [0, 0], sizes = [64, 2], strides = [1, 1]} : vector<64x256xi32> to vector<64x2xi32>
    %concatenate3A_57 = tpu.concatenate %slice3A_55, %slice3A_56 in 1 : vector<64x254xi32>, vector<64x2xi32> -> vector<64x256xi32>
    %slice3A_58 = vector.extract_strided_slice %select_n3A_38 {offsets = [0, 254], sizes = [64, 2], strides = [1, 1]} : vector<64x256xi32> to vector<64x2xi32>
    %slice3A_59 = vector.extract_strided_slice %select_n3A_38 {offsets = [0, 0], sizes = [64, 254], strides = [1, 1]} : vector<64x256xi32> to vector<64x254xi32>
    %concatenate3A_60 = tpu.concatenate %slice3A_58, %slice3A_59 in 1 : vector<64x2xi32>, vector<64x254xi32> -> vector<64x256xi32>
    %select_n3A_61 = arith.select %eq3A_54, %concatenate3A_57, %concatenate3A_60 : vector<64x256xi1>, vector<64x256xi32>
    %slice3A_62 = vector.extract_strided_slice %select_n3A_39 {offsets = [0, 2], sizes = [64, 254], strides = [1, 1]} : vector<64x256xi32> to vector<64x254xi32>
    %slice3A_63 = vector.extract_strided_slice %select_n3A_39 {offsets = [0, 0], sizes = [64, 2], strides = [1, 1]} : vector<64x256xi32> to vector<64x2xi32>
    %concatenate3A_64 = tpu.concatenate %slice3A_62, %slice3A_63 in 1 : vector<64x254xi32>, vector<64x2xi32> -> vector<64x256xi32>
    %slice3A_65 = vector.extract_strided_slice %select_n3A_39 {offsets = [0, 254], sizes = [64, 2], strides = [1, 1]} : vector<64x256xi32> to vector<64x2xi32>
    %slice3A_66 = vector.extract_strided_slice %select_n3A_39 {offsets = [0, 0], sizes = [64, 254], strides = [1, 1]} : vector<64x256xi32> to vector<64x254xi32>
    %concatenate3A_67 = tpu.concatenate %slice3A_65, %slice3A_66 in 1 : vector<64x2xi32>, vector<64x254xi32> -> vector<64x256xi32>
    %select_n3A_68 = arith.select %eq3A_54, %concatenate3A_64, %concatenate3A_67 : vector<64x256xi1>, vector<64x256xi32>
    %gt3A_69 = arith.cmpi sgt, %select_n3A_38, %select_n3A_61 : vector<64x256xi32>
    %eq3A_70 = arith.cmpi eq, %select_n3A_38, %select_n3A_61 : vector<64x256xi32>
    %lt3A_71 = arith.cmpi slt, %select_n3A_39, %select_n3A_68 : vector<64x256xi32>
    %and3A_72 = arith.andi %eq3A_70, %lt3A_71 : vector<64x256xi1>
    %or3A_73 = arith.ori %gt3A_69, %and3A_72 : vector<64x256xi1>
    %ne3A_74 = arith.xori %eq3A_54, %eq3A_48 : vector<64x256xi1>
    %eq3A_75 = arith.xori %ne3A_74, %or3A_73 : vector<64x256xi1>
    %eq3A_76 = arith.constant dense<true> : vector<64x256xi1>
    %eq3A_77 = arith.xori %eq3A_75, %eq3A_76 : vector<64x256xi1>
    %select_n3A_78 = arith.select %eq3A_77, %select_n3A_38, %select_n3A_61 : vector<64x256xi1>, vector<64x256xi32>
    %select_n3A_79 = arith.select %eq3A_77, %select_n3A_39, %select_n3A_68 : vector<64x256xi1>, vector<64x256xi32>
    %and3A_80 = arith.constant 1 : i32
    %and3A_81 = vector.broadcast %and3A_80 : i32 to vector<64x256xi32>
    %and3A_82 = arith.andi %iota3A_8, %and3A_81 : vector<64x256xi32>
    %eq3A_83 = arith.constant 0 : i32
    %eq3A_84 = vector.broadcast %eq3A_83 : i32 to vector<64x256xi32>
    %eq3A_85 = arith.cmpi eq, %and3A_82, %eq3A_84 : vector<64x256xi32>
    %slice3A_86 = vector.extract_strided_slice %select_n3A_78 {offsets = [0, 1], sizes = [64, 255], strides = [1, 1]} : vector<64x256xi32> to vector<64x255xi32>
    %slice3A_87 = vector.extract_strided_slice %select_n3A_78 {offsets = [0, 0], sizes = [64, 1], strides = [1, 1]} : vector<64x256xi32> to vector<64x1xi32>
    %concatenate3A_88 = tpu.concatenate %slice3A_86, %slice3A_87 in 1 : vector<64x255xi32>, vector<64x1xi32> -> vector<64x256xi32>
    %slice3A_89 = vector.extract_strided_slice %select_n3A_78 {offsets = [0, 255], sizes = [64, 1], strides = [1, 1]} : vector<64x256xi32> to vector<64x1xi32>
    %slice3A_90 = vector.extract_strided_slice %select_n3A_78 {offsets = [0, 0], sizes = [64, 255], strides = [1, 1]} : vector<64x256xi32> to vector<64x255xi32>
    %concatenate3A_91 = tpu.concatenate %slice3A_89, %slice3A_90 in 1 : vector<64x1xi32>, vector<64x255xi32> -> vector<64x256xi32>
    %select_n3A_92 = arith.select %eq3A_85, %concatenate3A_88, %concatenate3A_91 : vector<64x256xi1>, vector<64x256xi32>
    %slice3A_93 = vector.extract_strided_slice %select_n3A_79 {offsets = [0, 1], sizes = [64, 255], strides = [1, 1]} : vector<64x256xi32> to vector<64x255xi32>
    %slice3A_94 = vector.extract_strided_slice %select_n3A_79 {offsets = [0, 0], sizes = [64, 1], strides = [1, 1]} : vector<64x256xi32> to vector<64x1xi32>
    %concatenate3A_95 = tpu.concatenate %slice3A_93, %slice3A_94 in 1 : vector<64x255xi32>, vector<64x1xi32> -> vector<64x256xi32>
    %slice3A_96 = vector.extract_strided_slice %select_n3A_79 {offsets = [0, 255], sizes = [64, 1], strides = [1, 1]} : vector<64x256xi32> to vector<64x1xi32>
    %slice3A_97 = vector.extract_strided_slice %select_n3A_79 {offsets = [0, 0], sizes = [64, 255], strides = [1, 1]} : vector<64x256xi32> to vector<64x255xi32>
    %concatenate3A_98 = tpu.concatenate %slice3A_96, %slice3A_97 in 1 : vector<64x1xi32>, vector<64x255xi32> -> vector<64x256xi32>
    %select_n3A_99 = arith.select %eq3A_85, %concatenate3A_95, %concatenate3A_98 : vector<64x256xi1>, vector<64x256xi32>
    %gt3A_100 = arith.cmpi sgt, %select_n3A_78, %select_n3A_92 : vector<64x256xi32>
    %eq3A_101 = arith.cmpi eq, %select_n3A_78, %select_n3A_92 : vector<64x256xi32>
    %lt3A_102 = arith.cmpi slt, %select_n3A_79, %select_n3A_99 : vector<64x256xi32>
    %and3A_103 = arith.andi %eq3A_101, %lt3A_102 : vector<64x256xi1>
    %or3A_104 = arith.ori %gt3A_100, %and3A_103 : vector<64x256xi1>
    %ne3A_105 = arith.xori %eq3A_85, %eq3A_48 : vector<64x256xi1>
    %eq3A_106 = arith.xori %ne3A_105, %or3A_104 : vector<64x256xi1>
    %eq3A_107 = arith.constant dense<true> : vector<64x256xi1>
    %eq3A_108 = arith.xori %eq3A_106, %eq3A_107 : vector<64x256xi1>
    %select_n3A_109 = arith.select %eq3A_108, %select_n3A_78, %select_n3A_92 : vector<64x256xi1>, vector<64x256xi32>
    %select_n3A_110 = arith.select %eq3A_108, %select_n3A_79, %select_n3A_99 : vector<64x256xi1>, vector<64x256xi32>
    %shift_right_arithmetic3A_111 = arith.constant 3 : i32
    %shift_right_arithmetic3A_112 = vector.broadcast %shift_right_arithmetic3A_111 : i32 to vector<64x256xi32>
    %shift_right_arithmetic3A_113 = arith.shrsi %iota3A_8, %shift_right_arithmetic3A_112 : vector<64x256xi32>
    %and3A_114 = arith.constant 1 : i32
    %and3A_115 = vector.broadcast %and3A_114 : i32 to vector<64x256xi32>
    %and3A_116 = arith.andi %shift_right_arithmetic3A_113, %and3A_115 : vector<64x256xi32>
    %eq3A_117 = arith.constant 1 : i32
    %eq3A_118 = vector.broadcast %eq3A_117 : i32 to vector<64x256xi32>
    %eq3A_119 = arith.cmpi eq, %and3A_116, %eq3A_118 : vector<64x256xi32>
    %and3A_120 = arith.constant 4 : i32
    %and3A_121 = vector.broadcast %and3A_120 : i32 to vector<64x256xi32>
    %and3A_122 = arith.andi %iota3A_8, %and3A_121 : vector<64x256xi32>
    %eq3A_123 = arith.constant 0 : i32
    %eq3A_124 = vector.broadcast %eq3A_123 : i32 to vector<64x256xi32>
    %eq3A_125 = arith.cmpi eq, %and3A_122, %eq3A_124 : vector<64x256xi32>
    %slice3A_126 = vector.extract_strided_slice %select_n3A_109 {offsets = [0, 4], sizes = [64, 252], strides = [1, 1]} : vector<64x256xi32> to vector<64x252xi32>
    %slice3A_127 = vector.extract_strided_slice %select_n3A_109 {offsets = [0, 0], sizes = [64, 4], strides = [1, 1]} : vector<64x256xi32> to vector<64x4xi32>
    %concatenate3A_128 = tpu.concatenate %slice3A_126, %slice3A_127 in 1 : vector<64x252xi32>, vector<64x4xi32> -> vector<64x256xi32>
    %slice3A_129 = vector.extract_strided_slice %select_n3A_109 {offsets = [0, 252], sizes = [64, 4], strides = [1, 1]} : vector<64x256xi32> to vector<64x4xi32>
    %slice3A_130 = vector.extract_strided_slice %select_n3A_109 {offsets = [0, 0], sizes = [64, 252], strides = [1, 1]} : vector<64x256xi32> to vector<64x252xi32>
    %concatenate3A_131 = tpu.concatenate %slice3A_129, %slice3A_130 in 1 : vector<64x4xi32>, vector<64x252xi32> -> vector<64x256xi32>
    %select_n3A_132 = arith.select %eq3A_125, %concatenate3A_128, %concatenate3A_131 : vector<64x256xi1>, vector<64x256xi32>
    %slice3A_133 = vector.extract_strided_slice %select_n3A_110 {offsets = [0, 4], sizes = [64, 252], strides = [1, 1]} : vector<64x256xi32> to vector<64x252xi32>
    %slice3A_134 = vector.extract_strided_slice %select_n3A_110 {offsets = [0, 0], sizes = [64, 4], strides = [1, 1]} : vector<64x256xi32> to vector<64x4xi32>
    %concatenate3A_135 = tpu.concatenate %slice3A_133, %slice3A_134 in 1 : vector<64x252xi32>, vector<64x4xi32> -> vector<64x256xi32>
    %slice3A_136 = vector.extract_strided_slice %select_n3A_110 {offsets = [0, 252], sizes = [64, 4], strides = [1, 1]} : vector<64x256xi32> to vector<64x4xi32>
    %slice3A_137 = vector.extract_strided_slice %select_n3A_110 {offsets = [0, 0], sizes = [64, 252], strides = [1, 1]} : vector<64x256xi32> to vector<64x252xi32>
    %concatenate3A_138 = tpu.concatenate %slice3A_136, %slice3A_137 in 1 : vector<64x4xi32>, vector<64x252xi32> -> vector<64x256xi32>
    %select_n3A_139 = arith.select %eq3A_125, %concatenate3A_135, %concatenate3A_138 : vector<64x256xi1>, vector<64x256xi32>
    %gt3A_140 = arith.cmpi sgt, %select_n3A_109, %select_n3A_132 : vector<64x256xi32>
    %eq3A_141 = arith.cmpi eq, %select_n3A_109, %select_n3A_132 : vector<64x256xi32>
    %lt3A_142 = arith.cmpi slt, %select_n3A_110, %select_n3A_139 : vector<64x256xi32>
    %and3A_143 = arith.andi %eq3A_141, %lt3A_142 : vector<64x256xi1>
    %or3A_144 = arith.ori %gt3A_140, %and3A_143 : vector<64x256xi1>
    %ne3A_145 = arith.xori %eq3A_125, %eq3A_119 : vector<64x256xi1>
    %eq3A_146 = arith.xori %ne3A_145, %or3A_144 : vector<64x256xi1>
    %eq3A_147 = arith.constant dense<true> : vector<64x256xi1>
    %eq3A_148 = arith.xori %eq3A_146, %eq3A_147 : vector<64x256xi1>
    %select_n3A_149 = arith.select %eq3A_148, %select_n3A_109, %select_n3A_132 : vector<64x256xi1>, vector<64x256xi32>
    %select_n3A_150 = arith.select %eq3A_148, %select_n3A_110, %select_n3A_139 : vector<64x256xi1>, vector<64x256xi32>
    %and3A_151 = arith.constant 2 : i32
    %and3A_152 = vector.broadcast %and3A_151 : i32 to vector<64x256xi32>
    %and3A_153 = arith.andi %iota3A_8, %and3A_152 : vector<64x256xi32>
    %eq3A_154 = arith.constant 0 : i32
    %eq3A_155 = vector.broadcast %eq3A_154 : i32 to vector<64x256xi32>
    %eq3A_156 = arith.cmpi eq, %and3A_153, %eq3A_155 : vector<64x256xi32>
    %slice3A_157 = vector.extract_strided_slice %select_n3A_149 {offsets = [0, 2], sizes = [64, 254], strides = [1, 1]} : vector<64x256xi32> to vector<64x254xi32>
    %slice3A_158 = vector.extract_strided_slice %select_n3A_149 {offsets = [0, 0], sizes = [64, 2], strides = [1, 1]} : vector<64x256xi32> to vector<64x2xi32>
    %concatenate3A_159 = tpu.concatenate %slice3A_157, %slice3A_158 in 1 : vector<64x254xi32>, vector<64x2xi32> -> vector<64x256xi32>
    %slice3A_160 = vector.extract_strided_slice %select_n3A_149 {offsets = [0, 254], sizes = [64, 2], strides = [1, 1]} : vector<64x256xi32> to vector<64x2xi32>
    %slice3A_161 = vector.extract_strided_slice %select_n3A_149 {offsets = [0, 0], sizes = [64, 254], strides = [1, 1]} : vector<64x256xi32> to vector<64x254xi32>
    %concatenate3A_162 = tpu.concatenate %slice3A_160, %slice3A_161 in 1 : vector<64x2xi32>, vector<64x254xi32> -> vector<64x256xi32>
    %select_n3A_163 = arith.select %eq3A_156, %concatenate3A_159, %concatenate3A_162 : vector<64x256xi1>, vector<64x256xi32>
    %slice3A_164 = vector.extract_strided_slice %select_n3A_150 {offsets = [0, 2], sizes = [64, 254], strides = [1, 1]} : vector<64x256xi32> to vector<64x254xi32>
    %slice3A_165 = vector.extract_strided_slice %select_n3A_150 {offsets = [0, 0], sizes = [64, 2], strides = [1, 1]} : vector<64x256xi32> to vector<64x2xi32>
    %concatenate3A_166 = tpu.concatenate %slice3A_164, %slice3A_165 in 1 : vector<64x254xi32>, vector<64x2xi32> -> vector<64x256xi32>
    %slice3A_167 = vector.extract_strided_slice %select_n3A_150 {offsets = [0, 254], sizes = [64, 2], strides = [1, 1]} : vector<64x256xi32> to vector<64x2xi32>
    %slice3A_168 = vector.extract_strided_slice %select_n3A_150 {offsets = [0, 0], sizes = [64, 254], strides = [1, 1]} : vector<64x256xi32> to vector<64x254xi32>
    %concatenate3A_169 = tpu.concatenate %slice3A_167, %slice3A_168 in 1 : vector<64x2xi32>, vector<64x254xi32> -> vector<64x256xi32>
    %select_n3A_170 = arith.select %eq3A_156, %concatenate3A_166, %concatenate3A_169 : vector<64x256xi1>, vector<64x256xi32>
    %gt3A_171 = arith.cmpi sgt, %select_n3A_149, %select_n3A_163 : vector<64x256xi32>
    %eq3A_172 = arith.cmpi eq, %select_n3A_149, %select_n3A_163 : vector<64x256xi32>
    %lt3A_173 = arith.cmpi slt, %select_n3A_150, %select_n3A_170 : vector<64x256xi32>
    %and3A_174 = arith.andi %eq3A_172, %lt3A_173 : vector<64x256xi1>
    %or3A_175 = arith.ori %gt3A_171, %and3A_174 : vector<64x256xi1>
    %ne3A_176 = arith.xori %eq3A_156, %eq3A_119 : vector<64x256xi1>
    %eq3A_177 = arith.xori %ne3A_176, %or3A_175 : vector<64x256xi1>
    %eq3A_178 = arith.constant dense<true> : vector<64x256xi1>
    %eq3A_179 = arith.xori %eq3A_177, %eq3A_178 : vector<64x256xi1>
    %select_n3A_180 = arith.select %eq3A_179, %select_n3A_149, %select_n3A_163 : vector<64x256xi1>, vector<64x256xi32>
    %select_n3A_181 = arith.select %eq3A_179, %select_n3A_150, %select_n3A_170 : vector<64x256xi1>, vector<64x256xi32>
    %and3A_182 = arith.constant 1 : i32
    %and3A_183 = vector.broadcast %and3A_182 : i32 to vector<64x256xi32>
    %and3A_184 = arith.andi %iota3A_8, %and3A_183 : vector<64x256xi32>
    %eq3A_185 = arith.constant 0 : i32
    %eq3A_186 = vector.broadcast %eq3A_185 : i32 to vector<64x256xi32>
    %eq3A_187 = arith.cmpi eq, %and3A_184, %eq3A_186 : vector<64x256xi32>
    %slice3A_188 = vector.extract_strided_slice %select_n3A_180 {offsets = [0, 1], sizes = [64, 255], strides = [1, 1]} : vector<64x256xi32> to vector<64x255xi32>
    %slice3A_189 = vector.extract_strided_slice %select_n3A_180 {offsets = [0, 0], sizes = [64, 1], strides = [1, 1]} : vector<64x256xi32> to vector<64x1xi32>
    %concatenate3A_190 = tpu.concatenate %slice3A_188, %slice3A_189 in 1 : vector<64x255xi32>, vector<64x1xi32> -> vector<64x256xi32>
    %slice3A_191 = vector.extract_strided_slice %select_n3A_180 {offsets = [0, 255], sizes = [64, 1], strides = [1, 1]} : vector<64x256xi32> to vector<64x1xi32>
    %slice3A_192 = vector.extract_strided_slice %select_n3A_180 {offsets = [0, 0], sizes = [64, 255], strides = [1, 1]} : vector<64x256xi32> to vector<64x255xi32>
    %concatenate3A_193 = tpu.concatenate %slice3A_191, %slice3A_192 in 1 : vector<64x1xi32>, vector<64x255xi32> -> vector<64x256xi32>
    %select_n3A_194 = arith.select %eq3A_187, %concatenate3A_190, %concatenate3A_193 : vector<64x256xi1>, vector<64x256xi32>
    %slice3A_195 = vector.extract_strided_slice %select_n3A_181 {offsets = [0, 1], sizes = [64, 255], strides = [1, 1]} : vector<64x256xi32> to vector<64x255xi32>
    %slice3A_196 = vector.extract_strided_slice %select_n3A_181 {offsets = [0, 0], sizes = [64, 1], strides = [1, 1]} : vector<64x256xi32> to vector<64x1xi32>
    %concatenate3A_197 = tpu.concatenate %slice3A_195, %slice3A_196 in 1 : vector<64x255xi32>, vector<64x1xi32> -> vector<64x256xi32>
    %slice3A_198 = vector.extract_strided_slice %select_n3A_181 {offsets = [0, 255], sizes = [64, 1], strides = [1, 1]} : vector<64x256xi32> to vector<64x1xi32>
    %slice3A_199 = vector.extract_strided_slice %select_n3A_181 {offsets = [0, 0], sizes = [64, 255], strides = [1, 1]} : vector<64x256xi32> to vector<64x255xi32>
    %concatenate3A_200 = tpu.concatenate %slice3A_198, %slice3A_199 in 1 : vector<64x1xi32>, vector<64x255xi32> -> vector<64x256xi32>
    %select_n3A_201 = arith.select %eq3A_187, %concatenate3A_197, %concatenate3A_200 : vector<64x256xi1>, vector<64x256xi32>
    %gt3A_202 = arith.cmpi sgt, %select_n3A_180, %select_n3A_194 : vector<64x256xi32>
    %eq3A_203 = arith.cmpi eq, %select_n3A_180, %select_n3A_194 : vector<64x256xi32>
    %lt3A_204 = arith.cmpi slt, %select_n3A_181, %select_n3A_201 : vector<64x256xi32>
    %and3A_205 = arith.andi %eq3A_203, %lt3A_204 : vector<64x256xi1>
    %or3A_206 = arith.ori %gt3A_202, %and3A_205 : vector<64x256xi1>
    %ne3A_207 = arith.xori %eq3A_187, %eq3A_119 : vector<64x256xi1>
    %eq3A_208 = arith.xori %ne3A_207, %or3A_206 : vector<64x256xi1>
    %eq3A_209 = arith.constant dense<true> : vector<64x256xi1>
    %eq3A_210 = arith.xori %eq3A_208, %eq3A_209 : vector<64x256xi1>
    %select_n3A_211 = arith.select %eq3A_210, %select_n3A_180, %select_n3A_194 : vector<64x256xi1>, vector<64x256xi32>
    %select_n3A_212 = arith.select %eq3A_210, %select_n3A_181, %select_n3A_201 : vector<64x256xi1>, vector<64x256xi32>
    %shift_right_arithmetic3A_213 = arith.constant 4 : i32
    %shift_right_arithmetic3A_214 = vector.broadcast %shift_right_arithmetic3A_213 : i32 to vector<64x256xi32>
    %shift_right_arithmetic3A_215 = arith.shrsi %iota3A_8, %shift_right_arithmetic3A_214 : vector<64x256xi32>
    %and3A_216 = arith.constant 1 : i32
    %and3A_217 = vector.broadcast %and3A_216 : i32 to vector<64x256xi32>
    %and3A_218 = arith.andi %shift_right_arithmetic3A_215, %and3A_217 : vector<64x256xi32>
    %eq3A_219 = arith.constant 1 : i32
    %eq3A_220 = vector.broadcast %eq3A_219 : i32 to vector<64x256xi32>
    %eq3A_221 = arith.cmpi eq, %and3A_218, %eq3A_220 : vector<64x256xi32>
    %and3A_222 = arith.constant 8 : i32
    %and3A_223 = vector.broadcast %and3A_222 : i32 to vector<64x256xi32>
    %and3A_224 = arith.andi %iota3A_8, %and3A_223 : vector<64x256xi32>
    %eq3A_225 = arith.constant 0 : i32
    %eq3A_226 = vector.broadcast %eq3A_225 : i32 to vector<64x256xi32>
    %eq3A_227 = arith.cmpi eq, %and3A_224, %eq3A_226 : vector<64x256xi32>
    %slice3A_228 = vector.extract_strided_slice %select_n3A_211 {offsets = [0, 8], sizes = [64, 248], strides = [1, 1]} : vector<64x256xi32> to vector<64x248xi32>
    %slice3A_229 = vector.extract_strided_slice %select_n3A_211 {offsets = [0, 0], sizes = [64, 8], strides = [1, 1]} : vector<64x256xi32> to vector<64x8xi32>
    %concatenate3A_230 = tpu.concatenate %slice3A_228, %slice3A_229 in 1 : vector<64x248xi32>, vector<64x8xi32> -> vector<64x256xi32>
    %slice3A_231 = vector.extract_strided_slice %select_n3A_211 {offsets = [0, 248], sizes = [64, 8], strides = [1, 1]} : vector<64x256xi32> to vector<64x8xi32>
    %slice3A_232 = vector.extract_strided_slice %select_n3A_211 {offsets = [0, 0], sizes = [64, 248], strides = [1, 1]} : vector<64x256xi32> to vector<64x248xi32>
    %concatenate3A_233 = tpu.concatenate %slice3A_231, %slice3A_232 in 1 : vector<64x8xi32>, vector<64x248xi32> -> vector<64x256xi32>
    %select_n3A_234 = arith.select %eq3A_227, %concatenate3A_230, %concatenate3A_233 : vector<64x256xi1>, vector<64x256xi32>
    %slice3A_235 = vector.extract_strided_slice %select_n3A_212 {offsets = [0, 8], sizes = [64, 248], strides = [1, 1]} : vector<64x256xi32> to vector<64x248xi32>
    %slice3A_236 = vector.extract_strided_slice %select_n3A_212 {offsets = [0, 0], sizes = [64, 8], strides = [1, 1]} : vector<64x256xi32> to vector<64x8xi32>
    %concatenate3A_237 = tpu.concatenate %slice3A_235, %slice3A_236 in 1 : vector<64x248xi32>, vector<64x8xi32> -> vector<64x256xi32>
    %slice3A_238 = vector.extract_strided_slice %select_n3A_212 {offsets = [0, 248], sizes = [64, 8], strides = [1, 1]} : vector<64x256xi32> to vector<64x8xi32>
    %slice3A_239 = vector.extract_strided_slice %select_n3A_212 {offsets = [0, 0], sizes = [64, 248], strides = [1, 1]} : vector<64x256xi32> to vector<64x248xi32>
    %concatenate3A_240 = tpu.concatenate %slice3A_238, %slice3A_239 in 1 : vector<64x8xi32>, vector<64x248xi32> -> vector<64x256xi32>
    %select_n3A_241 = arith.select %eq3A_227, %concatenate3A_237, %concatenate3A_240 : vector<64x256xi1>, vector<64x256xi32>
    %gt3A_242 = arith.cmpi sgt, %select_n3A_211, %select_n3A_234 : vector<64x256xi32>
    %eq3A_243 = arith.cmpi eq, %select_n3A_211, %select_n3A_234 : vector<64x256xi32>
    %lt3A_244 = arith.cmpi slt, %select_n3A_212, %select_n3A_241 : vector<64x256xi32>
    %and3A_245 = arith.andi %eq3A_243, %lt3A_244 : vector<64x256xi1>
    %or3A_246 = arith.ori %gt3A_242, %and3A_245 : vector<64x256xi1>
    %ne3A_247 = arith.xori %eq3A_227, %eq3A_221 : vector<64x256xi1>
    %eq3A_248 = arith.xori %ne3A_247, %or3A_246 : vector<64x256xi1>
    %eq3A_249 = arith.constant dense<true> : vector<64x256xi1>
    %eq3A_250 = arith.xori %eq3A_248, %eq3A_249 : vector<64x256xi1>
    %select_n3A_251 = arith.select %eq3A_250, %select_n3A_211, %select_n3A_234 : vector<64x256xi1>, vector<64x256xi32>
    %select_n3A_252 = arith.select %eq3A_250, %select_n3A_212, %select_n3A_241 : vector<64x256xi1>, vector<64x256xi32>
    %and3A_253 = arith.constant 4 : i32
    %and3A_254 = vector.broadcast %and3A_253 : i32 to vector<64x256xi32>
    %and3A_255 = arith.andi %iota3A_8, %and3A_254 : vector<64x256xi32>
    %eq3A_256 = arith.constant 0 : i32
    %eq3A_257 = vector.broadcast %eq3A_256 : i32 to vector<64x256xi32>
    %eq3A_258 = arith.cmpi eq, %and3A_255, %eq3A_257 : vector<64x256xi32>
    %slice3A_259 = vector.extract_strided_slice %select_n3A_251 {offsets = [0, 4], sizes = [64, 252], strides = [1, 1]} : vector<64x256xi32> to vector<64x252xi32>
    %slice3A_260 = vector.extract_strided_slice %select_n3A_251 {offsets = [0, 0], sizes = [64, 4], strides = [1, 1]} : vector<64x256xi32> to vector<64x4xi32>
    %concatenate3A_261 = tpu.concatenate %slice3A_259, %slice3A_260 in 1 : vector<64x252xi32>, vector<64x4xi32> -> vector<64x256xi32>
    %slice3A_262 = vector.extract_strided_slice %select_n3A_251 {offsets = [0, 252], sizes = [64, 4], strides = [1, 1]} : vector<64x256xi32> to vector<64x4xi32>
    %slice3A_263 = vector.extract_strided_slice %select_n3A_251 {offsets = [0, 0], sizes = [64, 252], strides = [1, 1]} : vector<64x256xi32> to vector<64x252xi32>
    %concatenate3A_264 = tpu.concatenate %slice3A_262, %slice3A_263 in 1 : vector<64x4xi32>, vector<64x252xi32> -> vector<64x256xi32>
    %select_n3A_265 = arith.select %eq3A_258, %concatenate3A_261, %concatenate3A_264 : vector<64x256xi1>, vector<64x256xi32>
    %slice3A_266 = vector.extract_strided_slice %select_n3A_252 {offsets = [0, 4], sizes = [64, 252], strides = [1, 1]} : vector<64x256xi32> to vector<64x252xi32>
    %slice3A_267 = vector.extract_strided_slice %select_n3A_252 {offsets = [0, 0], sizes = [64, 4], strides = [1, 1]} : vector<64x256xi32> to vector<64x4xi32>
    %concatenate3A_268 = tpu.concatenate %slice3A_266, %slice3A_267 in 1 : vector<64x252xi32>, vector<64x4xi32> -> vector<64x256xi32>
    %slice3A_269 = vector.extract_strided_slice %select_n3A_252 {offsets = [0, 252], sizes = [64, 4], strides = [1, 1]} : vector<64x256xi32> to vector<64x4xi32>
    %slice3A_270 = vector.extract_strided_slice %select_n3A_252 {offsets = [0, 0], sizes = [64, 252], strides = [1, 1]} : vector<64x256xi32> to vector<64x252xi32>
    %concatenate3A_271 = tpu.concatenate %slice3A_269, %slice3A_270 in 1 : vector<64x4xi32>, vector<64x252xi32> -> vector<64x256xi32>
    %select_n3A_272 = arith.select %eq3A_258, %concatenate3A_268, %concatenate3A_271 : vector<64x256xi1>, vector<64x256xi32>
    %gt3A_273 = arith.cmpi sgt, %select_n3A_251, %select_n3A_265 : vector<64x256xi32>
    %eq3A_274 = arith.cmpi eq, %select_n3A_251, %select_n3A_265 : vector<64x256xi32>
    %lt3A_275 = arith.cmpi slt, %select_n3A_252, %select_n3A_272 : vector<64x256xi32>
    %and3A_276 = arith.andi %eq3A_274, %lt3A_275 : vector<64x256xi1>
    %or3A_277 = arith.ori %gt3A_273, %and3A_276 : vector<64x256xi1>
    %ne3A_278 = arith.xori %eq3A_258, %eq3A_221 : vector<64x256xi1>
    %eq3A_279 = arith.xori %ne3A_278, %or3A_277 : vector<64x256xi1>
    %eq3A_280 = arith.constant dense<true> : vector<64x256xi1>
    %eq3A_281 = arith.xori %eq3A_279, %eq3A_280 : vector<64x256xi1>
    %select_n3A_282 = arith.select %eq3A_281, %select_n3A_251, %select_n3A_265 : vector<64x256xi1>, vector<64x256xi32>
    %select_n3A_283 = arith.select %eq3A_281, %select_n3A_252, %select_n3A_272 : vector<64x256xi1>, vector<64x256xi32>
    %and3A_284 = arith.constant 2 : i32
    %and3A_285 = vector.broadcast %and3A_284 : i32 to vector<64x256xi32>
    %and3A_286 = arith.andi %iota3A_8, %and3A_285 : vector<64x256xi32>
    %eq3A_287 = arith.constant 0 : i32
    %eq3A_288 = vector.broadcast %eq3A_287 : i32 to vector<64x256xi32>
    %eq3A_289 = arith.cmpi eq, %and3A_286, %eq3A_288 : vector<64x256xi32>
    %slice3A_290 = vector.extract_strided_slice %select_n3A_282 {offsets = [0, 2], sizes = [64, 254], strides = [1, 1]} : vector<64x256xi32> to vector<64x254xi32>
    %slice3A_291 = vector.extract_strided_slice %select_n3A_282 {offsets = [0, 0], sizes = [64, 2], strides = [1, 1]} : vector<64x256xi32> to vector<64x2xi32>
    %concatenate3A_292 = tpu.concatenate %slice3A_290, %slice3A_291 in 1 : vector<64x254xi32>, vector<64x2xi32> -> vector<64x256xi32>
    %slice3A_293 = vector.extract_strided_slice %select_n3A_282 {offsets = [0, 254], sizes = [64, 2], strides = [1, 1]} : vector<64x256xi32> to vector<64x2xi32>
    %slice3A_294 = vector.extract_strided_slice %select_n3A_282 {offsets = [0, 0], sizes = [64, 254], strides = [1, 1]} : vector<64x256xi32> to vector<64x254xi32>
    %concatenate3A_295 = tpu.concatenate %slice3A_293, %slice3A_294 in 1 : vector<64x2xi32>, vector<64x254xi32> -> vector<64x256xi32>
    %select_n3A_296 = arith.select %eq3A_289, %concatenate3A_292, %concatenate3A_295 : vector<64x256xi1>, vector<64x256xi32>
    %slice3A_297 = vector.extract_strided_slice %select_n3A_283 {offsets = [0, 2], sizes = [64, 254], strides = [1, 1]} : vector<64x256xi32> to vector<64x254xi32>
    %slice3A_298 = vector.extract_strided_slice %select_n3A_283 {offsets = [0, 0], sizes = [64, 2], strides = [1, 1]} : vector<64x256xi32> to vector<64x2xi32>
    %concatenate3A_299 = tpu.concatenate %slice3A_297, %slice3A_298 in 1 : vector<64x254xi32>, vector<64x2xi32> -> vector<64x256xi32>
    %slice3A_300 = vector.extract_strided_slice %select_n3A_283 {offsets = [0, 254], sizes = [64, 2], strides = [1, 1]} : vector<64x256xi32> to vector<64x2xi32>
    %slice3A_301 = vector.extract_strided_slice %select_n3A_283 {offsets = [0, 0], sizes = [64, 254], strides = [1, 1]} : vector<64x256xi32> to vector<64x254xi32>
    %concatenate3A_302 = tpu.concatenate %slice3A_300, %slice3A_301 in 1 : vector<64x2xi32>, vector<64x254xi32> -> vector<64x256xi32>
    %select_n3A_303 = arith.select %eq3A_289, %concatenate3A_299, %concatenate3A_302 : vector<64x256xi1>, vector<64x256xi32>
    %gt3A_304 = arith.cmpi sgt, %select_n3A_282, %select_n3A_296 : vector<64x256xi32>
    %eq3A_305 = arith.cmpi eq, %select_n3A_282, %select_n3A_296 : vector<64x256xi32>
    %lt3A_306 = arith.cmpi slt, %select_n3A_283, %select_n3A_303 : vector<64x256xi32>
    %and3A_307 = arith.andi %eq3A_305, %lt3A_306 : vector<64x256xi1>
    %or3A_308 = arith.ori %gt3A_304, %and3A_307 : vector<64x256xi1>
    %ne3A_309 = arith.xori %eq3A_289, %eq3A_221 : vector<64x256xi1>
    %eq3A_310 = arith.xori %ne3A_309, %or3A_308 : vector<64x256xi1>
    %eq3A_311 = arith.constant dense<true> : vector<64x256xi1>
    %eq3A_312 = arith.xori %eq3A_310, %eq3A_311 : vector<64x256xi1>
    %select_n3A_313 = arith.select %eq3A_312, %select_n3A_282, %select_n3A_296 : vector<64x256xi1>, vector<64x256xi32>
    %select_n3A_314 = arith.select %eq3A_312, %select_n3A_283, %select_n3A_303 : vector<64x256xi1>, vector<64x256xi32>
    %and3A_315 = arith.constant 1 : i32
    %and3A_316 = vector.broadcast %and3A_315 : i32 to vector<64x256xi32>
    %and3A_317 = arith.andi %iota3A_8, %and3A_316 : vector<64x256xi32>
    %eq3A_318 = arith.constant 0 : i32
    %eq3A_319 = vector.broadcast %eq3A_318 : i32 to vector<64x256xi32>
    %eq3A_320 = arith.cmpi eq, %and3A_317, %eq3A_319 : vector<64x256xi32>
    %slice3A_321 = vector.extract_strided_slice %select_n3A_313 {offsets = [0, 1], sizes = [64, 255], strides = [1, 1]} : vector<64x256xi32> to vector<64x255xi32>
    %slice3A_322 = vector.extract_strided_slice %select_n3A_313 {offsets = [0, 0], sizes = [64, 1], strides = [1, 1]} : vector<64x256xi32> to vector<64x1xi32>
    %concatenate3A_323 = tpu.concatenate %slice3A_321, %slice3A_322 in 1 : vector<64x255xi32>, vector<64x1xi32> -> vector<64x256xi32>
    %slice3A_324 = vector.extract_strided_slice %select_n3A_313 {offsets = [0, 255], sizes = [64, 1], strides = [1, 1]} : vector<64x256xi32> to vector<64x1xi32>
    %slice3A_325 = vector.extract_strided_slice %select_n3A_313 {offsets = [0, 0], sizes = [64, 255], strides = [1, 1]} : vector<64x256xi32> to vector<64x255xi32>
    %concatenate3A_326 = tpu.concatenate %slice3A_324, %slice3A_325 in 1 : vector<64x1xi32>, vector<64x255xi32> -> vector<64x256xi32>
    %select_n3A_327 = arith.select %eq3A_320, %concatenate3A_323, %concatenate3A_326 : vector<64x256xi1>, vector<64x256xi32>
    %slice3A_328 = vector.extract_strided_slice %select_n3A_314 {offsets = [0, 1], sizes = [64, 255], strides = [1, 1]} : vector<64x256xi32> to vector<64x255xi32>
    %slice3A_329 = vector.extract_strided_slice %select_n3A_314 {offsets = [0, 0], sizes = [64, 1], strides = [1, 1]} : vector<64x256xi32> to vector<64x1xi32>
    %concatenate3A_330 = tpu.concatenate %slice3A_328, %slice3A_329 in 1 : vector<64x255xi32>, vector<64x1xi32> -> vector<64x256xi32>
    %slice3A_331 = vector.extract_strided_slice %select_n3A_314 {offsets = [0, 255], sizes = [64, 1], strides = [1, 1]} : vector<64x256xi32> to vector<64x1xi32>
    %slice3A_332 = vector.extract_strided_slice %select_n3A_314 {offsets = [0, 0], sizes = [64, 255], strides = [1, 1]} : vector<64x256xi32> to vector<64x255xi32>
    %concatenate3A_333 = tpu.concatenate %slice3A_331, %slice3A_332 in 1 : vector<64x1xi32>, vector<64x255xi32> -> vector<64x256xi32>
    %select_n3A_334 = arith.select %eq3A_320, %concatenate3A_330, %concatenate3A_333 : vector<64x256xi1>, vector<64x256xi32>
    %gt3A_335 = arith.cmpi sgt, %select_n3A_313, %select_n3A_327 : vector<64x256xi32>
    %eq3A_336 = arith.cmpi eq, %select_n3A_313, %select_n3A_327 : vector<64x256xi32>
    %lt3A_337 = arith.cmpi slt, %select_n3A_314, %select_n3A_334 : vector<64x256xi32>
    %and3A_338 = arith.andi %eq3A_336, %lt3A_337 : vector<64x256xi1>
    %or3A_339 = arith.ori %gt3A_335, %and3A_338 : vector<64x256xi1>
    %ne3A_340 = arith.xori %eq3A_320, %eq3A_221 : vector<64x256xi1>
    %eq3A_341 = arith.xori %ne3A_340, %or3A_339 : vector<64x256xi1>
    %eq3A_342 = arith.constant dense<true> : vector<64x256xi1>
    %eq3A_343 = arith.xori %eq3A_341, %eq3A_342 : vector<64x256xi1>
    %select_n3A_344 = arith.select %eq3A_343, %select_n3A_313, %select_n3A_327 : vector<64x256xi1>, vector<64x256xi32>
    %select_n3A_345 = arith.select %eq3A_343, %select_n3A_314, %select_n3A_334 : vector<64x256xi1>, vector<64x256xi32>
    %shift_right_arithmetic3A_346 = arith.constant 5 : i32
    %shift_right_arithmetic3A_347 = vector.broadcast %shift_right_arithmetic3A_346 : i32 to vector<64x256xi32>
    %shift_right_arithmetic3A_348 = arith.shrsi %iota3A_8, %shift_right_arithmetic3A_347 : vector<64x256xi32>
    %and3A_349 = arith.constant 1 : i32
    %and3A_350 = vector.broadcast %and3A_349 : i32 to vector<64x256xi32>
    %and3A_351 = arith.andi %shift_right_arithmetic3A_348, %and3A_350 : vector<64x256xi32>
    %eq3A_352 = arith.constant 1 : i32
    %eq3A_353 = vector.broadcast %eq3A_352 : i32 to vector<64x256xi32>
    %eq3A_354 = arith.cmpi eq, %and3A_351, %eq3A_353 : vector<64x256xi32>
    %and3A_355 = arith.constant 16 : i32
    %and3A_356 = vector.broadcast %and3A_355 : i32 to vector<64x256xi32>
    %and3A_357 = arith.andi %iota3A_8, %and3A_356 : vector<64x256xi32>
    %eq3A_358 = arith.constant 0 : i32
    %eq3A_359 = vector.broadcast %eq3A_358 : i32 to vector<64x256xi32>
    %eq3A_360 = arith.cmpi eq, %and3A_357, %eq3A_359 : vector<64x256xi32>
    %slice3A_361 = vector.extract_strided_slice %select_n3A_344 {offsets = [0, 16], sizes = [64, 240], strides = [1, 1]} : vector<64x256xi32> to vector<64x240xi32>
    %slice3A_362 = vector.extract_strided_slice %select_n3A_344 {offsets = [0, 0], sizes = [64, 16], strides = [1, 1]} : vector<64x256xi32> to vector<64x16xi32>
    %concatenate3A_363 = tpu.concatenate %slice3A_361, %slice3A_362 in 1 : vector<64x240xi32>, vector<64x16xi32> -> vector<64x256xi32>
    %slice3A_364 = vector.extract_strided_slice %select_n3A_344 {offsets = [0, 240], sizes = [64, 16], strides = [1, 1]} : vector<64x256xi32> to vector<64x16xi32>
    %slice3A_365 = vector.extract_strided_slice %select_n3A_344 {offsets = [0, 0], sizes = [64, 240], strides = [1, 1]} : vector<64x256xi32> to vector<64x240xi32>
    %concatenate3A_366 = tpu.concatenate %slice3A_364, %slice3A_365 in 1 : vector<64x16xi32>, vector<64x240xi32> -> vector<64x256xi32>
    %select_n3A_367 = arith.select %eq3A_360, %concatenate3A_363, %concatenate3A_366 : vector<64x256xi1>, vector<64x256xi32>
    %slice3A_368 = vector.extract_strided_slice %select_n3A_345 {offsets = [0, 16], sizes = [64, 240], strides = [1, 1]} : vector<64x256xi32> to vector<64x240xi32>
    %slice3A_369 = vector.extract_strided_slice %select_n3A_345 {offsets = [0, 0], sizes = [64, 16], strides = [1, 1]} : vector<64x256xi32> to vector<64x16xi32>
    %concatenate3A_370 = tpu.concatenate %slice3A_368, %slice3A_369 in 1 : vector<64x240xi32>, vector<64x16xi32> -> vector<64x256xi32>
    %slice3A_371 = vector.extract_strided_slice %select_n3A_345 {offsets = [0, 240], sizes = [64, 16], strides = [1, 1]} : vector<64x256xi32> to vector<64x16xi32>
    %slice3A_372 = vector.extract_strided_slice %select_n3A_345 {offsets = [0, 0], sizes = [64, 240], strides = [1, 1]} : vector<64x256xi32> to vector<64x240xi32>
    %concatenate3A_373 = tpu.concatenate %slice3A_371, %slice3A_372 in 1 : vector<64x16xi32>, vector<64x240xi32> -> vector<64x256xi32>
    %select_n3A_374 = arith.select %eq3A_360, %concatenate3A_370, %concatenate3A_373 : vector<64x256xi1>, vector<64x256xi32>
    %gt3A_375 = arith.cmpi sgt, %select_n3A_344, %select_n3A_367 : vector<64x256xi32>
    %eq3A_376 = arith.cmpi eq, %select_n3A_344, %select_n3A_367 : vector<64x256xi32>
    %lt3A_377 = arith.cmpi slt, %select_n3A_345, %select_n3A_374 : vector<64x256xi32>
    %and3A_378 = arith.andi %eq3A_376, %lt3A_377 : vector<64x256xi1>
    %or3A_379 = arith.ori %gt3A_375, %and3A_378 : vector<64x256xi1>
    %ne3A_380 = arith.xori %eq3A_360, %eq3A_354 : vector<64x256xi1>
    %eq3A_381 = arith.xori %ne3A_380, %or3A_379 : vector<64x256xi1>
    %eq3A_382 = arith.constant dense<true> : vector<64x256xi1>
    %eq3A_383 = arith.xori %eq3A_381, %eq3A_382 : vector<64x256xi1>
    %select_n3A_384 = arith.select %eq3A_383, %select_n3A_344, %select_n3A_367 : vector<64x256xi1>, vector<64x256xi32>
    %select_n3A_385 = arith.select %eq3A_383, %select_n3A_345, %select_n3A_374 : vector<64x256xi1>, vector<64x256xi32>
    %and3A_386 = arith.constant 8 : i32
    %and3A_387 = vector.broadcast %and3A_386 : i32 to vector<64x256xi32>
    %and3A_388 = arith.andi %iota3A_8, %and3A_387 : vector<64x256xi32>
    %eq3A_389 = arith.constant 0 : i32
    %eq3A_390 = vector.broadcast %eq3A_389 : i32 to vector<64x256xi32>
    %eq3A_391 = arith.cmpi eq, %and3A_388, %eq3A_390 : vector<64x256xi32>
    %slice3A_392 = vector.extract_strided_slice %select_n3A_384 {offsets = [0, 8], sizes = [64, 248], strides = [1, 1]} : vector<64x256xi32> to vector<64x248xi32>
    %slice3A_393 = vector.extract_strided_slice %select_n3A_384 {offsets = [0, 0], sizes = [64, 8], strides = [1, 1]} : vector<64x256xi32> to vector<64x8xi32>
    %concatenate3A_394 = tpu.concatenate %slice3A_392, %slice3A_393 in 1 : vector<64x248xi32>, vector<64x8xi32> -> vector<64x256xi32>
    %slice3A_395 = vector.extract_strided_slice %select_n3A_384 {offsets = [0, 248], sizes = [64, 8], strides = [1, 1]} : vector<64x256xi32> to vector<64x8xi32>
    %slice3A_396 = vector.extract_strided_slice %select_n3A_384 {offsets = [0, 0], sizes = [64, 248], strides = [1, 1]} : vector<64x256xi32> to vector<64x248xi32>
    %concatenate3A_397 = tpu.concatenate %slice3A_395, %slice3A_396 in 1 : vector<64x8xi32>, vector<64x248xi32> -> vector<64x256xi32>
    %select_n3A_398 = arith.select %eq3A_391, %concatenate3A_394, %concatenate3A_397 : vector<64x256xi1>, vector<64x256xi32>
    %slice3A_399 = vector.extract_strided_slice %select_n3A_385 {offsets = [0, 8], sizes = [64, 248], strides = [1, 1]} : vector<64x256xi32> to vector<64x248xi32>
    %slice3A_400 = vector.extract_strided_slice %select_n3A_385 {offsets = [0, 0], sizes = [64, 8], strides = [1, 1]} : vector<64x256xi32> to vector<64x8xi32>
    %concatenate3A_401 = tpu.concatenate %slice3A_399, %slice3A_400 in 1 : vector<64x248xi32>, vector<64x8xi32> -> vector<64x256xi32>
    %slice3A_402 = vector.extract_strided_slice %select_n3A_385 {offsets = [0, 248], sizes = [64, 8], strides = [1, 1]} : vector<64x256xi32> to vector<64x8xi32>
    %slice3A_403 = vector.extract_strided_slice %select_n3A_385 {offsets = [0, 0], sizes = [64, 248], strides = [1, 1]} : vector<64x256xi32> to vector<64x248xi32>
    %concatenate3A_404 = tpu.concatenate %slice3A_402, %slice3A_403 in 1 : vector<64x8xi32>, vector<64x248xi32> -> vector<64x256xi32>
    %select_n3A_405 = arith.select %eq3A_391, %concatenate3A_401, %concatenate3A_404 : vector<64x256xi1>, vector<64x256xi32>
    %gt3A_406 = arith.cmpi sgt, %select_n3A_384, %select_n3A_398 : vector<64x256xi32>
    %eq3A_407 = arith.cmpi eq, %select_n3A_384, %select_n3A_398 : vector<64x256xi32>
    %lt3A_408 = arith.cmpi slt, %select_n3A_385, %select_n3A_405 : vector<64x256xi32>
    %and3A_409 = arith.andi %eq3A_407, %lt3A_408 : vector<64x256xi1>
    %or3A_410 = arith.ori %gt3A_406, %and3A_409 : vector<64x256xi1>
    %ne3A_411 = arith.xori %eq3A_391, %eq3A_354 : vector<64x256xi1>
    %eq3A_412 = arith.xori %ne3A_411, %or3A_410 : vector<64x256xi1>
    %eq3A_413 = arith.constant dense<true> : vector<64x256xi1>
    %eq3A_414 = arith.xori %eq3A_412, %eq3A_413 : vector<64x256xi1>
    %select_n3A_415 = arith.select %eq3A_414, %select_n3A_384, %select_n3A_398 : vector<64x256xi1>, vector<64x256xi32>
    %select_n3A_416 = arith.select %eq3A_414, %select_n3A_385, %select_n3A_405 : vector<64x256xi1>, vector<64x256xi32>
    %and3A_417 = arith.constant 4 : i32
    %and3A_418 = vector.broadcast %and3A_417 : i32 to vector<64x256xi32>
    %and3A_419 = arith.andi %iota3A_8, %and3A_418 : vector<64x256xi32>
    %eq3A_420 = arith.constant 0 : i32
    %eq3A_421 = vector.broadcast %eq3A_420 : i32 to vector<64x256xi32>
    %eq3A_422 = arith.cmpi eq, %and3A_419, %eq3A_421 : vector<64x256xi32>
    %slice3A_423 = vector.extract_strided_slice %select_n3A_415 {offsets = [0, 4], sizes = [64, 252], strides = [1, 1]} : vector<64x256xi32> to vector<64x252xi32>
    %slice3A_424 = vector.extract_strided_slice %select_n3A_415 {offsets = [0, 0], sizes = [64, 4], strides = [1, 1]} : vector<64x256xi32> to vector<64x4xi32>
    %concatenate3A_425 = tpu.concatenate %slice3A_423, %slice3A_424 in 1 : vector<64x252xi32>, vector<64x4xi32> -> vector<64x256xi32>
    %slice3A_426 = vector.extract_strided_slice %select_n3A_415 {offsets = [0, 252], sizes = [64, 4], strides = [1, 1]} : vector<64x256xi32> to vector<64x4xi32>
    %slice3A_427 = vector.extract_strided_slice %select_n3A_415 {offsets = [0, 0], sizes = [64, 252], strides = [1, 1]} : vector<64x256xi32> to vector<64x252xi32>
    %concatenate3A_428 = tpu.concatenate %slice3A_426, %slice3A_427 in 1 : vector<64x4xi32>, vector<64x252xi32> -> vector<64x256xi32>
    %select_n3A_429 = arith.select %eq3A_422, %concatenate3A_425, %concatenate3A_428 : vector<64x256xi1>, vector<64x256xi32>
    %slice3A_430 = vector.extract_strided_slice %select_n3A_416 {offsets = [0, 4], sizes = [64, 252], strides = [1, 1]} : vector<64x256xi32> to vector<64x252xi32>
    %slice3A_431 = vector.extract_strided_slice %select_n3A_416 {offsets = [0, 0], sizes = [64, 4], strides = [1, 1]} : vector<64x256xi32> to vector<64x4xi32>
    %concatenate3A_432 = tpu.concatenate %slice3A_430, %slice3A_431 in 1 : vector<64x252xi32>, vector<64x4xi32> -> vector<64x256xi32>
    %slice3A_433 = vector.extract_strided_slice %select_n3A_416 {offsets = [0, 252], sizes = [64, 4], strides = [1, 1]} : vector<64x256xi32> to vector<64x4xi32>
    %slice3A_434 = vector.extract_strided_slice %select_n3A_416 {offsets = [0, 0], sizes = [64, 252], strides = [1, 1]} : vector<64x256xi32> to vector<64x252xi32>
    %concatenate3A_435 = tpu.concatenate %slice3A_433, %slice3A_434 in 1 : vector<64x4xi32>, vector<64x252xi32> -> vector<64x256xi32>
    %select_n3A_436 = arith.select %eq3A_422, %concatenate3A_432, %concatenate3A_435 : vector<64x256xi1>, vector<64x256xi32>
    %gt3A_437 = arith.cmpi sgt, %select_n3A_415, %select_n3A_429 : vector<64x256xi32>
    %eq3A_438 = arith.cmpi eq, %select_n3A_415, %select_n3A_429 : vector<64x256xi32>
    %lt3A_439 = arith.cmpi slt, %select_n3A_416, %select_n3A_436 : vector<64x256xi32>
    %and3A_440 = arith.andi %eq3A_438, %lt3A_439 : vector<64x256xi1>
    %or3A_441 = arith.ori %gt3A_437, %and3A_440 : vector<64x256xi1>
    %ne3A_442 = arith.xori %eq3A_422, %eq3A_354 : vector<64x256xi1>
    %eq3A_443 = arith.xori %ne3A_442, %or3A_441 : vector<64x256xi1>
    %eq3A_444 = arith.constant dense<true> : vector<64x256xi1>
    %eq3A_445 = arith.xori %eq3A_443, %eq3A_444 : vector<64x256xi1>
    %select_n3A_446 = arith.select %eq3A_445, %select_n3A_415, %select_n3A_429 : vector<64x256xi1>, vector<64x256xi32>
    %select_n3A_447 = arith.select %eq3A_445, %select_n3A_416, %select_n3A_436 : vector<64x256xi1>, vector<64x256xi32>
    %and3A_448 = arith.constant 2 : i32
    %and3A_449 = vector.broadcast %and3A_448 : i32 to vector<64x256xi32>
    %and3A_450 = arith.andi %iota3A_8, %and3A_449 : vector<64x256xi32>
    %eq3A_451 = arith.constant 0 : i32
    %eq3A_452 = vector.broadcast %eq3A_451 : i32 to vector<64x256xi32>
    %eq3A_453 = arith.cmpi eq, %and3A_450, %eq3A_452 : vector<64x256xi32>
    %slice3A_454 = vector.extract_strided_slice %select_n3A_446 {offsets = [0, 2], sizes = [64, 254], strides = [1, 1]} : vector<64x256xi32> to vector<64x254xi32>
    %slice3A_455 = vector.extract_strided_slice %select_n3A_446 {offsets = [0, 0], sizes = [64, 2], strides = [1, 1]} : vector<64x256xi32> to vector<64x2xi32>
    %concatenate3A_456 = tpu.concatenate %slice3A_454, %slice3A_455 in 1 : vector<64x254xi32>, vector<64x2xi32> -> vector<64x256xi32>
    %slice3A_457 = vector.extract_strided_slice %select_n3A_446 {offsets = [0, 254], sizes = [64, 2], strides = [1, 1]} : vector<64x256xi32> to vector<64x2xi32>
    %slice3A_458 = vector.extract_strided_slice %select_n3A_446 {offsets = [0, 0], sizes = [64, 254], strides = [1, 1]} : vector<64x256xi32> to vector<64x254xi32>
    %concatenate3A_459 = tpu.concatenate %slice3A_457, %slice3A_458 in 1 : vector<64x2xi32>, vector<64x254xi32> -> vector<64x256xi32>
    %select_n3A_460 = arith.select %eq3A_453, %concatenate3A_456, %concatenate3A_459 : vector<64x256xi1>, vector<64x256xi32>
    %slice3A_461 = vector.extract_strided_slice %select_n3A_447 {offsets = [0, 2], sizes = [64, 254], strides = [1, 1]} : vector<64x256xi32> to vector<64x254xi32>
    %slice3A_462 = vector.extract_strided_slice %select_n3A_447 {offsets = [0, 0], sizes = [64, 2], strides = [1, 1]} : vector<64x256xi32> to vector<64x2xi32>
    %concatenate3A_463 = tpu.concatenate %slice3A_461, %slice3A_462 in 1 : vector<64x254xi32>, vector<64x2xi32> -> vector<64x256xi32>
    %slice3A_464 = vector.extract_strided_slice %select_n3A_447 {offsets = [0, 254], sizes = [64, 2], strides = [1, 1]} : vector<64x256xi32> to vector<64x2xi32>
    %slice3A_465 = vector.extract_strided_slice %select_n3A_447 {offsets = [0, 0], sizes = [64, 254], strides = [1, 1]} : vector<64x256xi32> to vector<64x254xi32>
    %concatenate3A_466 = tpu.concatenate %slice3A_464, %slice3A_465 in 1 : vector<64x2xi32>, vector<64x254xi32> -> vector<64x256xi32>
    %select_n3A_467 = arith.select %eq3A_453, %concatenate3A_463, %concatenate3A_466 : vector<64x256xi1>, vector<64x256xi32>
    %gt3A_468 = arith.cmpi sgt, %select_n3A_446, %select_n3A_460 : vector<64x256xi32>
    %eq3A_469 = arith.cmpi eq, %select_n3A_446, %select_n3A_460 : vector<64x256xi32>
    %lt3A_470 = arith.cmpi slt, %select_n3A_447, %select_n3A_467 : vector<64x256xi32>
    %and3A_471 = arith.andi %eq3A_469, %lt3A_470 : vector<64x256xi1>
    %or3A_472 = arith.ori %gt3A_468, %and3A_471 : vector<64x256xi1>
    %ne3A_473 = arith.xori %eq3A_453, %eq3A_354 : vector<64x256xi1>
    %eq3A_474 = arith.xori %ne3A_473, %or3A_472 : vector<64x256xi1>
    %eq3A_475 = arith.constant dense<true> : vector<64x256xi1>
    %eq3A_476 = arith.xori %eq3A_474, %eq3A_475 : vector<64x256xi1>
    %select_n3A_477 = arith.select %eq3A_476, %select_n3A_446, %select_n3A_460 : vector<64x256xi1>, vector<64x256xi32>
    %select_n3A_478 = arith.select %eq3A_476, %select_n3A_447, %select_n3A_467 : vector<64x256xi1>, vector<64x256xi32>
    %and3A_479 = arith.constant 1 : i32
    %and3A_480 = vector.broadcast %and3A_479 : i32 to vector<64x256xi32>
    %and3A_481 = arith.andi %iota3A_8, %and3A_480 : vector<64x256xi32>
    %eq3A_482 = arith.constant 0 : i32
    %eq3A_483 = vector.broadcast %eq3A_482 : i32 to vector<64x256xi32>
    %eq3A_484 = arith.cmpi eq, %and3A_481, %eq3A_483 : vector<64x256xi32>
    %slice3A_485 = vector.extract_strided_slice %select_n3A_477 {offsets = [0, 1], sizes = [64, 255], strides = [1, 1]} : vector<64x256xi32> to vector<64x255xi32>
    %slice3A_486 = vector.extract_strided_slice %select_n3A_477 {offsets = [0, 0], sizes = [64, 1], strides = [1, 1]} : vector<64x256xi32> to vector<64x1xi32>
    %concatenate3A_487 = tpu.concatenate %slice3A_485, %slice3A_486 in 1 : vector<64x255xi32>, vector<64x1xi32> -> vector<64x256xi32>
    %slice3A_488 = vector.extract_strided_slice %select_n3A_477 {offsets = [0, 255], sizes = [64, 1], strides = [1, 1]} : vector<64x256xi32> to vector<64x1xi32>
    %slice3A_489 = vector.extract_strided_slice %select_n3A_477 {offsets = [0, 0], sizes = [64, 255], strides = [1, 1]} : vector<64x256xi32> to vector<64x255xi32>
    %concatenate3A_490 = tpu.concatenate %slice3A_488, %slice3A_489 in 1 : vector<64x1xi32>, vector<64x255xi32> -> vector<64x256xi32>
    %select_n3A_491 = arith.select %eq3A_484, %concatenate3A_487, %concatenate3A_490 : vector<64x256xi1>, vector<64x256xi32>
    %slice3A_492 = vector.extract_strided_slice %select_n3A_478 {offsets = [0, 1], sizes = [64, 255], strides = [1, 1]} : vector<64x256xi32> to vector<64x255xi32>
    %slice3A_493 = vector.extract_strided_slice %select_n3A_478 {offsets = [0, 0], sizes = [64, 1], strides = [1, 1]} : vector<64x256xi32> to vector<64x1xi32>
    %concatenate3A_494 = tpu.concatenate %slice3A_492, %slice3A_493 in 1 : vector<64x255xi32>, vector<64x1xi32> -> vector<64x256xi32>
    %slice3A_495 = vector.extract_strided_slice %select_n3A_478 {offsets = [0, 255], sizes = [64, 1], strides = [1, 1]} : vector<64x256xi32> to vector<64x1xi32>
    %slice3A_496 = vector.extract_strided_slice %select_n3A_478 {offsets = [0, 0], sizes = [64, 255], strides = [1, 1]} : vector<64x256xi32> to vector<64x255xi32>
    %concatenate3A_497 = tpu.concatenate %slice3A_495, %slice3A_496 in 1 : vector<64x1xi32>, vector<64x255xi32> -> vector<64x256xi32>
    %select_n3A_498 = arith.select %eq3A_484, %concatenate3A_494, %concatenate3A_497 : vector<64x256xi1>, vector<64x256xi32>
    %gt3A_499 = arith.cmpi sgt, %select_n3A_477, %select_n3A_491 : vector<64x256xi32>
    %eq3A_500 = arith.cmpi eq, %select_n3A_477, %select_n3A_491 : vector<64x256xi32>
    %lt3A_501 = arith.cmpi slt, %select_n3A_478, %select_n3A_498 : vector<64x256xi32>
    %and3A_502 = arith.andi %eq3A_500, %lt3A_501 : vector<64x256xi1>
    %or3A_503 = arith.ori %gt3A_499, %and3A_502 : vector<64x256xi1>
    %ne3A_504 = arith.xori %eq3A_484, %eq3A_354 : vector<64x256xi1>
    %eq3A_505 = arith.xori %ne3A_504, %or3A_503 : vector<64x256xi1>
    %eq3A_506 = arith.constant dense<true> : vector<64x256xi1>
    %eq3A_507 = arith.xori %eq3A_505, %eq3A_506 : vector<64x256xi1>
    %select_n3A_508 = arith.select %eq3A_507, %select_n3A_477, %select_n3A_491 : vector<64x256xi1>, vector<64x256xi32>
    %select_n3A_509 = arith.select %eq3A_507, %select_n3A_478, %select_n3A_498 : vector<64x256xi1>, vector<64x256xi32>
    %shift_right_arithmetic3A_510 = arith.constant 6 : i32
    %shift_right_arithmetic3A_511 = vector.broadcast %shift_right_arithmetic3A_510 : i32 to vector<64x256xi32>
    %shift_right_arithmetic3A_512 = arith.shrsi %iota3A_8, %shift_right_arithmetic3A_511 : vector<64x256xi32>
    %and3A_513 = arith.constant 1 : i32
    %and3A_514 = vector.broadcast %and3A_513 : i32 to vector<64x256xi32>
    %and3A_515 = arith.andi %shift_right_arithmetic3A_512, %and3A_514 : vector<64x256xi32>
    %eq3A_516 = arith.constant 1 : i32
    %eq3A_517 = vector.broadcast %eq3A_516 : i32 to vector<64x256xi32>
    %eq3A_518 = arith.cmpi eq, %and3A_515, %eq3A_517 : vector<64x256xi32>
    %and3A_519 = arith.constant 32 : i32
    %and3A_520 = vector.broadcast %and3A_519 : i32 to vector<64x256xi32>
    %and3A_521 = arith.andi %iota3A_8, %and3A_520 : vector<64x256xi32>
    %eq3A_522 = arith.constant 0 : i32
    %eq3A_523 = vector.broadcast %eq3A_522 : i32 to vector<64x256xi32>
    %eq3A_524 = arith.cmpi eq, %and3A_521, %eq3A_523 : vector<64x256xi32>
    %slice3A_525 = vector.extract_strided_slice %select_n3A_508 {offsets = [0, 32], sizes = [64, 224], strides = [1, 1]} : vector<64x256xi32> to vector<64x224xi32>
    %slice3A_526 = vector.extract_strided_slice %select_n3A_508 {offsets = [0, 0], sizes = [64, 32], strides = [1, 1]} : vector<64x256xi32> to vector<64x32xi32>
    %concatenate3A_527 = tpu.concatenate %slice3A_525, %slice3A_526 in 1 : vector<64x224xi32>, vector<64x32xi32> -> vector<64x256xi32>
    %slice3A_528 = vector.extract_strided_slice %select_n3A_508 {offsets = [0, 224], sizes = [64, 32], strides = [1, 1]} : vector<64x256xi32> to vector<64x32xi32>
    %slice3A_529 = vector.extract_strided_slice %select_n3A_508 {offsets = [0, 0], sizes = [64, 224], strides = [1, 1]} : vector<64x256xi32> to vector<64x224xi32>
    %concatenate3A_530 = tpu.concatenate %slice3A_528, %slice3A_529 in 1 : vector<64x32xi32>, vector<64x224xi32> -> vector<64x256xi32>
    %select_n3A_531 = arith.select %eq3A_524, %concatenate3A_527, %concatenate3A_530 : vector<64x256xi1>, vector<64x256xi32>
    %slice3A_532 = vector.extract_strided_slice %select_n3A_509 {offsets = [0, 32], sizes = [64, 224], strides = [1, 1]} : vector<64x256xi32> to vector<64x224xi32>
    %slice3A_533 = vector.extract_strided_slice %select_n3A_509 {offsets = [0, 0], sizes = [64, 32], strides = [1, 1]} : vector<64x256xi32> to vector<64x32xi32>
    %concatenate3A_534 = tpu.concatenate %slice3A_532, %slice3A_533 in 1 : vector<64x224xi32>, vector<64x32xi32> -> vector<64x256xi32>
    %slice3A_535 = vector.extract_strided_slice %select_n3A_509 {offsets = [0, 224], sizes = [64, 32], strides = [1, 1]} : vector<64x256xi32> to vector<64x32xi32>
    %slice3A_536 = vector.extract_strided_slice %select_n3A_509 {offsets = [0, 0], sizes = [64, 224], strides = [1, 1]} : vector<64x256xi32> to vector<64x224xi32>
    %concatenate3A_537 = tpu.concatenate %slice3A_535, %slice3A_536 in 1 : vector<64x32xi32>, vector<64x224xi32> -> vector<64x256xi32>
    %select_n3A_538 = arith.select %eq3A_524, %concatenate3A_534, %concatenate3A_537 : vector<64x256xi1>, vector<64x256xi32>
    %gt3A_539 = arith.cmpi sgt, %select_n3A_508, %select_n3A_531 : vector<64x256xi32>
    %eq3A_540 = arith.cmpi eq, %select_n3A_508, %select_n3A_531 : vector<64x256xi32>
    %lt3A_541 = arith.cmpi slt, %select_n3A_509, %select_n3A_538 : vector<64x256xi32>
    %and3A_542 = arith.andi %eq3A_540, %lt3A_541 : vector<64x256xi1>
    %or3A_543 = arith.ori %gt3A_539, %and3A_542 : vector<64x256xi1>
    %ne3A_544 = arith.xori %eq3A_524, %eq3A_518 : vector<64x256xi1>
    %eq3A_545 = arith.xori %ne3A_544, %or3A_543 : vector<64x256xi1>
    %eq3A_546 = arith.constant dense<true> : vector<64x256xi1>
    %eq3A_547 = arith.xori %eq3A_545, %eq3A_546 : vector<64x256xi1>
    %select_n3A_548 = arith.select %eq3A_547, %select_n3A_508, %select_n3A_531 : vector<64x256xi1>, vector<64x256xi32>
    %select_n3A_549 = arith.select %eq3A_547, %select_n3A_509, %select_n3A_538 : vector<64x256xi1>, vector<64x256xi32>
    %and3A_550 = arith.constant 16 : i32
    %and3A_551 = vector.broadcast %and3A_550 : i32 to vector<64x256xi32>
    %and3A_552 = arith.andi %iota3A_8, %and3A_551 : vector<64x256xi32>
    %eq3A_553 = arith.constant 0 : i32
    %eq3A_554 = vector.broadcast %eq3A_553 : i32 to vector<64x256xi32>
    %eq3A_555 = arith.cmpi eq, %and3A_552, %eq3A_554 : vector<64x256xi32>
    %slice3A_556 = vector.extract_strided_slice %select_n3A_548 {offsets = [0, 16], sizes = [64, 240], strides = [1, 1]} : vector<64x256xi32> to vector<64x240xi32>
    %slice3A_557 = vector.extract_strided_slice %select_n3A_548 {offsets = [0, 0], sizes = [64, 16], strides = [1, 1]} : vector<64x256xi32> to vector<64x16xi32>
    %concatenate3A_558 = tpu.concatenate %slice3A_556, %slice3A_557 in 1 : vector<64x240xi32>, vector<64x16xi32> -> vector<64x256xi32>
    %slice3A_559 = vector.extract_strided_slice %select_n3A_548 {offsets = [0, 240], sizes = [64, 16], strides = [1, 1]} : vector<64x256xi32> to vector<64x16xi32>
    %slice3A_560 = vector.extract_strided_slice %select_n3A_548 {offsets = [0, 0], sizes = [64, 240], strides = [1, 1]} : vector<64x256xi32> to vector<64x240xi32>
    %concatenate3A_561 = tpu.concatenate %slice3A_559, %slice3A_560 in 1 : vector<64x16xi32>, vector<64x240xi32> -> vector<64x256xi32>
    %select_n3A_562 = arith.select %eq3A_555, %concatenate3A_558, %concatenate3A_561 : vector<64x256xi1>, vector<64x256xi32>
    %slice3A_563 = vector.extract_strided_slice %select_n3A_549 {offsets = [0, 16], sizes = [64, 240], strides = [1, 1]} : vector<64x256xi32> to vector<64x240xi32>
    %slice3A_564 = vector.extract_strided_slice %select_n3A_549 {offsets = [0, 0], sizes = [64, 16], strides = [1, 1]} : vector<64x256xi32> to vector<64x16xi32>
    %concatenate3A_565 = tpu.concatenate %slice3A_563, %slice3A_564 in 1 : vector<64x240xi32>, vector<64x16xi32> -> vector<64x256xi32>
    %slice3A_566 = vector.extract_strided_slice %select_n3A_549 {offsets = [0, 240], sizes = [64, 16], strides = [1, 1]} : vector<64x256xi32> to vector<64x16xi32>
    %slice3A_567 = vector.extract_strided_slice %select_n3A_549 {offsets = [0, 0], sizes = [64, 240], strides = [1, 1]} : vector<64x256xi32> to vector<64x240xi32>
    %concatenate3A_568 = tpu.concatenate %slice3A_566, %slice3A_567 in 1 : vector<64x16xi32>, vector<64x240xi32> -> vector<64x256xi32>
    %select_n3A_569 = arith.select %eq3A_555, %concatenate3A_565, %concatenate3A_568 : vector<64x256xi1>, vector<64x256xi32>
    %gt3A_570 = arith.cmpi sgt, %select_n3A_548, %select_n3A_562 : vector<64x256xi32>
    %eq3A_571 = arith.cmpi eq, %select_n3A_548, %select_n3A_562 : vector<64x256xi32>
    %lt3A_572 = arith.cmpi slt, %select_n3A_549, %select_n3A_569 : vector<64x256xi32>
    %and3A_573 = arith.andi %eq3A_571, %lt3A_572 : vector<64x256xi1>
    %or3A_574 = arith.ori %gt3A_570, %and3A_573 : vector<64x256xi1>
    %ne3A_575 = arith.xori %eq3A_555, %eq3A_518 : vector<64x256xi1>
    %eq3A_576 = arith.xori %ne3A_575, %or3A_574 : vector<64x256xi1>
    %eq3A_577 = arith.constant dense<true> : vector<64x256xi1>
    %eq3A_578 = arith.xori %eq3A_576, %eq3A_577 : vector<64x256xi1>
    %select_n3A_579 = arith.select %eq3A_578, %select_n3A_548, %select_n3A_562 : vector<64x256xi1>, vector<64x256xi32>
    %select_n3A_580 = arith.select %eq3A_578, %select_n3A_549, %select_n3A_569 : vector<64x256xi1>, vector<64x256xi32>
    %and3A_581 = arith.constant 8 : i32
    %and3A_582 = vector.broadcast %and3A_581 : i32 to vector<64x256xi32>
    %and3A_583 = arith.andi %iota3A_8, %and3A_582 : vector<64x256xi32>
    %eq3A_584 = arith.constant 0 : i32
    %eq3A_585 = vector.broadcast %eq3A_584 : i32 to vector<64x256xi32>
    %eq3A_586 = arith.cmpi eq, %and3A_583, %eq3A_585 : vector<64x256xi32>
    %slice3A_587 = vector.extract_strided_slice %select_n3A_579 {offsets = [0, 8], sizes = [64, 248], strides = [1, 1]} : vector<64x256xi32> to vector<64x248xi32>
    %slice3A_588 = vector.extract_strided_slice %select_n3A_579 {offsets = [0, 0], sizes = [64, 8], strides = [1, 1]} : vector<64x256xi32> to vector<64x8xi32>
    %concatenate3A_589 = tpu.concatenate %slice3A_587, %slice3A_588 in 1 : vector<64x248xi32>, vector<64x8xi32> -> vector<64x256xi32>
    %slice3A_590 = vector.extract_strided_slice %select_n3A_579 {offsets = [0, 248], sizes = [64, 8], strides = [1, 1]} : vector<64x256xi32> to vector<64x8xi32>
    %slice3A_591 = vector.extract_strided_slice %select_n3A_579 {offsets = [0, 0], sizes = [64, 248], strides = [1, 1]} : vector<64x256xi32> to vector<64x248xi32>
    %concatenate3A_592 = tpu.concatenate %slice3A_590, %slice3A_591 in 1 : vector<64x8xi32>, vector<64x248xi32> -> vector<64x256xi32>
    %select_n3A_593 = arith.select %eq3A_586, %concatenate3A_589, %concatenate3A_592 : vector<64x256xi1>, vector<64x256xi32>
    %slice3A_594 = vector.extract_strided_slice %select_n3A_580 {offsets = [0, 8], sizes = [64, 248], strides = [1, 1]} : vector<64x256xi32> to vector<64x248xi32>
    %slice3A_595 = vector.extract_strided_slice %select_n3A_580 {offsets = [0, 0], sizes = [64, 8], strides = [1, 1]} : vector<64x256xi32> to vector<64x8xi32>
    %concatenate3A_596 = tpu.concatenate %slice3A_594, %slice3A_595 in 1 : vector<64x248xi32>, vector<64x8xi32> -> vector<64x256xi32>
    %slice3A_597 = vector.extract_strided_slice %select_n3A_580 {offsets = [0, 248], sizes = [64, 8], strides = [1, 1]} : vector<64x256xi32> to vector<64x8xi32>
    %slice3A_598 = vector.extract_strided_slice %select_n3A_580 {offsets = [0, 0], sizes = [64, 248], strides = [1, 1]} : vector<64x256xi32> to vector<64x248xi32>
    %concatenate3A_599 = tpu.concatenate %slice3A_597, %slice3A_598 in 1 : vector<64x8xi32>, vector<64x248xi32> -> vector<64x256xi32>
    %select_n3A_600 = arith.select %eq3A_586, %concatenate3A_596, %concatenate3A_599 : vector<64x256xi1>, vector<64x256xi32>
    %gt3A_601 = arith.cmpi sgt, %select_n3A_579, %select_n3A_593 : vector<64x256xi32>
    %eq3A_602 = arith.cmpi eq, %select_n3A_579, %select_n3A_593 : vector<64x256xi32>
    %lt3A_603 = arith.cmpi slt, %select_n3A_580, %select_n3A_600 : vector<64x256xi32>
    %and3A_604 = arith.andi %eq3A_602, %lt3A_603 : vector<64x256xi1>
    %or3A_605 = arith.ori %gt3A_601, %and3A_604 : vector<64x256xi1>
    %ne3A_606 = arith.xori %eq3A_586, %eq3A_518 : vector<64x256xi1>
    %eq3A_607 = arith.xori %ne3A_606, %or3A_605 : vector<64x256xi1>
    %eq3A_608 = arith.constant dense<true> : vector<64x256xi1>
    %eq3A_609 = arith.xori %eq3A_607, %eq3A_608 : vector<64x256xi1>
    %select_n3A_610 = arith.select %eq3A_609, %select_n3A_579, %select_n3A_593 : vector<64x256xi1>, vector<64x256xi32>
    %select_n3A_611 = arith.select %eq3A_609, %select_n3A_580, %select_n3A_600 : vector<64x256xi1>, vector<64x256xi32>
    %and3A_612 = arith.constant 4 : i32
    %and3A_613 = vector.broadcast %and3A_612 : i32 to vector<64x256xi32>
    %and3A_614 = arith.andi %iota3A_8, %and3A_613 : vector<64x256xi32>
    %eq3A_615 = arith.constant 0 : i32
    %eq3A_616 = vector.broadcast %eq3A_615 : i32 to vector<64x256xi32>
    %eq3A_617 = arith.cmpi eq, %and3A_614, %eq3A_616 : vector<64x256xi32>
    %slice3A_618 = vector.extract_strided_slice %select_n3A_610 {offsets = [0, 4], sizes = [64, 252], strides = [1, 1]} : vector<64x256xi32> to vector<64x252xi32>
    %slice3A_619 = vector.extract_strided_slice %select_n3A_610 {offsets = [0, 0], sizes = [64, 4], strides = [1, 1]} : vector<64x256xi32> to vector<64x4xi32>
    %concatenate3A_620 = tpu.concatenate %slice3A_618, %slice3A_619 in 1 : vector<64x252xi32>, vector<64x4xi32> -> vector<64x256xi32>
    %slice3A_621 = vector.extract_strided_slice %select_n3A_610 {offsets = [0, 252], sizes = [64, 4], strides = [1, 1]} : vector<64x256xi32> to vector<64x4xi32>
    %slice3A_622 = vector.extract_strided_slice %select_n3A_610 {offsets = [0, 0], sizes = [64, 252], strides = [1, 1]} : vector<64x256xi32> to vector<64x252xi32>
    %concatenate3A_623 = tpu.concatenate %slice3A_621, %slice3A_622 in 1 : vector<64x4xi32>, vector<64x252xi32> -> vector<64x256xi32>
    %select_n3A_624 = arith.select %eq3A_617, %concatenate3A_620, %concatenate3A_623 : vector<64x256xi1>, vector<64x256xi32>
    %slice3A_625 = vector.extract_strided_slice %select_n3A_611 {offsets = [0, 4], sizes = [64, 252], strides = [1, 1]} : vector<64x256xi32> to vector<64x252xi32>
    %slice3A_626 = vector.extract_strided_slice %select_n3A_611 {offsets = [0, 0], sizes = [64, 4], strides = [1, 1]} : vector<64x256xi32> to vector<64x4xi32>
    %concatenate3A_627 = tpu.concatenate %slice3A_625, %slice3A_626 in 1 : vector<64x252xi32>, vector<64x4xi32> -> vector<64x256xi32>
    %slice3A_628 = vector.extract_strided_slice %select_n3A_611 {offsets = [0, 252], sizes = [64, 4], strides = [1, 1]} : vector<64x256xi32> to vector<64x4xi32>
    %slice3A_629 = vector.extract_strided_slice %select_n3A_611 {offsets = [0, 0], sizes = [64, 252], strides = [1, 1]} : vector<64x256xi32> to vector<64x252xi32>
    %concatenate3A_630 = tpu.concatenate %slice3A_628, %slice3A_629 in 1 : vector<64x4xi32>, vector<64x252xi32> -> vector<64x256xi32>
    %select_n3A_631 = arith.select %eq3A_617, %concatenate3A_627, %concatenate3A_630 : vector<64x256xi1>, vector<64x256xi32>
    %gt3A_632 = arith.cmpi sgt, %select_n3A_610, %select_n3A_624 : vector<64x256xi32>
    %eq3A_633 = arith.cmpi eq, %select_n3A_610, %select_n3A_624 : vector<64x256xi32>
    %lt3A_634 = arith.cmpi slt, %select_n3A_611, %select_n3A_631 : vector<64x256xi32>
    %and3A_635 = arith.andi %eq3A_633, %lt3A_634 : vector<64x256xi1>
    %or3A_636 = arith.ori %gt3A_632, %and3A_635 : vector<64x256xi1>
    %ne3A_637 = arith.xori %eq3A_617, %eq3A_518 : vector<64x256xi1>
    %eq3A_638 = arith.xori %ne3A_637, %or3A_636 : vector<64x256xi1>
    %eq3A_639 = arith.constant dense<true> : vector<64x256xi1>
    %eq3A_640 = arith.xori %eq3A_638, %eq3A_639 : vector<64x256xi1>
    %select_n3A_641 = arith.select %eq3A_640, %select_n3A_610, %select_n3A_624 : vector<64x256xi1>, vector<64x256xi32>
    %select_n3A_642 = arith.select %eq3A_640, %select_n3A_611, %select_n3A_631 : vector<64x256xi1>, vector<64x256xi32>
    %and3A_643 = arith.constant 2 : i32
    %and3A_644 = vector.broadcast %and3A_643 : i32 to vector<64x256xi32>
    %and3A_645 = arith.andi %iota3A_8, %and3A_644 : vector<64x256xi32>
    %eq3A_646 = arith.constant 0 : i32
    %eq3A_647 = vector.broadcast %eq3A_646 : i32 to vector<64x256xi32>
    %eq3A_648 = arith.cmpi eq, %and3A_645, %eq3A_647 : vector<64x256xi32>
    %slice3A_649 = vector.extract_strided_slice %select_n3A_641 {offsets = [0, 2], sizes = [64, 254], strides = [1, 1]} : vector<64x256xi32> to vector<64x254xi32>
    %slice3A_650 = vector.extract_strided_slice %select_n3A_641 {offsets = [0, 0], sizes = [64, 2], strides = [1, 1]} : vector<64x256xi32> to vector<64x2xi32>
    %concatenate3A_651 = tpu.concatenate %slice3A_649, %slice3A_650 in 1 : vector<64x254xi32>, vector<64x2xi32> -> vector<64x256xi32>
    %slice3A_652 = vector.extract_strided_slice %select_n3A_641 {offsets = [0, 254], sizes = [64, 2], strides = [1, 1]} : vector<64x256xi32> to vector<64x2xi32>
    %slice3A_653 = vector.extract_strided_slice %select_n3A_641 {offsets = [0, 0], sizes = [64, 254], strides = [1, 1]} : vector<64x256xi32> to vector<64x254xi32>
    %concatenate3A_654 = tpu.concatenate %slice3A_652, %slice3A_653 in 1 : vector<64x2xi32>, vector<64x254xi32> -> vector<64x256xi32>
    %select_n3A_655 = arith.select %eq3A_648, %concatenate3A_651, %concatenate3A_654 : vector<64x256xi1>, vector<64x256xi32>
    %slice3A_656 = vector.extract_strided_slice %select_n3A_642 {offsets = [0, 2], sizes = [64, 254], strides = [1, 1]} : vector<64x256xi32> to vector<64x254xi32>
    %slice3A_657 = vector.extract_strided_slice %select_n3A_642 {offsets = [0, 0], sizes = [64, 2], strides = [1, 1]} : vector<64x256xi32> to vector<64x2xi32>
    %concatenate3A_658 = tpu.concatenate %slice3A_656, %slice3A_657 in 1 : vector<64x254xi32>, vector<64x2xi32> -> vector<64x256xi32>
    %slice3A_659 = vector.extract_strided_slice %select_n3A_642 {offsets = [0, 254], sizes = [64, 2], strides = [1, 1]} : vector<64x256xi32> to vector<64x2xi32>
    %slice3A_660 = vector.extract_strided_slice %select_n3A_642 {offsets = [0, 0], sizes = [64, 254], strides = [1, 1]} : vector<64x256xi32> to vector<64x254xi32>
    %concatenate3A_661 = tpu.concatenate %slice3A_659, %slice3A_660 in 1 : vector<64x2xi32>, vector<64x254xi32> -> vector<64x256xi32>
    %select_n3A_662 = arith.select %eq3A_648, %concatenate3A_658, %concatenate3A_661 : vector<64x256xi1>, vector<64x256xi32>
    %gt3A_663 = arith.cmpi sgt, %select_n3A_641, %select_n3A_655 : vector<64x256xi32>
    %eq3A_664 = arith.cmpi eq, %select_n3A_641, %select_n3A_655 : vector<64x256xi32>
    %lt3A_665 = arith.cmpi slt, %select_n3A_642, %select_n3A_662 : vector<64x256xi32>
    %and3A_666 = arith.andi %eq3A_664, %lt3A_665 : vector<64x256xi1>
    %or3A_667 = arith.ori %gt3A_663, %and3A_666 : vector<64x256xi1>
    %ne3A_668 = arith.xori %eq3A_648, %eq3A_518 : vector<64x256xi1>
    %eq3A_669 = arith.xori %ne3A_668, %or3A_667 : vector<64x256xi1>
    %eq3A_670 = arith.constant dense<true> : vector<64x256xi1>
    %eq3A_671 = arith.xori %eq3A_669, %eq3A_670 : vector<64x256xi1>
    %select_n3A_672 = arith.select %eq3A_671, %select_n3A_641, %select_n3A_655 : vector<64x256xi1>, vector<64x256xi32>
    %select_n3A_673 = arith.select %eq3A_671, %select_n3A_642, %select_n3A_662 : vector<64x256xi1>, vector<64x256xi32>
    %and3A_674 = arith.constant 1 : i32
    %and3A_675 = vector.broadcast %and3A_674 : i32 to vector<64x256xi32>
    %and3A_676 = arith.andi %iota3A_8, %and3A_675 : vector<64x256xi32>
    %eq3A_677 = arith.constant 0 : i32
    %eq3A_678 = vector.broadcast %eq3A_677 : i32 to vector<64x256xi32>
    %eq3A_679 = arith.cmpi eq, %and3A_676, %eq3A_678 : vector<64x256xi32>
    %slice3A_680 = vector.extract_strided_slice %select_n3A_672 {offsets = [0, 1], sizes = [64, 255], strides = [1, 1]} : vector<64x256xi32> to vector<64x255xi32>
    %slice3A_681 = vector.extract_strided_slice %select_n3A_672 {offsets = [0, 0], sizes = [64, 1], strides = [1, 1]} : vector<64x256xi32> to vector<64x1xi32>
    %concatenate3A_682 = tpu.concatenate %slice3A_680, %slice3A_681 in 1 : vector<64x255xi32>, vector<64x1xi32> -> vector<64x256xi32>
    %slice3A_683 = vector.extract_strided_slice %select_n3A_672 {offsets = [0, 255], sizes = [64, 1], strides = [1, 1]} : vector<64x256xi32> to vector<64x1xi32>
    %slice3A_684 = vector.extract_strided_slice %select_n3A_672 {offsets = [0, 0], sizes = [64, 255], strides = [1, 1]} : vector<64x256xi32> to vector<64x255xi32>
    %concatenate3A_685 = tpu.concatenate %slice3A_683, %slice3A_684 in 1 : vector<64x1xi32>, vector<64x255xi32> -> vector<64x256xi32>
    %select_n3A_686 = arith.select %eq3A_679, %concatenate3A_682, %concatenate3A_685 : vector<64x256xi1>, vector<64x256xi32>
    %slice3A_687 = vector.extract_strided_slice %select_n3A_673 {offsets = [0, 1], sizes = [64, 255], strides = [1, 1]} : vector<64x256xi32> to vector<64x255xi32>
    %slice3A_688 = vector.extract_strided_slice %select_n3A_673 {offsets = [0, 0], sizes = [64, 1], strides = [1, 1]} : vector<64x256xi32> to vector<64x1xi32>
    %concatenate3A_689 = tpu.concatenate %slice3A_687, %slice3A_688 in 1 : vector<64x255xi32>, vector<64x1xi32> -> vector<64x256xi32>
    %slice3A_690 = vector.extract_strided_slice %select_n3A_673 {offsets = [0, 255], sizes = [64, 1], strides = [1, 1]} : vector<64x256xi32> to vector<64x1xi32>
    %slice3A_691 = vector.extract_strided_slice %select_n3A_673 {offsets = [0, 0], sizes = [64, 255], strides = [1, 1]} : vector<64x256xi32> to vector<64x255xi32>
    %concatenate3A_692 = tpu.concatenate %slice3A_690, %slice3A_691 in 1 : vector<64x1xi32>, vector<64x255xi32> -> vector<64x256xi32>
    %select_n3A_693 = arith.select %eq3A_679, %concatenate3A_689, %concatenate3A_692 : vector<64x256xi1>, vector<64x256xi32>
    %gt3A_694 = arith.cmpi sgt, %select_n3A_672, %select_n3A_686 : vector<64x256xi32>
    %eq3A_695 = arith.cmpi eq, %select_n3A_672, %select_n3A_686 : vector<64x256xi32>
    %lt3A_696 = arith.cmpi slt, %select_n3A_673, %select_n3A_693 : vector<64x256xi32>
    %and3A_697 = arith.andi %eq3A_695, %lt3A_696 : vector<64x256xi1>
    %or3A_698 = arith.ori %gt3A_694, %and3A_697 : vector<64x256xi1>
    %ne3A_699 = arith.xori %eq3A_679, %eq3A_518 : vector<64x256xi1>
    %eq3A_700 = arith.xori %ne3A_699, %or3A_698 : vector<64x256xi1>
    %eq3A_701 = arith.constant dense<true> : vector<64x256xi1>
    %eq3A_702 = arith.xori %eq3A_700, %eq3A_701 : vector<64x256xi1>
    %select_n3A_703 = arith.select %eq3A_702, %select_n3A_672, %select_n3A_686 : vector<64x256xi1>, vector<64x256xi32>
    %select_n3A_704 = arith.select %eq3A_702, %select_n3A_673, %select_n3A_693 : vector<64x256xi1>, vector<64x256xi32>
    %shift_right_arithmetic3A_705 = arith.constant 7 : i32
    %shift_right_arithmetic3A_706 = vector.broadcast %shift_right_arithmetic3A_705 : i32 to vector<64x256xi32>
    %shift_right_arithmetic3A_707 = arith.shrsi %iota3A_8, %shift_right_arithmetic3A_706 : vector<64x256xi32>
    %and3A_708 = arith.constant 1 : i32
    %and3A_709 = vector.broadcast %and3A_708 : i32 to vector<64x256xi32>
    %and3A_710 = arith.andi %shift_right_arithmetic3A_707, %and3A_709 : vector<64x256xi32>
    %eq3A_711 = arith.constant 1 : i32
    %eq3A_712 = vector.broadcast %eq3A_711 : i32 to vector<64x256xi32>
    %eq3A_713 = arith.cmpi eq, %and3A_710, %eq3A_712 : vector<64x256xi32>
    %and3A_714 = arith.constant 64 : i32
    %and3A_715 = vector.broadcast %and3A_714 : i32 to vector<64x256xi32>
    %and3A_716 = arith.andi %iota3A_8, %and3A_715 : vector<64x256xi32>
    %eq3A_717 = arith.constant 0 : i32
    %eq3A_718 = vector.broadcast %eq3A_717 : i32 to vector<64x256xi32>
    %eq3A_719 = arith.cmpi eq, %and3A_716, %eq3A_718 : vector<64x256xi32>
    %slice3A_720 = vector.extract_strided_slice %select_n3A_703 {offsets = [0, 64], sizes = [64, 192], strides = [1, 1]} : vector<64x256xi32> to vector<64x192xi32>
    %slice3A_721 = vector.extract_strided_slice %select_n3A_703 {offsets = [0, 0], sizes = [64, 64], strides = [1, 1]} : vector<64x256xi32> to vector<64x64xi32>
    %concatenate3A_722 = tpu.concatenate %slice3A_720, %slice3A_721 in 1 : vector<64x192xi32>, vector<64x64xi32> -> vector<64x256xi32>
    %slice3A_723 = vector.extract_strided_slice %select_n3A_703 {offsets = [0, 192], sizes = [64, 64], strides = [1, 1]} : vector<64x256xi32> to vector<64x64xi32>
    %slice3A_724 = vector.extract_strided_slice %select_n3A_703 {offsets = [0, 0], sizes = [64, 192], strides = [1, 1]} : vector<64x256xi32> to vector<64x192xi32>
    %concatenate3A_725 = tpu.concatenate %slice3A_723, %slice3A_724 in 1 : vector<64x64xi32>, vector<64x192xi32> -> vector<64x256xi32>
    %select_n3A_726 = arith.select %eq3A_719, %concatenate3A_722, %concatenate3A_725 : vector<64x256xi1>, vector<64x256xi32>
    %slice3A_727 = vector.extract_strided_slice %select_n3A_704 {offsets = [0, 64], sizes = [64, 192], strides = [1, 1]} : vector<64x256xi32> to vector<64x192xi32>
    %slice3A_728 = vector.extract_strided_slice %select_n3A_704 {offsets = [0, 0], sizes = [64, 64], strides = [1, 1]} : vector<64x256xi32> to vector<64x64xi32>
    %concatenate3A_729 = tpu.concatenate %slice3A_727, %slice3A_728 in 1 : vector<64x192xi32>, vector<64x64xi32> -> vector<64x256xi32>
    %slice3A_730 = vector.extract_strided_slice %select_n3A_704 {offsets = [0, 192], sizes = [64, 64], strides = [1, 1]} : vector<64x256xi32> to vector<64x64xi32>
    %slice3A_731 = vector.extract_strided_slice %select_n3A_704 {offsets = [0, 0], sizes = [64, 192], strides = [1, 1]} : vector<64x256xi32> to vector<64x192xi32>
    %concatenate3A_732 = tpu.concatenate %slice3A_730, %slice3A_731 in 1 : vector<64x64xi32>, vector<64x192xi32> -> vector<64x256xi32>
    %select_n3A_733 = arith.select %eq3A_719, %concatenate3A_729, %concatenate3A_732 : vector<64x256xi1>, vector<64x256xi32>
    %gt3A_734 = arith.cmpi sgt, %select_n3A_703, %select_n3A_726 : vector<64x256xi32>
    %eq3A_735 = arith.cmpi eq, %select_n3A_703, %select_n3A_726 : vector<64x256xi32>
    %lt3A_736 = arith.cmpi slt, %select_n3A_704, %select_n3A_733 : vector<64x256xi32>
    %and3A_737 = arith.andi %eq3A_735, %lt3A_736 : vector<64x256xi1>
    %or3A_738 = arith.ori %gt3A_734, %and3A_737 : vector<64x256xi1>
    %ne3A_739 = arith.xori %eq3A_719, %eq3A_713 : vector<64x256xi1>
    %eq3A_740 = arith.xori %ne3A_739, %or3A_738 : vector<64x256xi1>
    %eq3A_741 = arith.constant dense<true> : vector<64x256xi1>
    %eq3A_742 = arith.xori %eq3A_740, %eq3A_741 : vector<64x256xi1>
    %select_n3A_743 = arith.select %eq3A_742, %select_n3A_703, %select_n3A_726 : vector<64x256xi1>, vector<64x256xi32>
    %select_n3A_744 = arith.select %eq3A_742, %select_n3A_704, %select_n3A_733 : vector<64x256xi1>, vector<64x256xi32>
    %and3A_745 = arith.constant 32 : i32
    %and3A_746 = vector.broadcast %and3A_745 : i32 to vector<64x256xi32>
    %and3A_747 = arith.andi %iota3A_8, %and3A_746 : vector<64x256xi32>
    %eq3A_748 = arith.constant 0 : i32
    %eq3A_749 = vector.broadcast %eq3A_748 : i32 to vector<64x256xi32>
    %eq3A_750 = arith.cmpi eq, %and3A_747, %eq3A_749 : vector<64x256xi32>
    %slice3A_751 = vector.extract_strided_slice %select_n3A_743 {offsets = [0, 32], sizes = [64, 224], strides = [1, 1]} : vector<64x256xi32> to vector<64x224xi32>
    %slice3A_752 = vector.extract_strided_slice %select_n3A_743 {offsets = [0, 0], sizes = [64, 32], strides = [1, 1]} : vector<64x256xi32> to vector<64x32xi32>
    %concatenate3A_753 = tpu.concatenate %slice3A_751, %slice3A_752 in 1 : vector<64x224xi32>, vector<64x32xi32> -> vector<64x256xi32>
    %slice3A_754 = vector.extract_strided_slice %select_n3A_743 {offsets = [0, 224], sizes = [64, 32], strides = [1, 1]} : vector<64x256xi32> to vector<64x32xi32>
    %slice3A_755 = vector.extract_strided_slice %select_n3A_743 {offsets = [0, 0], sizes = [64, 224], strides = [1, 1]} : vector<64x256xi32> to vector<64x224xi32>
    %concatenate3A_756 = tpu.concatenate %slice3A_754, %slice3A_755 in 1 : vector<64x32xi32>, vector<64x224xi32> -> vector<64x256xi32>
    %select_n3A_757 = arith.select %eq3A_750, %concatenate3A_753, %concatenate3A_756 : vector<64x256xi1>, vector<64x256xi32>
    %slice3A_758 = vector.extract_strided_slice %select_n3A_744 {offsets = [0, 32], sizes = [64, 224], strides = [1, 1]} : vector<64x256xi32> to vector<64x224xi32>
    %slice3A_759 = vector.extract_strided_slice %select_n3A_744 {offsets = [0, 0], sizes = [64, 32], strides = [1, 1]} : vector<64x256xi32> to vector<64x32xi32>
    %concatenate3A_760 = tpu.concatenate %slice3A_758, %slice3A_759 in 1 : vector<64x224xi32>, vector<64x32xi32> -> vector<64x256xi32>
    %slice3A_761 = vector.extract_strided_slice %select_n3A_744 {offsets = [0, 224], sizes = [64, 32], strides = [1, 1]} : vector<64x256xi32> to vector<64x32xi32>
    %slice3A_762 = vector.extract_strided_slice %select_n3A_744 {offsets = [0, 0], sizes = [64, 224], strides = [1, 1]} : vector<64x256xi32> to vector<64x224xi32>
    %concatenate3A_763 = tpu.concatenate %slice3A_761, %slice3A_762 in 1 : vector<64x32xi32>, vector<64x224xi32> -> vector<64x256xi32>
    %select_n3A_764 = arith.select %eq3A_750, %concatenate3A_760, %concatenate3A_763 : vector<64x256xi1>, vector<64x256xi32>
    %gt3A_765 = arith.cmpi sgt, %select_n3A_743, %select_n3A_757 : vector<64x256xi32>
    %eq3A_766 = arith.cmpi eq, %select_n3A_743, %select_n3A_757 : vector<64x256xi32>
    %lt3A_767 = arith.cmpi slt, %select_n3A_744, %select_n3A_764 : vector<64x256xi32>
    %and3A_768 = arith.andi %eq3A_766, %lt3A_767 : vector<64x256xi1>
    %or3A_769 = arith.ori %gt3A_765, %and3A_768 : vector<64x256xi1>
    %ne3A_770 = arith.xori %eq3A_750, %eq3A_713 : vector<64x256xi1>
    %eq3A_771 = arith.xori %ne3A_770, %or3A_769 : vector<64x256xi1>
    %eq3A_772 = arith.constant dense<true> : vector<64x256xi1>
    %eq3A_773 = arith.xori %eq3A_771, %eq3A_772 : vector<64x256xi1>
    %select_n3A_774 = arith.select %eq3A_773, %select_n3A_743, %select_n3A_757 : vector<64x256xi1>, vector<64x256xi32>
    %select_n3A_775 = arith.select %eq3A_773, %select_n3A_744, %select_n3A_764 : vector<64x256xi1>, vector<64x256xi32>
    %and3A_776 = arith.constant 16 : i32
    %and3A_777 = vector.broadcast %and3A_776 : i32 to vector<64x256xi32>
    %and3A_778 = arith.andi %iota3A_8, %and3A_777 : vector<64x256xi32>
    %eq3A_779 = arith.constant 0 : i32
    %eq3A_780 = vector.broadcast %eq3A_779 : i32 to vector<64x256xi32>
    %eq3A_781 = arith.cmpi eq, %and3A_778, %eq3A_780 : vector<64x256xi32>
    %slice3A_782 = vector.extract_strided_slice %select_n3A_774 {offsets = [0, 16], sizes = [64, 240], strides = [1, 1]} : vector<64x256xi32> to vector<64x240xi32>
    %slice3A_783 = vector.extract_strided_slice %select_n3A_774 {offsets = [0, 0], sizes = [64, 16], strides = [1, 1]} : vector<64x256xi32> to vector<64x16xi32>
    %concatenate3A_784 = tpu.concatenate %slice3A_782, %slice3A_783 in 1 : vector<64x240xi32>, vector<64x16xi32> -> vector<64x256xi32>
    %slice3A_785 = vector.extract_strided_slice %select_n3A_774 {offsets = [0, 240], sizes = [64, 16], strides = [1, 1]} : vector<64x256xi32> to vector<64x16xi32>
    %slice3A_786 = vector.extract_strided_slice %select_n3A_774 {offsets = [0, 0], sizes = [64, 240], strides = [1, 1]} : vector<64x256xi32> to vector<64x240xi32>
    %concatenate3A_787 = tpu.concatenate %slice3A_785, %slice3A_786 in 1 : vector<64x16xi32>, vector<64x240xi32> -> vector<64x256xi32>
    %select_n3A_788 = arith.select %eq3A_781, %concatenate3A_784, %concatenate3A_787 : vector<64x256xi1>, vector<64x256xi32>
    %slice3A_789 = vector.extract_strided_slice %select_n3A_775 {offsets = [0, 16], sizes = [64, 240], strides = [1, 1]} : vector<64x256xi32> to vector<64x240xi32>
    %slice3A_790 = vector.extract_strided_slice %select_n3A_775 {offsets = [0, 0], sizes = [64, 16], strides = [1, 1]} : vector<64x256xi32> to vector<64x16xi32>
    %concatenate3A_791 = tpu.concatenate %slice3A_789, %slice3A_790 in 1 : vector<64x240xi32>, vector<64x16xi32> -> vector<64x256xi32>
    %slice3A_792 = vector.extract_strided_slice %select_n3A_775 {offsets = [0, 240], sizes = [64, 16], strides = [1, 1]} : vector<64x256xi32> to vector<64x16xi32>
    %slice3A_793 = vector.extract_strided_slice %select_n3A_775 {offsets = [0, 0], sizes = [64, 240], strides = [1, 1]} : vector<64x256xi32> to vector<64x240xi32>
    %concatenate3A_794 = tpu.concatenate %slice3A_792, %slice3A_793 in 1 : vector<64x16xi32>, vector<64x240xi32> -> vector<64x256xi32>
    %select_n3A_795 = arith.select %eq3A_781, %concatenate3A_791, %concatenate3A_794 : vector<64x256xi1>, vector<64x256xi32>
    %gt3A_796 = arith.cmpi sgt, %select_n3A_774, %select_n3A_788 : vector<64x256xi32>
    %eq3A_797 = arith.cmpi eq, %select_n3A_774, %select_n3A_788 : vector<64x256xi32>
    %lt3A_798 = arith.cmpi slt, %select_n3A_775, %select_n3A_795 : vector<64x256xi32>
    %and3A_799 = arith.andi %eq3A_797, %lt3A_798 : vector<64x256xi1>
    %or3A_800 = arith.ori %gt3A_796, %and3A_799 : vector<64x256xi1>
    %ne3A_801 = arith.xori %eq3A_781, %eq3A_713 : vector<64x256xi1>
    %eq3A_802 = arith.xori %ne3A_801, %or3A_800 : vector<64x256xi1>
    %eq3A_803 = arith.constant dense<true> : vector<64x256xi1>
    %eq3A_804 = arith.xori %eq3A_802, %eq3A_803 : vector<64x256xi1>
    %select_n3A_805 = arith.select %eq3A_804, %select_n3A_774, %select_n3A_788 : vector<64x256xi1>, vector<64x256xi32>
    %select_n3A_806 = arith.select %eq3A_804, %select_n3A_775, %select_n3A_795 : vector<64x256xi1>, vector<64x256xi32>
    %and3A_807 = arith.constant 8 : i32
    %and3A_808 = vector.broadcast %and3A_807 : i32 to vector<64x256xi32>
    %and3A_809 = arith.andi %iota3A_8, %and3A_808 : vector<64x256xi32>
    %eq3A_810 = arith.constant 0 : i32
    %eq3A_811 = vector.broadcast %eq3A_810 : i32 to vector<64x256xi32>
    %eq3A_812 = arith.cmpi eq, %and3A_809, %eq3A_811 : vector<64x256xi32>
    %slice3A_813 = vector.extract_strided_slice %select_n3A_805 {offsets = [0, 8], sizes = [64, 248], strides = [1, 1]} : vector<64x256xi32> to vector<64x248xi32>
    %slice3A_814 = vector.extract_strided_slice %select_n3A_805 {offsets = [0, 0], sizes = [64, 8], strides = [1, 1]} : vector<64x256xi32> to vector<64x8xi32>
    %concatenate3A_815 = tpu.concatenate %slice3A_813, %slice3A_814 in 1 : vector<64x248xi32>, vector<64x8xi32> -> vector<64x256xi32>
    %slice3A_816 = vector.extract_strided_slice %select_n3A_805 {offsets = [0, 248], sizes = [64, 8], strides = [1, 1]} : vector<64x256xi32> to vector<64x8xi32>
    %slice3A_817 = vector.extract_strided_slice %select_n3A_805 {offsets = [0, 0], sizes = [64, 248], strides = [1, 1]} : vector<64x256xi32> to vector<64x248xi32>
    %concatenate3A_818 = tpu.concatenate %slice3A_816, %slice3A_817 in 1 : vector<64x8xi32>, vector<64x248xi32> -> vector<64x256xi32>
    %select_n3A_819 = arith.select %eq3A_812, %concatenate3A_815, %concatenate3A_818 : vector<64x256xi1>, vector<64x256xi32>
    %slice3A_820 = vector.extract_strided_slice %select_n3A_806 {offsets = [0, 8], sizes = [64, 248], strides = [1, 1]} : vector<64x256xi32> to vector<64x248xi32>
    %slice3A_821 = vector.extract_strided_slice %select_n3A_806 {offsets = [0, 0], sizes = [64, 8], strides = [1, 1]} : vector<64x256xi32> to vector<64x8xi32>
    %concatenate3A_822 = tpu.concatenate %slice3A_820, %slice3A_821 in 1 : vector<64x248xi32>, vector<64x8xi32> -> vector<64x256xi32>
    %slice3A_823 = vector.extract_strided_slice %select_n3A_806 {offsets = [0, 248], sizes = [64, 8], strides = [1, 1]} : vector<64x256xi32> to vector<64x8xi32>
    %slice3A_824 = vector.extract_strided_slice %select_n3A_806 {offsets = [0, 0], sizes = [64, 248], strides = [1, 1]} : vector<64x256xi32> to vector<64x248xi32>
    %concatenate3A_825 = tpu.concatenate %slice3A_823, %slice3A_824 in 1 : vector<64x8xi32>, vector<64x248xi32> -> vector<64x256xi32>
    %select_n3A_826 = arith.select %eq3A_812, %concatenate3A_822, %concatenate3A_825 : vector<64x256xi1>, vector<64x256xi32>
    %gt3A_827 = arith.cmpi sgt, %select_n3A_805, %select_n3A_819 : vector<64x256xi32>
    %eq3A_828 = arith.cmpi eq, %select_n3A_805, %select_n3A_819 : vector<64x256xi32>
    %lt3A_829 = arith.cmpi slt, %select_n3A_806, %select_n3A_826 : vector<64x256xi32>
    %and3A_830 = arith.andi %eq3A_828, %lt3A_829 : vector<64x256xi1>
    %or3A_831 = arith.ori %gt3A_827, %and3A_830 : vector<64x256xi1>
    %ne3A_832 = arith.xori %eq3A_812, %eq3A_713 : vector<64x256xi1>
    %eq3A_833 = arith.xori %ne3A_832, %or3A_831 : vector<64x256xi1>
    %eq3A_834 = arith.constant dense<true> : vector<64x256xi1>
    %eq3A_835 = arith.xori %eq3A_833, %eq3A_834 : vector<64x256xi1>
    %select_n3A_836 = arith.select %eq3A_835, %select_n3A_805, %select_n3A_819 : vector<64x256xi1>, vector<64x256xi32>
    %select_n3A_837 = arith.select %eq3A_835, %select_n3A_806, %select_n3A_826 : vector<64x256xi1>, vector<64x256xi32>
    %and3A_838 = arith.constant 4 : i32
    %and3A_839 = vector.broadcast %and3A_838 : i32 to vector<64x256xi32>
    %and3A_840 = arith.andi %iota3A_8, %and3A_839 : vector<64x256xi32>
    %eq3A_841 = arith.constant 0 : i32
    %eq3A_842 = vector.broadcast %eq3A_841 : i32 to vector<64x256xi32>
    %eq3A_843 = arith.cmpi eq, %and3A_840, %eq3A_842 : vector<64x256xi32>
    %slice3A_844 = vector.extract_strided_slice %select_n3A_836 {offsets = [0, 4], sizes = [64, 252], strides = [1, 1]} : vector<64x256xi32> to vector<64x252xi32>
    %slice3A_845 = vector.extract_strided_slice %select_n3A_836 {offsets = [0, 0], sizes = [64, 4], strides = [1, 1]} : vector<64x256xi32> to vector<64x4xi32>
    %concatenate3A_846 = tpu.concatenate %slice3A_844, %slice3A_845 in 1 : vector<64x252xi32>, vector<64x4xi32> -> vector<64x256xi32>
    %slice3A_847 = vector.extract_strided_slice %select_n3A_836 {offsets = [0, 252], sizes = [64, 4], strides = [1, 1]} : vector<64x256xi32> to vector<64x4xi32>
    %slice3A_848 = vector.extract_strided_slice %select_n3A_836 {offsets = [0, 0], sizes = [64, 252], strides = [1, 1]} : vector<64x256xi32> to vector<64x252xi32>
    %concatenate3A_849 = tpu.concatenate %slice3A_847, %slice3A_848 in 1 : vector<64x4xi32>, vector<64x252xi32> -> vector<64x256xi32>
    %select_n3A_850 = arith.select %eq3A_843, %concatenate3A_846, %concatenate3A_849 : vector<64x256xi1>, vector<64x256xi32>
    %slice3A_851 = vector.extract_strided_slice %select_n3A_837 {offsets = [0, 4], sizes = [64, 252], strides = [1, 1]} : vector<64x256xi32> to vector<64x252xi32>
    %slice3A_852 = vector.extract_strided_slice %select_n3A_837 {offsets = [0, 0], sizes = [64, 4], strides = [1, 1]} : vector<64x256xi32> to vector<64x4xi32>
    %concatenate3A_853 = tpu.concatenate %slice3A_851, %slice3A_852 in 1 : vector<64x252xi32>, vector<64x4xi32> -> vector<64x256xi32>
    %slice3A_854 = vector.extract_strided_slice %select_n3A_837 {offsets = [0, 252], sizes = [64, 4], strides = [1, 1]} : vector<64x256xi32> to vector<64x4xi32>
    %slice3A_855 = vector.extract_strided_slice %select_n3A_837 {offsets = [0, 0], sizes = [64, 252], strides = [1, 1]} : vector<64x256xi32> to vector<64x252xi32>
    %concatenate3A_856 = tpu.concatenate %slice3A_854, %slice3A_855 in 1 : vector<64x4xi32>, vector<64x252xi32> -> vector<64x256xi32>
    %select_n3A_857 = arith.select %eq3A_843, %concatenate3A_853, %concatenate3A_856 : vector<64x256xi1>, vector<64x256xi32>
    %gt3A_858 = arith.cmpi sgt, %select_n3A_836, %select_n3A_850 : vector<64x256xi32>
    %eq3A_859 = arith.cmpi eq, %select_n3A_836, %select_n3A_850 : vector<64x256xi32>
    %lt3A_860 = arith.cmpi slt, %select_n3A_837, %select_n3A_857 : vector<64x256xi32>
    %and3A_861 = arith.andi %eq3A_859, %lt3A_860 : vector<64x256xi1>
    %or3A_862 = arith.ori %gt3A_858, %and3A_861 : vector<64x256xi1>
    %ne3A_863 = arith.xori %eq3A_843, %eq3A_713 : vector<64x256xi1>
    %eq3A_864 = arith.xori %ne3A_863, %or3A_862 : vector<64x256xi1>
    %eq3A_865 = arith.constant dense<true> : vector<64x256xi1>
    %eq3A_866 = arith.xori %eq3A_864, %eq3A_865 : vector<64x256xi1>
    %select_n3A_867 = arith.select %eq3A_866, %select_n3A_836, %select_n3A_850 : vector<64x256xi1>, vector<64x256xi32>
    %select_n3A_868 = arith.select %eq3A_866, %select_n3A_837, %select_n3A_857 : vector<64x256xi1>, vector<64x256xi32>
    %and3A_869 = arith.constant 2 : i32
    %and3A_870 = vector.broadcast %and3A_869 : i32 to vector<64x256xi32>
    %and3A_871 = arith.andi %iota3A_8, %and3A_870 : vector<64x256xi32>
    %eq3A_872 = arith.constant 0 : i32
    %eq3A_873 = vector.broadcast %eq3A_872 : i32 to vector<64x256xi32>
    %eq3A_874 = arith.cmpi eq, %and3A_871, %eq3A_873 : vector<64x256xi32>
    %slice3A_875 = vector.extract_strided_slice %select_n3A_867 {offsets = [0, 2], sizes = [64, 254], strides = [1, 1]} : vector<64x256xi32> to vector<64x254xi32>
    %slice3A_876 = vector.extract_strided_slice %select_n3A_867 {offsets = [0, 0], sizes = [64, 2], strides = [1, 1]} : vector<64x256xi32> to vector<64x2xi32>
    %concatenate3A_877 = tpu.concatenate %slice3A_875, %slice3A_876 in 1 : vector<64x254xi32>, vector<64x2xi32> -> vector<64x256xi32>
    %slice3A_878 = vector.extract_strided_slice %select_n3A_867 {offsets = [0, 254], sizes = [64, 2], strides = [1, 1]} : vector<64x256xi32> to vector<64x2xi32>
    %slice3A_879 = vector.extract_strided_slice %select_n3A_867 {offsets = [0, 0], sizes = [64, 254], strides = [1, 1]} : vector<64x256xi32> to vector<64x254xi32>
    %concatenate3A_880 = tpu.concatenate %slice3A_878, %slice3A_879 in 1 : vector<64x2xi32>, vector<64x254xi32> -> vector<64x256xi32>
    %select_n3A_881 = arith.select %eq3A_874, %concatenate3A_877, %concatenate3A_880 : vector<64x256xi1>, vector<64x256xi32>
    %slice3A_882 = vector.extract_strided_slice %select_n3A_868 {offsets = [0, 2], sizes = [64, 254], strides = [1, 1]} : vector<64x256xi32> to vector<64x254xi32>
    %slice3A_883 = vector.extract_strided_slice %select_n3A_868 {offsets = [0, 0], sizes = [64, 2], strides = [1, 1]} : vector<64x256xi32> to vector<64x2xi32>
    %concatenate3A_884 = tpu.concatenate %slice3A_882, %slice3A_883 in 1 : vector<64x254xi32>, vector<64x2xi32> -> vector<64x256xi32>
    %slice3A_885 = vector.extract_strided_slice %select_n3A_868 {offsets = [0, 254], sizes = [64, 2], strides = [1, 1]} : vector<64x256xi32> to vector<64x2xi32>
    %slice3A_886 = vector.extract_strided_slice %select_n3A_868 {offsets = [0, 0], sizes = [64, 254], strides = [1, 1]} : vector<64x256xi32> to vector<64x254xi32>
    %concatenate3A_887 = tpu.concatenate %slice3A_885, %slice3A_886 in 1 : vector<64x2xi32>, vector<64x254xi32> -> vector<64x256xi32>
    %select_n3A_888 = arith.select %eq3A_874, %concatenate3A_884, %concatenate3A_887 : vector<64x256xi1>, vector<64x256xi32>
    %gt3A_889 = arith.cmpi sgt, %select_n3A_867, %select_n3A_881 : vector<64x256xi32>
    %eq3A_890 = arith.cmpi eq, %select_n3A_867, %select_n3A_881 : vector<64x256xi32>
    %lt3A_891 = arith.cmpi slt, %select_n3A_868, %select_n3A_888 : vector<64x256xi32>
    %and3A_892 = arith.andi %eq3A_890, %lt3A_891 : vector<64x256xi1>
    %or3A_893 = arith.ori %gt3A_889, %and3A_892 : vector<64x256xi1>
    %ne3A_894 = arith.xori %eq3A_874, %eq3A_713 : vector<64x256xi1>
    %eq3A_895 = arith.xori %ne3A_894, %or3A_893 : vector<64x256xi1>
    %eq3A_896 = arith.constant dense<true> : vector<64x256xi1>
    %eq3A_897 = arith.xori %eq3A_895, %eq3A_896 : vector<64x256xi1>
    %select_n3A_898 = arith.select %eq3A_897, %select_n3A_867, %select_n3A_881 : vector<64x256xi1>, vector<64x256xi32>
    %select_n3A_899 = arith.select %eq3A_897, %select_n3A_868, %select_n3A_888 : vector<64x256xi1>, vector<64x256xi32>
    %and3A_900 = arith.constant 1 : i32
    %and3A_901 = vector.broadcast %and3A_900 : i32 to vector<64x256xi32>
    %and3A_902 = arith.andi %iota3A_8, %and3A_901 : vector<64x256xi32>
    %eq3A_903 = arith.constant 0 : i32
    %eq3A_904 = vector.broadcast %eq3A_903 : i32 to vector<64x256xi32>
    %eq3A_905 = arith.cmpi eq, %and3A_902, %eq3A_904 : vector<64x256xi32>
    %slice3A_906 = vector.extract_strided_slice %select_n3A_898 {offsets = [0, 1], sizes = [64, 255], strides = [1, 1]} : vector<64x256xi32> to vector<64x255xi32>
    %slice3A_907 = vector.extract_strided_slice %select_n3A_898 {offsets = [0, 0], sizes = [64, 1], strides = [1, 1]} : vector<64x256xi32> to vector<64x1xi32>
    %concatenate3A_908 = tpu.concatenate %slice3A_906, %slice3A_907 in 1 : vector<64x255xi32>, vector<64x1xi32> -> vector<64x256xi32>
    %slice3A_909 = vector.extract_strided_slice %select_n3A_898 {offsets = [0, 255], sizes = [64, 1], strides = [1, 1]} : vector<64x256xi32> to vector<64x1xi32>
    %slice3A_910 = vector.extract_strided_slice %select_n3A_898 {offsets = [0, 0], sizes = [64, 255], strides = [1, 1]} : vector<64x256xi32> to vector<64x255xi32>
    %concatenate3A_911 = tpu.concatenate %slice3A_909, %slice3A_910 in 1 : vector<64x1xi32>, vector<64x255xi32> -> vector<64x256xi32>
    %select_n3A_912 = arith.select %eq3A_905, %concatenate3A_908, %concatenate3A_911 : vector<64x256xi1>, vector<64x256xi32>
    %slice3A_913 = vector.extract_strided_slice %select_n3A_899 {offsets = [0, 1], sizes = [64, 255], strides = [1, 1]} : vector<64x256xi32> to vector<64x255xi32>
    %slice3A_914 = vector.extract_strided_slice %select_n3A_899 {offsets = [0, 0], sizes = [64, 1], strides = [1, 1]} : vector<64x256xi32> to vector<64x1xi32>
    %concatenate3A_915 = tpu.concatenate %slice3A_913, %slice3A_914 in 1 : vector<64x255xi32>, vector<64x1xi32> -> vector<64x256xi32>
    %slice3A_916 = vector.extract_strided_slice %select_n3A_899 {offsets = [0, 255], sizes = [64, 1], strides = [1, 1]} : vector<64x256xi32> to vector<64x1xi32>
    %slice3A_917 = vector.extract_strided_slice %select_n3A_899 {offsets = [0, 0], sizes = [64, 255], strides = [1, 1]} : vector<64x256xi32> to vector<64x255xi32>
    %concatenate3A_918 = tpu.concatenate %slice3A_916, %slice3A_917 in 1 : vector<64x1xi32>, vector<64x255xi32> -> vector<64x256xi32>
    %select_n3A_919 = arith.select %eq3A_905, %concatenate3A_915, %concatenate3A_918 : vector<64x256xi1>, vector<64x256xi32>
    %gt3A_920 = arith.cmpi sgt, %select_n3A_898, %select_n3A_912 : vector<64x256xi32>
    %eq3A_921 = arith.cmpi eq, %select_n3A_898, %select_n3A_912 : vector<64x256xi32>
    %lt3A_922 = arith.cmpi slt, %select_n3A_899, %select_n3A_919 : vector<64x256xi32>
    %and3A_923 = arith.andi %eq3A_921, %lt3A_922 : vector<64x256xi1>
    %or3A_924 = arith.ori %gt3A_920, %and3A_923 : vector<64x256xi1>
    %ne3A_925 = arith.xori %eq3A_905, %eq3A_713 : vector<64x256xi1>
    %eq3A_926 = arith.xori %ne3A_925, %or3A_924 : vector<64x256xi1>
    %eq3A_927 = arith.constant dense<true> : vector<64x256xi1>
    %eq3A_928 = arith.xori %eq3A_926, %eq3A_927 : vector<64x256xi1>
    %select_n3A_929 = arith.select %eq3A_928, %select_n3A_898, %select_n3A_912 : vector<64x256xi1>, vector<64x256xi32>
    %select_n3A_930 = arith.select %eq3A_928, %select_n3A_899, %select_n3A_919 : vector<64x256xi1>, vector<64x256xi32>
    %shift_right_arithmetic3A_931 = arith.constant 8 : i32
    %shift_right_arithmetic3A_932 = vector.broadcast %shift_right_arithmetic3A_931 : i32 to vector<64x256xi32>
    %shift_right_arithmetic3A_933 = arith.shrsi %iota3A_8, %shift_right_arithmetic3A_932 : vector<64x256xi32>
    %and3A_934 = arith.constant 1 : i32
    %and3A_935 = vector.broadcast %and3A_934 : i32 to vector<64x256xi32>
    %and3A_936 = arith.andi %shift_right_arithmetic3A_933, %and3A_935 : vector<64x256xi32>
    %eq3A_937 = arith.constant 1 : i32
    %eq3A_938 = vector.broadcast %eq3A_937 : i32 to vector<64x256xi32>
    %eq3A_939 = arith.cmpi eq, %and3A_936, %eq3A_938 : vector<64x256xi32>
    %and3A_940 = arith.constant 128 : i32
    %and3A_941 = vector.broadcast %and3A_940 : i32 to vector<64x256xi32>
    %and3A_942 = arith.andi %iota3A_8, %and3A_941 : vector<64x256xi32>
    %eq3A_943 = arith.constant 0 : i32
    %eq3A_944 = vector.broadcast %eq3A_943 : i32 to vector<64x256xi32>
    %eq3A_945 = arith.cmpi eq, %and3A_942, %eq3A_944 : vector<64x256xi32>
    %slice3A_946 = vector.extract_strided_slice %select_n3A_929 {offsets = [0, 128], sizes = [64, 128], strides = [1, 1]} : vector<64x256xi32> to vector<64x128xi32>
    %slice3A_947 = vector.extract_strided_slice %select_n3A_929 {offsets = [0, 0], sizes = [64, 128], strides = [1, 1]} : vector<64x256xi32> to vector<64x128xi32>
    %concatenate3A_948 = tpu.concatenate %slice3A_946, %slice3A_947 in 1 : vector<64x128xi32>, vector<64x128xi32> -> vector<64x256xi32>
    %slice3A_949 = vector.extract_strided_slice %select_n3A_929 {offsets = [0, 128], sizes = [64, 128], strides = [1, 1]} : vector<64x256xi32> to vector<64x128xi32>
    %slice3A_950 = vector.extract_strided_slice %select_n3A_929 {offsets = [0, 0], sizes = [64, 128], strides = [1, 1]} : vector<64x256xi32> to vector<64x128xi32>
    %concatenate3A_951 = tpu.concatenate %slice3A_949, %slice3A_950 in 1 : vector<64x128xi32>, vector<64x128xi32> -> vector<64x256xi32>
    %select_n3A_952 = arith.select %eq3A_945, %concatenate3A_948, %concatenate3A_951 : vector<64x256xi1>, vector<64x256xi32>
    %slice3A_953 = vector.extract_strided_slice %select_n3A_930 {offsets = [0, 128], sizes = [64, 128], strides = [1, 1]} : vector<64x256xi32> to vector<64x128xi32>
    %slice3A_954 = vector.extract_strided_slice %select_n3A_930 {offsets = [0, 0], sizes = [64, 128], strides = [1, 1]} : vector<64x256xi32> to vector<64x128xi32>
    %concatenate3A_955 = tpu.concatenate %slice3A_953, %slice3A_954 in 1 : vector<64x128xi32>, vector<64x128xi32> -> vector<64x256xi32>
    %slice3A_956 = vector.extract_strided_slice %select_n3A_930 {offsets = [0, 128], sizes = [64, 128], strides = [1, 1]} : vector<64x256xi32> to vector<64x128xi32>
    %slice3A_957 = vector.extract_strided_slice %select_n3A_930 {offsets = [0, 0], sizes = [64, 128], strides = [1, 1]} : vector<64x256xi32> to vector<64x128xi32>
    %concatenate3A_958 = tpu.concatenate %slice3A_956, %slice3A_957 in 1 : vector<64x128xi32>, vector<64x128xi32> -> vector<64x256xi32>
    %select_n3A_959 = arith.select %eq3A_945, %concatenate3A_955, %concatenate3A_958 : vector<64x256xi1>, vector<64x256xi32>
    %gt3A_960 = arith.cmpi sgt, %select_n3A_929, %select_n3A_952 : vector<64x256xi32>
    %eq3A_961 = arith.cmpi eq, %select_n3A_929, %select_n3A_952 : vector<64x256xi32>
    %lt3A_962 = arith.cmpi slt, %select_n3A_930, %select_n3A_959 : vector<64x256xi32>
    %and3A_963 = arith.andi %eq3A_961, %lt3A_962 : vector<64x256xi1>
    %or3A_964 = arith.ori %gt3A_960, %and3A_963 : vector<64x256xi1>
    %ne3A_965 = arith.xori %eq3A_945, %eq3A_939 : vector<64x256xi1>
    %eq3A_966 = arith.xori %ne3A_965, %or3A_964 : vector<64x256xi1>
    %eq3A_967 = arith.constant dense<true> : vector<64x256xi1>
    %eq3A_968 = arith.xori %eq3A_966, %eq3A_967 : vector<64x256xi1>
    %select_n3A_969 = arith.select %eq3A_968, %select_n3A_929, %select_n3A_952 : vector<64x256xi1>, vector<64x256xi32>
    %select_n3A_970 = arith.select %eq3A_968, %select_n3A_930, %select_n3A_959 : vector<64x256xi1>, vector<64x256xi32>
    %and3A_971 = arith.constant 64 : i32
    %and3A_972 = vector.broadcast %and3A_971 : i32 to vector<64x256xi32>
    %and3A_973 = arith.andi %iota3A_8, %and3A_972 : vector<64x256xi32>
    %eq3A_974 = arith.constant 0 : i32
    %eq3A_975 = vector.broadcast %eq3A_974 : i32 to vector<64x256xi32>
    %eq3A_976 = arith.cmpi eq, %and3A_973, %eq3A_975 : vector<64x256xi32>
    %slice3A_977 = vector.extract_strided_slice %select_n3A_969 {offsets = [0, 64], sizes = [64, 192], strides = [1, 1]} : vector<64x256xi32> to vector<64x192xi32>
    %slice3A_978 = vector.extract_strided_slice %select_n3A_969 {offsets = [0, 0], sizes = [64, 64], strides = [1, 1]} : vector<64x256xi32> to vector<64x64xi32>
    %concatenate3A_979 = tpu.concatenate %slice3A_977, %slice3A_978 in 1 : vector<64x192xi32>, vector<64x64xi32> -> vector<64x256xi32>
    %slice3A_980 = vector.extract_strided_slice %select_n3A_969 {offsets = [0, 192], sizes = [64, 64], strides = [1, 1]} : vector<64x256xi32> to vector<64x64xi32>
    %slice3A_981 = vector.extract_strided_slice %select_n3A_969 {offsets = [0, 0], sizes = [64, 192], strides = [1, 1]} : vector<64x256xi32> to vector<64x192xi32>
    %concatenate3A_982 = tpu.concatenate %slice3A_980, %slice3A_981 in 1 : vector<64x64xi32>, vector<64x192xi32> -> vector<64x256xi32>
    %select_n3A_983 = arith.select %eq3A_976, %concatenate3A_979, %concatenate3A_982 : vector<64x256xi1>, vector<64x256xi32>
    %slice3A_984 = vector.extract_strided_slice %select_n3A_970 {offsets = [0, 64], sizes = [64, 192], strides = [1, 1]} : vector<64x256xi32> to vector<64x192xi32>
    %slice3A_985 = vector.extract_strided_slice %select_n3A_970 {offsets = [0, 0], sizes = [64, 64], strides = [1, 1]} : vector<64x256xi32> to vector<64x64xi32>
    %concatenate3A_986 = tpu.concatenate %slice3A_984, %slice3A_985 in 1 : vector<64x192xi32>, vector<64x64xi32> -> vector<64x256xi32>
    %slice3A_987 = vector.extract_strided_slice %select_n3A_970 {offsets = [0, 192], sizes = [64, 64], strides = [1, 1]} : vector<64x256xi32> to vector<64x64xi32>
    %slice3A_988 = vector.extract_strided_slice %select_n3A_970 {offsets = [0, 0], sizes = [64, 192], strides = [1, 1]} : vector<64x256xi32> to vector<64x192xi32>
    %concatenate3A_989 = tpu.concatenate %slice3A_987, %slice3A_988 in 1 : vector<64x64xi32>, vector<64x192xi32> -> vector<64x256xi32>
    %select_n3A_990 = arith.select %eq3A_976, %concatenate3A_986, %concatenate3A_989 : vector<64x256xi1>, vector<64x256xi32>
    %gt3A_991 = arith.cmpi sgt, %select_n3A_969, %select_n3A_983 : vector<64x256xi32>
    %eq3A_992 = arith.cmpi eq, %select_n3A_969, %select_n3A_983 : vector<64x256xi32>
    %lt3A_993 = arith.cmpi slt, %select_n3A_970, %select_n3A_990 : vector<64x256xi32>
    %and3A_994 = arith.andi %eq3A_992, %lt3A_993 : vector<64x256xi1>
    %or3A_995 = arith.ori %gt3A_991, %and3A_994 : vector<64x256xi1>
    %ne3A_996 = arith.xori %eq3A_976, %eq3A_939 : vector<64x256xi1>
    %eq3A_997 = arith.xori %ne3A_996, %or3A_995 : vector<64x256xi1>
    %eq3A_998 = arith.constant dense<true> : vector<64x256xi1>
    %eq3A_999 = arith.xori %eq3A_997, %eq3A_998 : vector<64x256xi1>
    %select_n3A_1000 = arith.select %eq3A_999, %select_n3A_969, %select_n3A_983 : vector<64x256xi1>, vector<64x256xi32>
    %select_n3A_1001 = arith.select %eq3A_999, %select_n3A_970, %select_n3A_990 : vector<64x256xi1>, vector<64x256xi32>
    %and3A_1002 = arith.constant 32 : i32
    %and3A_1003 = vector.broadcast %and3A_1002 : i32 to vector<64x256xi32>
    %and3A_1004 = arith.andi %iota3A_8, %and3A_1003 : vector<64x256xi32>
    %eq3A_1005 = arith.constant 0 : i32
    %eq3A_1006 = vector.broadcast %eq3A_1005 : i32 to vector<64x256xi32>
    %eq3A_1007 = arith.cmpi eq, %and3A_1004, %eq3A_1006 : vector<64x256xi32>
    %slice3A_1008 = vector.extract_strided_slice %select_n3A_1000 {offsets = [0, 32], sizes = [64, 224], strides = [1, 1]} : vector<64x256xi32> to vector<64x224xi32>
    %slice3A_1009 = vector.extract_strided_slice %select_n3A_1000 {offsets = [0, 0], sizes = [64, 32], strides = [1, 1]} : vector<64x256xi32> to vector<64x32xi32>
    %concatenate3A_1010 = tpu.concatenate %slice3A_1008, %slice3A_1009 in 1 : vector<64x224xi32>, vector<64x32xi32> -> vector<64x256xi32>
    %slice3A_1011 = vector.extract_strided_slice %select_n3A_1000 {offsets = [0, 224], sizes = [64, 32], strides = [1, 1]} : vector<64x256xi32> to vector<64x32xi32>
    %slice3A_1012 = vector.extract_strided_slice %select_n3A_1000 {offsets = [0, 0], sizes = [64, 224], strides = [1, 1]} : vector<64x256xi32> to vector<64x224xi32>
    %concatenate3A_1013 = tpu.concatenate %slice3A_1011, %slice3A_1012 in 1 : vector<64x32xi32>, vector<64x224xi32> -> vector<64x256xi32>
    %select_n3A_1014 = arith.select %eq3A_1007, %concatenate3A_1010, %concatenate3A_1013 : vector<64x256xi1>, vector<64x256xi32>
    %slice3A_1015 = vector.extract_strided_slice %select_n3A_1001 {offsets = [0, 32], sizes = [64, 224], strides = [1, 1]} : vector<64x256xi32> to vector<64x224xi32>
    %slice3A_1016 = vector.extract_strided_slice %select_n3A_1001 {offsets = [0, 0], sizes = [64, 32], strides = [1, 1]} : vector<64x256xi32> to vector<64x32xi32>
    %concatenate3A_1017 = tpu.concatenate %slice3A_1015, %slice3A_1016 in 1 : vector<64x224xi32>, vector<64x32xi32> -> vector<64x256xi32>
    %slice3A_1018 = vector.extract_strided_slice %select_n3A_1001 {offsets = [0, 224], sizes = [64, 32], strides = [1, 1]} : vector<64x256xi32> to vector<64x32xi32>
    %slice3A_1019 = vector.extract_strided_slice %select_n3A_1001 {offsets = [0, 0], sizes = [64, 224], strides = [1, 1]} : vector<64x256xi32> to vector<64x224xi32>
    %concatenate3A_1020 = tpu.concatenate %slice3A_1018, %slice3A_1019 in 1 : vector<64x32xi32>, vector<64x224xi32> -> vector<64x256xi32>
    %select_n3A_1021 = arith.select %eq3A_1007, %concatenate3A_1017, %concatenate3A_1020 : vector<64x256xi1>, vector<64x256xi32>
    %gt3A_1022 = arith.cmpi sgt, %select_n3A_1000, %select_n3A_1014 : vector<64x256xi32>
    %eq3A_1023 = arith.cmpi eq, %select_n3A_1000, %select_n3A_1014 : vector<64x256xi32>
    %lt3A_1024 = arith.cmpi slt, %select_n3A_1001, %select_n3A_1021 : vector<64x256xi32>
    %and3A_1025 = arith.andi %eq3A_1023, %lt3A_1024 : vector<64x256xi1>
    %or3A_1026 = arith.ori %gt3A_1022, %and3A_1025 : vector<64x256xi1>
    %ne3A_1027 = arith.xori %eq3A_1007, %eq3A_939 : vector<64x256xi1>
    %eq3A_1028 = arith.xori %ne3A_1027, %or3A_1026 : vector<64x256xi1>
    %eq3A_1029 = arith.constant dense<true> : vector<64x256xi1>
    %eq3A_1030 = arith.xori %eq3A_1028, %eq3A_1029 : vector<64x256xi1>
    %select_n3A_1031 = arith.select %eq3A_1030, %select_n3A_1000, %select_n3A_1014 : vector<64x256xi1>, vector<64x256xi32>
    %select_n3A_1032 = arith.select %eq3A_1030, %select_n3A_1001, %select_n3A_1021 : vector<64x256xi1>, vector<64x256xi32>
    %and3A_1033 = arith.constant 16 : i32
    %and3A_1034 = vector.broadcast %and3A_1033 : i32 to vector<64x256xi32>
    %and3A_1035 = arith.andi %iota3A_8, %and3A_1034 : vector<64x256xi32>
    %eq3A_1036 = arith.constant 0 : i32
    %eq3A_1037 = vector.broadcast %eq3A_1036 : i32 to vector<64x256xi32>
    %eq3A_1038 = arith.cmpi eq, %and3A_1035, %eq3A_1037 : vector<64x256xi32>
    %slice3A_1039 = vector.extract_strided_slice %select_n3A_1031 {offsets = [0, 16], sizes = [64, 240], strides = [1, 1]} : vector<64x256xi32> to vector<64x240xi32>
    %slice3A_1040 = vector.extract_strided_slice %select_n3A_1031 {offsets = [0, 0], sizes = [64, 16], strides = [1, 1]} : vector<64x256xi32> to vector<64x16xi32>
    %concatenate3A_1041 = tpu.concatenate %slice3A_1039, %slice3A_1040 in 1 : vector<64x240xi32>, vector<64x16xi32> -> vector<64x256xi32>
    %slice3A_1042 = vector.extract_strided_slice %select_n3A_1031 {offsets = [0, 240], sizes = [64, 16], strides = [1, 1]} : vector<64x256xi32> to vector<64x16xi32>
    %slice3A_1043 = vector.extract_strided_slice %select_n3A_1031 {offsets = [0, 0], sizes = [64, 240], strides = [1, 1]} : vector<64x256xi32> to vector<64x240xi32>
    %concatenate3A_1044 = tpu.concatenate %slice3A_1042, %slice3A_1043 in 1 : vector<64x16xi32>, vector<64x240xi32> -> vector<64x256xi32>
    %select_n3A_1045 = arith.select %eq3A_1038, %concatenate3A_1041, %concatenate3A_1044 : vector<64x256xi1>, vector<64x256xi32>
    %slice3A_1046 = vector.extract_strided_slice %select_n3A_1032 {offsets = [0, 16], sizes = [64, 240], strides = [1, 1]} : vector<64x256xi32> to vector<64x240xi32>
    %slice3A_1047 = vector.extract_strided_slice %select_n3A_1032 {offsets = [0, 0], sizes = [64, 16], strides = [1, 1]} : vector<64x256xi32> to vector<64x16xi32>
    %concatenate3A_1048 = tpu.concatenate %slice3A_1046, %slice3A_1047 in 1 : vector<64x240xi32>, vector<64x16xi32> -> vector<64x256xi32>
    %slice3A_1049 = vector.extract_strided_slice %select_n3A_1032 {offsets = [0, 240], sizes = [64, 16], strides = [1, 1]} : vector<64x256xi32> to vector<64x16xi32>
    %slice3A_1050 = vector.extract_strided_slice %select_n3A_1032 {offsets = [0, 0], sizes = [64, 240], strides = [1, 1]} : vector<64x256xi32> to vector<64x240xi32>
    %concatenate3A_1051 = tpu.concatenate %slice3A_1049, %slice3A_1050 in 1 : vector<64x16xi32>, vector<64x240xi32> -> vector<64x256xi32>
    %select_n3A_1052 = arith.select %eq3A_1038, %concatenate3A_1048, %concatenate3A_1051 : vector<64x256xi1>, vector<64x256xi32>
    %gt3A_1053 = arith.cmpi sgt, %select_n3A_1031, %select_n3A_1045 : vector<64x256xi32>
    %eq3A_1054 = arith.cmpi eq, %select_n3A_1031, %select_n3A_1045 : vector<64x256xi32>
    %lt3A_1055 = arith.cmpi slt, %select_n3A_1032, %select_n3A_1052 : vector<64x256xi32>
    %and3A_1056 = arith.andi %eq3A_1054, %lt3A_1055 : vector<64x256xi1>
    %or3A_1057 = arith.ori %gt3A_1053, %and3A_1056 : vector<64x256xi1>
    %ne3A_1058 = arith.xori %eq3A_1038, %eq3A_939 : vector<64x256xi1>
    %eq3A_1059 = arith.xori %ne3A_1058, %or3A_1057 : vector<64x256xi1>
    %eq3A_1060 = arith.constant dense<true> : vector<64x256xi1>
    %eq3A_1061 = arith.xori %eq3A_1059, %eq3A_1060 : vector<64x256xi1>
    %select_n3A_1062 = arith.select %eq3A_1061, %select_n3A_1031, %select_n3A_1045 : vector<64x256xi1>, vector<64x256xi32>
    %select_n3A_1063 = arith.select %eq3A_1061, %select_n3A_1032, %select_n3A_1052 : vector<64x256xi1>, vector<64x256xi32>
    %and3A_1064 = arith.constant 8 : i32
    %and3A_1065 = vector.broadcast %and3A_1064 : i32 to vector<64x256xi32>
    %and3A_1066 = arith.andi %iota3A_8, %and3A_1065 : vector<64x256xi32>
    %eq3A_1067 = arith.constant 0 : i32
    %eq3A_1068 = vector.broadcast %eq3A_1067 : i32 to vector<64x256xi32>
    %eq3A_1069 = arith.cmpi eq, %and3A_1066, %eq3A_1068 : vector<64x256xi32>
    %slice3A_1070 = vector.extract_strided_slice %select_n3A_1062 {offsets = [0, 8], sizes = [64, 248], strides = [1, 1]} : vector<64x256xi32> to vector<64x248xi32>
    %slice3A_1071 = vector.extract_strided_slice %select_n3A_1062 {offsets = [0, 0], sizes = [64, 8], strides = [1, 1]} : vector<64x256xi32> to vector<64x8xi32>
    %concatenate3A_1072 = tpu.concatenate %slice3A_1070, %slice3A_1071 in 1 : vector<64x248xi32>, vector<64x8xi32> -> vector<64x256xi32>
    %slice3A_1073 = vector.extract_strided_slice %select_n3A_1062 {offsets = [0, 248], sizes = [64, 8], strides = [1, 1]} : vector<64x256xi32> to vector<64x8xi32>
    %slice3A_1074 = vector.extract_strided_slice %select_n3A_1062 {offsets = [0, 0], sizes = [64, 248], strides = [1, 1]} : vector<64x256xi32> to vector<64x248xi32>
    %concatenate3A_1075 = tpu.concatenate %slice3A_1073, %slice3A_1074 in 1 : vector<64x8xi32>, vector<64x248xi32> -> vector<64x256xi32>
    %select_n3A_1076 = arith.select %eq3A_1069, %concatenate3A_1072, %concatenate3A_1075 : vector<64x256xi1>, vector<64x256xi32>
    %slice3A_1077 = vector.extract_strided_slice %select_n3A_1063 {offsets = [0, 8], sizes = [64, 248], strides = [1, 1]} : vector<64x256xi32> to vector<64x248xi32>
    %slice3A_1078 = vector.extract_strided_slice %select_n3A_1063 {offsets = [0, 0], sizes = [64, 8], strides = [1, 1]} : vector<64x256xi32> to vector<64x8xi32>
    %concatenate3A_1079 = tpu.concatenate %slice3A_1077, %slice3A_1078 in 1 : vector<64x248xi32>, vector<64x8xi32> -> vector<64x256xi32>
    %slice3A_1080 = vector.extract_strided_slice %select_n3A_1063 {offsets = [0, 248], sizes = [64, 8], strides = [1, 1]} : vector<64x256xi32> to vector<64x8xi32>
    %slice3A_1081 = vector.extract_strided_slice %select_n3A_1063 {offsets = [0, 0], sizes = [64, 248], strides = [1, 1]} : vector<64x256xi32> to vector<64x248xi32>
    %concatenate3A_1082 = tpu.concatenate %slice3A_1080, %slice3A_1081 in 1 : vector<64x8xi32>, vector<64x248xi32> -> vector<64x256xi32>
    %select_n3A_1083 = arith.select %eq3A_1069, %concatenate3A_1079, %concatenate3A_1082 : vector<64x256xi1>, vector<64x256xi32>
    %gt3A_1084 = arith.cmpi sgt, %select_n3A_1062, %select_n3A_1076 : vector<64x256xi32>
    %eq3A_1085 = arith.cmpi eq, %select_n3A_1062, %select_n3A_1076 : vector<64x256xi32>
    %lt3A_1086 = arith.cmpi slt, %select_n3A_1063, %select_n3A_1083 : vector<64x256xi32>
    %and3A_1087 = arith.andi %eq3A_1085, %lt3A_1086 : vector<64x256xi1>
    %or3A_1088 = arith.ori %gt3A_1084, %and3A_1087 : vector<64x256xi1>
    %ne3A_1089 = arith.xori %eq3A_1069, %eq3A_939 : vector<64x256xi1>
    %eq3A_1090 = arith.xori %ne3A_1089, %or3A_1088 : vector<64x256xi1>
    %eq3A_1091 = arith.constant dense<true> : vector<64x256xi1>
    %eq3A_1092 = arith.xori %eq3A_1090, %eq3A_1091 : vector<64x256xi1>
    %select_n3A_1093 = arith.select %eq3A_1092, %select_n3A_1062, %select_n3A_1076 : vector<64x256xi1>, vector<64x256xi32>
    %select_n3A_1094 = arith.select %eq3A_1092, %select_n3A_1063, %select_n3A_1083 : vector<64x256xi1>, vector<64x256xi32>
    %and3A_1095 = arith.constant 4 : i32
    %and3A_1096 = vector.broadcast %and3A_1095 : i32 to vector<64x256xi32>
    %and3A_1097 = arith.andi %iota3A_8, %and3A_1096 : vector<64x256xi32>
    %eq3A_1098 = arith.constant 0 : i32
    %eq3A_1099 = vector.broadcast %eq3A_1098 : i32 to vector<64x256xi32>
    %eq3A_1100 = arith.cmpi eq, %and3A_1097, %eq3A_1099 : vector<64x256xi32>
    %slice3A_1101 = vector.extract_strided_slice %select_n3A_1093 {offsets = [0, 4], sizes = [64, 252], strides = [1, 1]} : vector<64x256xi32> to vector<64x252xi32>
    %slice3A_1102 = vector.extract_strided_slice %select_n3A_1093 {offsets = [0, 0], sizes = [64, 4], strides = [1, 1]} : vector<64x256xi32> to vector<64x4xi32>
    %concatenate3A_1103 = tpu.concatenate %slice3A_1101, %slice3A_1102 in 1 : vector<64x252xi32>, vector<64x4xi32> -> vector<64x256xi32>
    %slice3A_1104 = vector.extract_strided_slice %select_n3A_1093 {offsets = [0, 252], sizes = [64, 4], strides = [1, 1]} : vector<64x256xi32> to vector<64x4xi32>
    %slice3A_1105 = vector.extract_strided_slice %select_n3A_1093 {offsets = [0, 0], sizes = [64, 252], strides = [1, 1]} : vector<64x256xi32> to vector<64x252xi32>
    %concatenate3A_1106 = tpu.concatenate %slice3A_1104, %slice3A_1105 in 1 : vector<64x4xi32>, vector<64x252xi32> -> vector<64x256xi32>
    %select_n3A_1107 = arith.select %eq3A_1100, %concatenate3A_1103, %concatenate3A_1106 : vector<64x256xi1>, vector<64x256xi32>
    %slice3A_1108 = vector.extract_strided_slice %select_n3A_1094 {offsets = [0, 4], sizes = [64, 252], strides = [1, 1]} : vector<64x256xi32> to vector<64x252xi32>
    %slice3A_1109 = vector.extract_strided_slice %select_n3A_1094 {offsets = [0, 0], sizes = [64, 4], strides = [1, 1]} : vector<64x256xi32> to vector<64x4xi32>
    %concatenate3A_1110 = tpu.concatenate %slice3A_1108, %slice3A_1109 in 1 : vector<64x252xi32>, vector<64x4xi32> -> vector<64x256xi32>
    %slice3A_1111 = vector.extract_strided_slice %select_n3A_1094 {offsets = [0, 252], sizes = [64, 4], strides = [1, 1]} : vector<64x256xi32> to vector<64x4xi32>
    %slice3A_1112 = vector.extract_strided_slice %select_n3A_1094 {offsets = [0, 0], sizes = [64, 252], strides = [1, 1]} : vector<64x256xi32> to vector<64x252xi32>
    %concatenate3A_1113 = tpu.concatenate %slice3A_1111, %slice3A_1112 in 1 : vector<64x4xi32>, vector<64x252xi32> -> vector<64x256xi32>
    %select_n3A_1114 = arith.select %eq3A_1100, %concatenate3A_1110, %concatenate3A_1113 : vector<64x256xi1>, vector<64x256xi32>
    %gt3A_1115 = arith.cmpi sgt, %select_n3A_1093, %select_n3A_1107 : vector<64x256xi32>
    %eq3A_1116 = arith.cmpi eq, %select_n3A_1093, %select_n3A_1107 : vector<64x256xi32>
    %lt3A_1117 = arith.cmpi slt, %select_n3A_1094, %select_n3A_1114 : vector<64x256xi32>
    %and3A_1118 = arith.andi %eq3A_1116, %lt3A_1117 : vector<64x256xi1>
    %or3A_1119 = arith.ori %gt3A_1115, %and3A_1118 : vector<64x256xi1>
    %ne3A_1120 = arith.xori %eq3A_1100, %eq3A_939 : vector<64x256xi1>
    %eq3A_1121 = arith.xori %ne3A_1120, %or3A_1119 : vector<64x256xi1>
    %eq3A_1122 = arith.constant dense<true> : vector<64x256xi1>
    %eq3A_1123 = arith.xori %eq3A_1121, %eq3A_1122 : vector<64x256xi1>
    %select_n3A_1124 = arith.select %eq3A_1123, %select_n3A_1093, %select_n3A_1107 : vector<64x256xi1>, vector<64x256xi32>
    %select_n3A_1125 = arith.select %eq3A_1123, %select_n3A_1094, %select_n3A_1114 : vector<64x256xi1>, vector<64x256xi32>
    %and3A_1126 = arith.constant 2 : i32
    %and3A_1127 = vector.broadcast %and3A_1126 : i32 to vector<64x256xi32>
    %and3A_1128 = arith.andi %iota3A_8, %and3A_1127 : vector<64x256xi32>
    %eq3A_1129 = arith.constant 0 : i32
    %eq3A_1130 = vector.broadcast %eq3A_1129 : i32 to vector<64x256xi32>
    %eq3A_1131 = arith.cmpi eq, %and3A_1128, %eq3A_1130 : vector<64x256xi32>
    %slice3A_1132 = vector.extract_strided_slice %select_n3A_1124 {offsets = [0, 2], sizes = [64, 254], strides = [1, 1]} : vector<64x256xi32> to vector<64x254xi32>
    %slice3A_1133 = vector.extract_strided_slice %select_n3A_1124 {offsets = [0, 0], sizes = [64, 2], strides = [1, 1]} : vector<64x256xi32> to vector<64x2xi32>
    %concatenate3A_1134 = tpu.concatenate %slice3A_1132, %slice3A_1133 in 1 : vector<64x254xi32>, vector<64x2xi32> -> vector<64x256xi32>
    %slice3A_1135 = vector.extract_strided_slice %select_n3A_1124 {offsets = [0, 254], sizes = [64, 2], strides = [1, 1]} : vector<64x256xi32> to vector<64x2xi32>
    %slice3A_1136 = vector.extract_strided_slice %select_n3A_1124 {offsets = [0, 0], sizes = [64, 254], strides = [1, 1]} : vector<64x256xi32> to vector<64x254xi32>
    %concatenate3A_1137 = tpu.concatenate %slice3A_1135, %slice3A_1136 in 1 : vector<64x2xi32>, vector<64x254xi32> -> vector<64x256xi32>
    %select_n3A_1138 = arith.select %eq3A_1131, %concatenate3A_1134, %concatenate3A_1137 : vector<64x256xi1>, vector<64x256xi32>
    %slice3A_1139 = vector.extract_strided_slice %select_n3A_1125 {offsets = [0, 2], sizes = [64, 254], strides = [1, 1]} : vector<64x256xi32> to vector<64x254xi32>
    %slice3A_1140 = vector.extract_strided_slice %select_n3A_1125 {offsets = [0, 0], sizes = [64, 2], strides = [1, 1]} : vector<64x256xi32> to vector<64x2xi32>
    %concatenate3A_1141 = tpu.concatenate %slice3A_1139, %slice3A_1140 in 1 : vector<64x254xi32>, vector<64x2xi32> -> vector<64x256xi32>
    %slice3A_1142 = vector.extract_strided_slice %select_n3A_1125 {offsets = [0, 254], sizes = [64, 2], strides = [1, 1]} : vector<64x256xi32> to vector<64x2xi32>
    %slice3A_1143 = vector.extract_strided_slice %select_n3A_1125 {offsets = [0, 0], sizes = [64, 254], strides = [1, 1]} : vector<64x256xi32> to vector<64x254xi32>
    %concatenate3A_1144 = tpu.concatenate %slice3A_1142, %slice3A_1143 in 1 : vector<64x2xi32>, vector<64x254xi32> -> vector<64x256xi32>
    %select_n3A_1145 = arith.select %eq3A_1131, %concatenate3A_1141, %concatenate3A_1144 : vector<64x256xi1>, vector<64x256xi32>
    %gt3A_1146 = arith.cmpi sgt, %select_n3A_1124, %select_n3A_1138 : vector<64x256xi32>
    %eq3A_1147 = arith.cmpi eq, %select_n3A_1124, %select_n3A_1138 : vector<64x256xi32>
    %lt3A_1148 = arith.cmpi slt, %select_n3A_1125, %select_n3A_1145 : vector<64x256xi32>
    %and3A_1149 = arith.andi %eq3A_1147, %lt3A_1148 : vector<64x256xi1>
    %or3A_1150 = arith.ori %gt3A_1146, %and3A_1149 : vector<64x256xi1>
    %ne3A_1151 = arith.xori %eq3A_1131, %eq3A_939 : vector<64x256xi1>
    %eq3A_1152 = arith.xori %ne3A_1151, %or3A_1150 : vector<64x256xi1>
    %eq3A_1153 = arith.constant dense<true> : vector<64x256xi1>
    %eq3A_1154 = arith.xori %eq3A_1152, %eq3A_1153 : vector<64x256xi1>
    %select_n3A_1155 = arith.select %eq3A_1154, %select_n3A_1124, %select_n3A_1138 : vector<64x256xi1>, vector<64x256xi32>
    %select_n3A_1156 = arith.select %eq3A_1154, %select_n3A_1125, %select_n3A_1145 : vector<64x256xi1>, vector<64x256xi32>
    %and3A_1157 = arith.constant 1 : i32
    %and3A_1158 = vector.broadcast %and3A_1157 : i32 to vector<64x256xi32>
    %and3A_1159 = arith.andi %iota3A_8, %and3A_1158 : vector<64x256xi32>
    %eq3A_1160 = arith.constant 0 : i32
    %eq3A_1161 = vector.broadcast %eq3A_1160 : i32 to vector<64x256xi32>
    %eq3A_1162 = arith.cmpi eq, %and3A_1159, %eq3A_1161 : vector<64x256xi32>
    %slice3A_1163 = vector.extract_strided_slice %select_n3A_1155 {offsets = [0, 1], sizes = [64, 255], strides = [1, 1]} : vector<64x256xi32> to vector<64x255xi32>
    %slice3A_1164 = vector.extract_strided_slice %select_n3A_1155 {offsets = [0, 0], sizes = [64, 1], strides = [1, 1]} : vector<64x256xi32> to vector<64x1xi32>
    %concatenate3A_1165 = tpu.concatenate %slice3A_1163, %slice3A_1164 in 1 : vector<64x255xi32>, vector<64x1xi32> -> vector<64x256xi32>
    %slice3A_1166 = vector.extract_strided_slice %select_n3A_1155 {offsets = [0, 255], sizes = [64, 1], strides = [1, 1]} : vector<64x256xi32> to vector<64x1xi32>
    %slice3A_1167 = vector.extract_strided_slice %select_n3A_1155 {offsets = [0, 0], sizes = [64, 255], strides = [1, 1]} : vector<64x256xi32> to vector<64x255xi32>
    %concatenate3A_1168 = tpu.concatenate %slice3A_1166, %slice3A_1167 in 1 : vector<64x1xi32>, vector<64x255xi32> -> vector<64x256xi32>
    %select_n3A_1169 = arith.select %eq3A_1162, %concatenate3A_1165, %concatenate3A_1168 : vector<64x256xi1>, vector<64x256xi32>
    %slice3A_1170 = vector.extract_strided_slice %select_n3A_1156 {offsets = [0, 1], sizes = [64, 255], strides = [1, 1]} : vector<64x256xi32> to vector<64x255xi32>
    %slice3A_1171 = vector.extract_strided_slice %select_n3A_1156 {offsets = [0, 0], sizes = [64, 1], strides = [1, 1]} : vector<64x256xi32> to vector<64x1xi32>
    %concatenate3A_1172 = tpu.concatenate %slice3A_1170, %slice3A_1171 in 1 : vector<64x255xi32>, vector<64x1xi32> -> vector<64x256xi32>
    %slice3A_1173 = vector.extract_strided_slice %select_n3A_1156 {offsets = [0, 255], sizes = [64, 1], strides = [1, 1]} : vector<64x256xi32> to vector<64x1xi32>
    %slice3A_1174 = vector.extract_strided_slice %select_n3A_1156 {offsets = [0, 0], sizes = [64, 255], strides = [1, 1]} : vector<64x256xi32> to vector<64x255xi32>
    %concatenate3A_1175 = tpu.concatenate %slice3A_1173, %slice3A_1174 in 1 : vector<64x1xi32>, vector<64x255xi32> -> vector<64x256xi32>
    %select_n3A_1176 = arith.select %eq3A_1162, %concatenate3A_1172, %concatenate3A_1175 : vector<64x256xi1>, vector<64x256xi32>
    %gt3A_1177 = arith.cmpi sgt, %select_n3A_1155, %select_n3A_1169 : vector<64x256xi32>
    %eq3A_1178 = arith.cmpi eq, %select_n3A_1155, %select_n3A_1169 : vector<64x256xi32>
    %lt3A_1179 = arith.cmpi slt, %select_n3A_1156, %select_n3A_1176 : vector<64x256xi32>
    %and3A_1180 = arith.andi %eq3A_1178, %lt3A_1179 : vector<64x256xi1>
    %or3A_1181 = arith.ori %gt3A_1177, %and3A_1180 : vector<64x256xi1>
    %ne3A_1182 = arith.xori %eq3A_1162, %eq3A_939 : vector<64x256xi1>
    %eq3A_1183 = arith.xori %ne3A_1182, %or3A_1181 : vector<64x256xi1>
    %eq3A_1184 = arith.constant dense<true> : vector<64x256xi1>
    %eq3A_1185 = arith.xori %eq3A_1183, %eq3A_1184 : vector<64x256xi1>
    %select_n3A_1186 = arith.select %eq3A_1185, %select_n3A_1156, %select_n3A_1176 : vector<64x256xi1>, vector<64x256xi32>
    %slice3A_1187 = vector.extract_strided_slice %select_n3A_1186 {offsets = [0, 0], sizes = [64, 64], strides = [1, 1]} : vector<64x256xi32> to vector<64x64xi32>
    %swap3A = arith.constant 0 : index
    %swap3A_1188 = arith.constant 0 : index
    %swap3A_1189 = vector.load %arg1[%swap3A, %swap3A_1188] : memref<64x64xi32, #tpu.memory_space<vmem>>, vector<64x64xi32>
    tpu.vector_store %arg1[%swap3A, %swap3A_1188], %slice3A_1187 {strides = array<i32>} : memref<64x64xi32, #tpu.memory_space<vmem>>, vector<64x64xi32>,
    return
  }
}

module attributes {stable_mosaic.version = 14 : i64} {
  func.func @_final_kernel(%arg0: memref<64x8192xf32, #tpu.memory_space<vmem>>, %arg1: memref<64x64xi32, #tpu.memory_space<vmem>>, %arg2: memref<64x64xi32, #tpu.memory_space<vmem>>, %arg3: memref<64x64xf32, #tpu.memory_space<vmem>>, %arg4: memref<4x64x2048xi32, #tpu.memory_space<vmem>>, %arg5: memref<4x64x2048xi32, #tpu.memory_space<vmem>>, %arg6: memref<64x2048xi32, #tpu.memory_space<vmem>>) attributes {dimension_semantics = [], scalar_prefetch = 0 : i64, scratch_operands = 3 : i64, tpu.core_type = #tpu.core_type<tc>} {
    %get3A = arith.constant 0 : index
    %get3A_0 = arith.constant 0 : index
    %get3A_1 = vector.load %arg0[%get3A, %get3A_0] : memref<64x8192xf32, #tpu.memory_space<vmem>>, vector<64x8192xf32>
    %bitcast_convert_type3A = tpu.bitcast %get3A_1 : vector<64x8192xf32> -> vector<64x8192xi32>
    %ge3A = arith.constant 0 : i32
    %ge3A_2 = vector.broadcast %ge3A : i32 to vector<64x8192xi32>
    %ge3A_3 = arith.cmpi sge, %bitcast_convert_type3A, %ge3A_2 : vector<64x8192xi32>
    %xor3A = arith.constant 2147483647 : i32
    %xor3A_4 = vector.broadcast %xor3A : i32 to vector<64x8192xi32>
    %xor3A_5 = arith.xori %bitcast_convert_type3A, %xor3A_4 : vector<64x8192xi32>
    %select_n3A = arith.select %ge3A_3, %bitcast_convert_type3A, %xor3A_5 : vector<64x8192xi1>, vector<64x8192xi32>
    %reshape3A = vector.shape_cast %select_n3A : vector<64x8192xi32> to vector<64x4x2048xi32>
    %get3A_6 = arith.constant 0 : index
    %get3A_7 = arith.constant 0 : index
    %get3A_8 = vector.load %arg1[%get3A_6, %get3A_7] : memref<64x64xi32, #tpu.memory_space<vmem>>, vector<64x64xi32>
    %iota3A = tpu.iota {dimensions = array<i32: 1>} : vector<64x2048xi32>
    %jit3A = arith.constant 128 : i32
    %eq3A = arith.constant 0 : i32
    %eq3A_9 = arith.cmpi eq, %jit3A, %eq3A : i32
    %jit3A_10 = arith.constant 1 : i32
    %select_n3A_11 = arith.select %eq3A_9, %jit3A_10, %jit3A : i32
    %rem3A = vector.broadcast %select_n3A_11 : i32 to vector<64x2048xi32>
    %rem3A_12 = arith.remsi %iota3A, %rem3A : vector<64x2048xi32>
    %ne3A = arith.constant 0 : i32
    %ne3A_13 = vector.broadcast %ne3A : i32 to vector<64x2048xi32>
    %ne3A_14 = arith.cmpi ne, %rem3A_12, %ne3A_13 : vector<64x2048xi32>
    %lt3A = arith.constant 0 : i32
    %lt3A_15 = vector.broadcast %lt3A : i32 to vector<64x2048xi32>
    %lt3A_16 = arith.cmpi slt, %rem3A_12, %lt3A_15 : vector<64x2048xi32>
    %lt3A_17 = arith.constant 0 : i32
    %lt3A_18 = arith.cmpi slt, %select_n3A_11, %lt3A_17 : i32
    %ne3A_19 = vector.broadcast %lt3A_18 : i1 to vector<64x2048xi1>
    %ne3A_20 = vector.broadcast %ne3A_19 : vector<64x2048xi1> to vector<64x2048xi1>
    %ne3A_21 = arith.xori %lt3A_16, %ne3A_20 : vector<64x2048xi1>
    %and3A = arith.andi %ne3A_21, %ne3A_14 : vector<64x2048xi1>
    %add3A = vector.broadcast %select_n3A_11 : i32 to vector<64x2048xi32>
    %add3A_22 = arith.addi %rem3A_12, %add3A : vector<64x2048xi32>
    %select_n3A_23 = arith.select %and3A, %add3A_22, %rem3A_12 : vector<64x2048xi1>, vector<64x2048xi32>
    %slice3A = vector.extract_strided_slice %get3A_8 {offsets = [0, 0], sizes = [64, 16], strides = [1, 1]} : vector<64x64xi32> to vector<64x16xi32>
    %broadcast_in_dim3A = vector.shape_cast %slice3A : vector<64x16xi32> to vector<64x16x1xi32>
    %broadcast_in_dim3A_24 = vector.shape_cast %broadcast_in_dim3A : vector<64x16x1xi32> to vector<64x16x1xi32>
    %broadcast_in_dim3A_25 = vector.broadcast %broadcast_in_dim3A_24 : vector<64x16x1xi32> to vector<64x16x128xi32>
    %reshape3A_26 = vector.shape_cast %broadcast_in_dim3A_25 : vector<64x16x128xi32> to vector<64x2048xi32>
    %mul3A = arith.constant 128 : i32
    %mul3A_27 = vector.broadcast %mul3A : i32 to vector<64x2048xi32>
    %mul3A_28 = arith.muli %reshape3A_26, %mul3A_27 : vector<64x2048xi32>
    %add3A_29 = arith.addi %mul3A_28, %select_n3A_23 : vector<64x2048xi32>
    %slice3A_30 = vector.extract_strided_slice %get3A_8 {offsets = [0, 16], sizes = [64, 16], strides = [1, 1]} : vector<64x64xi32> to vector<64x16xi32>
    %broadcast_in_dim3A_31 = vector.shape_cast %slice3A_30 : vector<64x16xi32> to vector<64x16x1xi32>
    %broadcast_in_dim3A_32 = vector.shape_cast %broadcast_in_dim3A_31 : vector<64x16x1xi32> to vector<64x16x1xi32>
    %broadcast_in_dim3A_33 = vector.broadcast %broadcast_in_dim3A_32 : vector<64x16x1xi32> to vector<64x16x128xi32>
    %reshape3A_34 = vector.shape_cast %broadcast_in_dim3A_33 : vector<64x16x128xi32> to vector<64x2048xi32>
    %mul3A_35 = arith.constant 128 : i32
    %mul3A_36 = vector.broadcast %mul3A_35 : i32 to vector<64x2048xi32>
    %mul3A_37 = arith.muli %reshape3A_34, %mul3A_36 : vector<64x2048xi32>
    %add3A_38 = arith.addi %mul3A_37, %select_n3A_23 : vector<64x2048xi32>
    %slice3A_39 = vector.extract_strided_slice %get3A_8 {offsets = [0, 32], sizes = [64, 16], strides = [1, 1]} : vector<64x64xi32> to vector<64x16xi32>
    %broadcast_in_dim3A_40 = vector.shape_cast %slice3A_39 : vector<64x16xi32> to vector<64x16x1xi32>
    %broadcast_in_dim3A_41 = vector.shape_cast %broadcast_in_dim3A_40 : vector<64x16x1xi32> to vector<64x16x1xi32>
    %broadcast_in_dim3A_42 = vector.broadcast %broadcast_in_dim3A_41 : vector<64x16x1xi32> to vector<64x16x128xi32>
    %reshape3A_43 = vector.shape_cast %broadcast_in_dim3A_42 : vector<64x16x128xi32> to vector<64x2048xi32>
    %mul3A_44 = arith.constant 128 : i32
    %mul3A_45 = vector.broadcast %mul3A_44 : i32 to vector<64x2048xi32>
    %mul3A_46 = arith.muli %reshape3A_43, %mul3A_45 : vector<64x2048xi32>
    %add3A_47 = arith.addi %mul3A_46, %select_n3A_23 : vector<64x2048xi32>
    %slice3A_48 = vector.extract_strided_slice %get3A_8 {offsets = [0, 48], sizes = [64, 16], strides = [1, 1]} : vector<64x64xi32> to vector<64x16xi32>
    %broadcast_in_dim3A_49 = vector.shape_cast %slice3A_48 : vector<64x16xi32> to vector<64x16x1xi32>
    %broadcast_in_dim3A_50 = vector.shape_cast %broadcast_in_dim3A_49 : vector<64x16x1xi32> to vector<64x16x1xi32>
    %broadcast_in_dim3A_51 = vector.broadcast %broadcast_in_dim3A_50 : vector<64x16x1xi32> to vector<64x16x128xi32>
    %reshape3A_52 = vector.shape_cast %broadcast_in_dim3A_51 : vector<64x16x128xi32> to vector<64x2048xi32>
    %mul3A_53 = arith.constant 128 : i32
    %mul3A_54 = vector.broadcast %mul3A_53 : i32 to vector<64x2048xi32>
    %mul3A_55 = arith.muli %reshape3A_52, %mul3A_54 : vector<64x2048xi32>
    %add3A_56 = arith.addi %mul3A_55, %select_n3A_23 : vector<64x2048xi32>
    %slice3A_57 = vector.extract_strided_slice %reshape3A {offsets = [0, 0, 0], sizes = [64, 1, 2048], strides = [1, 1, 1]} : vector<64x4x2048xi32> to vector<64x1x2048xi32>
    %squeeze3A = vector.shape_cast %slice3A_57 : vector<64x1x2048xi32> to vector<64x2048xi32>
    %slice3A_58 = vector.extract_strided_slice %reshape3A {offsets = [0, 1, 0], sizes = [64, 1, 2048], strides = [1, 1, 1]} : vector<64x4x2048xi32> to vector<64x1x2048xi32>
    %squeeze3A_59 = vector.shape_cast %slice3A_58 : vector<64x1x2048xi32> to vector<64x2048xi32>
    %gt3A = arith.cmpi sgt, %squeeze3A, %squeeze3A_59 : vector<64x2048xi32>
    %eq3A_60 = arith.cmpi eq, %squeeze3A, %squeeze3A_59 : vector<64x2048xi32>
    %lt3A_61 = arith.cmpi slt, %add3A_29, %add3A_38 : vector<64x2048xi32>
    %and3A_62 = arith.andi %eq3A_60, %lt3A_61 : vector<64x2048xi1>
    %or3A = arith.ori %gt3A, %and3A_62 : vector<64x2048xi1>
    %select_n3A_63 = arith.select %or3A, %squeeze3A, %squeeze3A_59 : vector<64x2048xi1>, vector<64x2048xi32>
    %select_n3A_64 = arith.select %or3A, %add3A_29, %add3A_38 : vector<64x2048xi1>, vector<64x2048xi32>
    %select_n3A_65 = arith.select %or3A, %squeeze3A_59, %squeeze3A : vector<64x2048xi1>, vector<64x2048xi32>
    %select_n3A_66 = arith.select %or3A, %add3A_38, %add3A_29 : vector<64x2048xi1>, vector<64x2048xi32>
    %slice3A_67 = vector.extract_strided_slice %reshape3A {offsets = [0, 2, 0], sizes = [64, 1, 2048], strides = [1, 1, 1]} : vector<64x4x2048xi32> to vector<64x1x2048xi32>
    %squeeze3A_68 = vector.shape_cast %slice3A_67 : vector<64x1x2048xi32> to vector<64x2048xi32>
    %slice3A_69 = vector.extract_strided_slice %reshape3A {offsets = [0, 3, 0], sizes = [64, 1, 2048], strides = [1, 1, 1]} : vector<64x4x2048xi32> to vector<64x1x2048xi32>
    %squeeze3A_70 = vector.shape_cast %slice3A_69 : vector<64x1x2048xi32> to vector<64x2048xi32>
    %gt3A_71 = arith.cmpi sgt, %squeeze3A_68, %squeeze3A_70 : vector<64x2048xi32>
    %eq3A_72 = arith.cmpi eq, %squeeze3A_68, %squeeze3A_70 : vector<64x2048xi32>
    %lt3A_73 = arith.cmpi slt, %add3A_47, %add3A_56 : vector<64x2048xi32>
    %and3A_74 = arith.andi %eq3A_72, %lt3A_73 : vector<64x2048xi1>
    %or3A_75 = arith.ori %gt3A_71, %and3A_74 : vector<64x2048xi1>
    %select_n3A_76 = arith.select %or3A_75, %squeeze3A_68, %squeeze3A_70 : vector<64x2048xi1>, vector<64x2048xi32>
    %select_n3A_77 = arith.select %or3A_75, %add3A_47, %add3A_56 : vector<64x2048xi1>, vector<64x2048xi32>
    %select_n3A_78 = arith.select %or3A_75, %squeeze3A_70, %squeeze3A_68 : vector<64x2048xi1>, vector<64x2048xi32>
    %select_n3A_79 = arith.select %or3A_75, %add3A_56, %add3A_47 : vector<64x2048xi1>, vector<64x2048xi32>
    %gt3A_80 = arith.cmpi sgt, %select_n3A_63, %select_n3A_76 : vector<64x2048xi32>
    %eq3A_81 = arith.cmpi eq, %select_n3A_63, %select_n3A_76 : vector<64x2048xi32>
    %lt3A_82 = arith.cmpi slt, %select_n3A_64, %select_n3A_77 : vector<64x2048xi32>
    %and3A_83 = arith.andi %eq3A_81, %lt3A_82 : vector<64x2048xi1>
    %or3A_84 = arith.ori %gt3A_80, %and3A_83 : vector<64x2048xi1>
    %select_n3A_85 = arith.select %or3A_84, %select_n3A_63, %select_n3A_76 : vector<64x2048xi1>, vector<64x2048xi32>
    %select_n3A_86 = arith.select %or3A_84, %select_n3A_64, %select_n3A_77 : vector<64x2048xi1>, vector<64x2048xi32>
    %select_n3A_87 = arith.select %or3A_84, %select_n3A_76, %select_n3A_63 : vector<64x2048xi1>, vector<64x2048xi32>
    %select_n3A_88 = arith.select %or3A_84, %select_n3A_77, %select_n3A_64 : vector<64x2048xi1>, vector<64x2048xi32>
    %gt3A_89 = arith.cmpi sgt, %select_n3A_65, %select_n3A_78 : vector<64x2048xi32>
    %eq3A_90 = arith.cmpi eq, %select_n3A_65, %select_n3A_78 : vector<64x2048xi32>
    %lt3A_91 = arith.cmpi slt, %select_n3A_66, %select_n3A_79 : vector<64x2048xi32>
    %and3A_92 = arith.andi %eq3A_90, %lt3A_91 : vector<64x2048xi1>
    %or3A_93 = arith.ori %gt3A_89, %and3A_92 : vector<64x2048xi1>
    %select_n3A_94 = arith.select %or3A_93, %select_n3A_65, %select_n3A_78 : vector<64x2048xi1>, vector<64x2048xi32>
    %select_n3A_95 = arith.select %or3A_93, %select_n3A_66, %select_n3A_79 : vector<64x2048xi1>, vector<64x2048xi32>
    %select_n3A_96 = arith.select %or3A_93, %select_n3A_78, %select_n3A_65 : vector<64x2048xi1>, vector<64x2048xi32>
    %select_n3A_97 = arith.select %or3A_93, %select_n3A_79, %select_n3A_66 : vector<64x2048xi1>, vector<64x2048xi32>
    %gt3A_98 = arith.cmpi sgt, %select_n3A_94, %select_n3A_87 : vector<64x2048xi32>
    %eq3A_99 = arith.cmpi eq, %select_n3A_94, %select_n3A_87 : vector<64x2048xi32>
    %lt3A_100 = arith.cmpi slt, %select_n3A_95, %select_n3A_88 : vector<64x2048xi32>
    %and3A_101 = arith.andi %eq3A_99, %lt3A_100 : vector<64x2048xi1>
    %or3A_102 = arith.ori %gt3A_98, %and3A_101 : vector<64x2048xi1>
    %select_n3A_103 = arith.select %or3A_102, %select_n3A_94, %select_n3A_87 : vector<64x2048xi1>, vector<64x2048xi32>
    %select_n3A_104 = arith.select %or3A_102, %select_n3A_95, %select_n3A_88 : vector<64x2048xi1>, vector<64x2048xi32>
    %select_n3A_105 = arith.select %or3A_102, %select_n3A_87, %select_n3A_94 : vector<64x2048xi1>, vector<64x2048xi32>
    %select_n3A_106 = arith.select %or3A_102, %select_n3A_88, %select_n3A_95 : vector<64x2048xi1>, vector<64x2048xi32>
    %swap3A = arith.constant 0 : index
    %swap3A_107 = arith.constant 0 : index
    %swap3A_108 = arith.constant 0 : index
    %swap3A_109 = vector.load %arg4[%swap3A, %swap3A_107, %swap3A_108] : memref<4x64x2048xi32, #tpu.memory_space<vmem>>, vector<1x64x2048xi32>
    %swap3A_110 = vector.shape_cast %swap3A_109 : vector<1x64x2048xi32> to vector<64x2048xi32>
    %swap3A_111 = vector.shape_cast %select_n3A_85 : vector<64x2048xi32> to vector<1x64x2048xi32>
    tpu.vector_store %arg4[%swap3A, %swap3A_107, %swap3A_108], %swap3A_111 {strides = array<i32>} : memref<4x64x2048xi32, #tpu.memory_space<vmem>>, vector<1x64x2048xi32>,
    %swap3A_112 = arith.constant 1 : index
    %swap3A_113 = arith.constant 0 : index
    %swap3A_114 = arith.constant 0 : index
    %swap3A_115 = vector.load %arg4[%swap3A_112, %swap3A_113, %swap3A_114] : memref<4x64x2048xi32, #tpu.memory_space<vmem>>, vector<1x64x2048xi32>
    %swap3A_116 = vector.shape_cast %swap3A_115 : vector<1x64x2048xi32> to vector<64x2048xi32>
    %swap3A_117 = vector.shape_cast %select_n3A_103 : vector<64x2048xi32> to vector<1x64x2048xi32>
    tpu.vector_store %arg4[%swap3A_112, %swap3A_113, %swap3A_114], %swap3A_117 {strides = array<i32>} : memref<4x64x2048xi32, #tpu.memory_space<vmem>>, vector<1x64x2048xi32>,
    %swap3A_118 = arith.constant 2 : index
    %swap3A_119 = arith.constant 0 : index
    %swap3A_120 = arith.constant 0 : index
    %swap3A_121 = vector.load %arg4[%swap3A_118, %swap3A_119, %swap3A_120] : memref<4x64x2048xi32, #tpu.memory_space<vmem>>, vector<1x64x2048xi32>
    %swap3A_122 = vector.shape_cast %swap3A_121 : vector<1x64x2048xi32> to vector<64x2048xi32>
    %swap3A_123 = vector.shape_cast %select_n3A_105 : vector<64x2048xi32> to vector<1x64x2048xi32>
    tpu.vector_store %arg4[%swap3A_118, %swap3A_119, %swap3A_120], %swap3A_123 {strides = array<i32>} : memref<4x64x2048xi32, #tpu.memory_space<vmem>>, vector<1x64x2048xi32>,
    %swap3A_124 = arith.constant 3 : index
    %swap3A_125 = arith.constant 0 : index
    %swap3A_126 = arith.constant 0 : index
    %swap3A_127 = vector.load %arg4[%swap3A_124, %swap3A_125, %swap3A_126] : memref<4x64x2048xi32, #tpu.memory_space<vmem>>, vector<1x64x2048xi32>
    %swap3A_128 = vector.shape_cast %swap3A_127 : vector<1x64x2048xi32> to vector<64x2048xi32>
    %swap3A_129 = vector.shape_cast %select_n3A_96 : vector<64x2048xi32> to vector<1x64x2048xi32>
    tpu.vector_store %arg4[%swap3A_124, %swap3A_125, %swap3A_126], %swap3A_129 {strides = array<i32>} : memref<4x64x2048xi32, #tpu.memory_space<vmem>>, vector<1x64x2048xi32>,
    %swap3A_130 = arith.constant 0 : index
    %swap3A_131 = arith.constant 0 : index
    %swap3A_132 = arith.constant 0 : index
    %swap3A_133 = vector.load %arg5[%swap3A_130, %swap3A_131, %swap3A_132] : memref<4x64x2048xi32, #tpu.memory_space<vmem>>, vector<1x64x2048xi32>
    %swap3A_134 = vector.shape_cast %swap3A_133 : vector<1x64x2048xi32> to vector<64x2048xi32>
    %swap3A_135 = vector.shape_cast %select_n3A_86 : vector<64x2048xi32> to vector<1x64x2048xi32>
    tpu.vector_store %arg5[%swap3A_130, %swap3A_131, %swap3A_132], %swap3A_135 {strides = array<i32>} : memref<4x64x2048xi32, #tpu.memory_space<vmem>>, vector<1x64x2048xi32>,
    %swap3A_136 = arith.constant 1 : index
    %swap3A_137 = arith.constant 0 : index
    %swap3A_138 = arith.constant 0 : index
    %swap3A_139 = vector.load %arg5[%swap3A_136, %swap3A_137, %swap3A_138] : memref<4x64x2048xi32, #tpu.memory_space<vmem>>, vector<1x64x2048xi32>
    %swap3A_140 = vector.shape_cast %swap3A_139 : vector<1x64x2048xi32> to vector<64x2048xi32>
    %swap3A_141 = vector.shape_cast %select_n3A_104 : vector<64x2048xi32> to vector<1x64x2048xi32>
    tpu.vector_store %arg5[%swap3A_136, %swap3A_137, %swap3A_138], %swap3A_141 {strides = array<i32>} : memref<4x64x2048xi32, #tpu.memory_space<vmem>>, vector<1x64x2048xi32>,
    %swap3A_142 = arith.constant 2 : index
    %swap3A_143 = arith.constant 0 : index
    %swap3A_144 = arith.constant 0 : index
    %swap3A_145 = vector.load %arg5[%swap3A_142, %swap3A_143, %swap3A_144] : memref<4x64x2048xi32, #tpu.memory_space<vmem>>, vector<1x64x2048xi32>
    %swap3A_146 = vector.shape_cast %swap3A_145 : vector<1x64x2048xi32> to vector<64x2048xi32>
    %swap3A_147 = vector.shape_cast %select_n3A_106 : vector<64x2048xi32> to vector<1x64x2048xi32>
    tpu.vector_store %arg5[%swap3A_142, %swap3A_143, %swap3A_144], %swap3A_147 {strides = array<i32>} : memref<4x64x2048xi32, #tpu.memory_space<vmem>>, vector<1x64x2048xi32>,
    %swap3A_148 = arith.constant 3 : index
    %swap3A_149 = arith.constant 0 : index
    %swap3A_150 = arith.constant 0 : index
    %swap3A_151 = vector.load %arg5[%swap3A_148, %swap3A_149, %swap3A_150] : memref<4x64x2048xi32, #tpu.memory_space<vmem>>, vector<1x64x2048xi32>
    %swap3A_152 = vector.shape_cast %swap3A_151 : vector<1x64x2048xi32> to vector<64x2048xi32>
    %swap3A_153 = vector.shape_cast %select_n3A_97 : vector<64x2048xi32> to vector<1x64x2048xi32>
    tpu.vector_store %arg5[%swap3A_148, %swap3A_149, %swap3A_150], %swap3A_153 {strides = array<i32>} : memref<4x64x2048xi32, #tpu.memory_space<vmem>>, vector<1x64x2048xi32>,
    %broadcast_in_dim3A_154 = arith.constant 0 : i32
    %broadcast_in_dim3A_155 = vector.broadcast %broadcast_in_dim3A_154 : i32 to vector<64x2048xi32>
    %swap3A_156 = arith.constant 0 : index
    %swap3A_157 = arith.constant 0 : index
    %swap3A_158 = vector.load %arg6[%swap3A_156, %swap3A_157] : memref<64x2048xi32, #tpu.memory_space<vmem>>, vector<64x2048xi32>
    tpu.vector_store %arg6[%swap3A_156, %swap3A_157], %broadcast_in_dim3A_155 {strides = array<i32>} : memref<64x2048xi32, #tpu.memory_space<vmem>>, vector<64x2048xi32>,
    %iota3A_159 = tpu.iota {dimensions = array<i32: 1>} : vector<64x64xi32>
    %broadcast_in_dim3A_160 = arith.constant 0 : i32
    %broadcast_in_dim3A_161 = vector.broadcast %broadcast_in_dim3A_160 : i32 to vector<64x64xi32>
    %broadcast_in_dim3A_162 = arith.constant 0 : i32
    %broadcast_in_dim3A_163 = vector.broadcast %broadcast_in_dim3A_162 : i32 to vector<64x64xi32>
    %scan3A = arith.constant 0 : i32
    %scan3A_164 = arith.constant 16 : i32
    %scan3A_165 = arith.addi %scan3A, %scan3A_164 : i32
    %scan3A_166 = arith.constant 1 : i32
    %scan3A_167:2 = scf.for %scan3A_183 = %scan3A to %scan3A_165 step %scan3A_166 iter_args(%scan3A_184 = %broadcast_in_dim3A_161, %scan3A_185 = %broadcast_in_dim3A_163) -> (vector<64x64xi32>, vector<64x64xi32>)  : i32 {
      %get3A_186 = arith.constant 0 : index
      %get3A_187 = arith.constant 0 : index
      %get3A_188 = vector.load %arg6[%get3A_186, %get3A_187] : memref<64x2048xi32, #tpu.memory_space<vmem>>, vector<64x2048xi32>
      %eq3A_189 = arith.constant 0 : i32
      %eq3A_190 = vector.broadcast %eq3A_189 : i32 to vector<64x2048xi32>
      %eq3A_191 = arith.cmpi eq, %get3A_188, %eq3A_190 : vector<64x2048xi32>
      %eq3A_192 = arith.constant 1 : i32
      %eq3A_193 = vector.broadcast %eq3A_192 : i32 to vector<64x2048xi32>
      %eq3A_194 = arith.cmpi eq, %get3A_188, %eq3A_193 : vector<64x2048xi32>
      %eq3A_195 = arith.constant 2 : i32
      %eq3A_196 = vector.broadcast %eq3A_195 : i32 to vector<64x2048xi32>
      %eq3A_197 = arith.cmpi eq, %get3A_188, %eq3A_196 : vector<64x2048xi32>
      %eq3A_198 = arith.constant 3 : i32
      %eq3A_199 = vector.broadcast %eq3A_198 : i32 to vector<64x2048xi32>
      %eq3A_200 = arith.cmpi eq, %get3A_188, %eq3A_199 : vector<64x2048xi32>
      %get3A_201 = arith.constant 0 : index
      %get3A_202 = arith.constant 0 : index
      %get3A_203 = arith.constant 0 : index
      %get3A_204 = vector.load %arg4[%get3A_201, %get3A_202, %get3A_203] : memref<4x64x2048xi32, #tpu.memory_space<vmem>>, vector<1x64x2048xi32>
      %get3A_205 = vector.shape_cast %get3A_204 : vector<1x64x2048xi32> to vector<64x2048xi32>
      %get3A_206 = arith.constant 1 : index
      %get3A_207 = arith.constant 0 : index
      %get3A_208 = arith.constant 0 : index
      %get3A_209 = vector.load %arg4[%get3A_206, %get3A_207, %get3A_208] : memref<4x64x2048xi32, #tpu.memory_space<vmem>>, vector<1x64x2048xi32>
      %get3A_210 = vector.shape_cast %get3A_209 : vector<1x64x2048xi32> to vector<64x2048xi32>
      %get3A_211 = arith.constant 2 : index
      %get3A_212 = arith.constant 0 : index
      %get3A_213 = arith.constant 0 : index
      %get3A_214 = vector.load %arg4[%get3A_211, %get3A_212, %get3A_213] : memref<4x64x2048xi32, #tpu.memory_space<vmem>>, vector<1x64x2048xi32>
      %get3A_215 = vector.shape_cast %get3A_214 : vector<1x64x2048xi32> to vector<64x2048xi32>
      %get3A_216 = arith.constant 3 : index
      %get3A_217 = arith.constant 0 : index
      %get3A_218 = arith.constant 0 : index
      %get3A_219 = vector.load %arg4[%get3A_216, %get3A_217, %get3A_218] : memref<4x64x2048xi32, #tpu.memory_space<vmem>>, vector<1x64x2048xi32>
      %get3A_220 = vector.shape_cast %get3A_219 : vector<1x64x2048xi32> to vector<64x2048xi32>
      %get3A_221 = arith.constant 0 : index
      %get3A_222 = arith.constant 0 : index
      %get3A_223 = arith.constant 0 : index
      %get3A_224 = vector.load %arg5[%get3A_221, %get3A_222, %get3A_223] : memref<4x64x2048xi32, #tpu.memory_space<vmem>>, vector<1x64x2048xi32>
      %get3A_225 = vector.shape_cast %get3A_224 : vector<1x64x2048xi32> to vector<64x2048xi32>
      %get3A_226 = arith.constant 1 : index
      %get3A_227 = arith.constant 0 : index
      %get3A_228 = arith.constant 0 : index
      %get3A_229 = vector.load %arg5[%get3A_226, %get3A_227, %get3A_228] : memref<4x64x2048xi32, #tpu.memory_space<vmem>>, vector<1x64x2048xi32>
      %get3A_230 = vector.shape_cast %get3A_229 : vector<1x64x2048xi32> to vector<64x2048xi32>
      %get3A_231 = arith.constant 2 : index
      %get3A_232 = arith.constant 0 : index
      %get3A_233 = arith.constant 0 : index
      %get3A_234 = vector.load %arg5[%get3A_231, %get3A_232, %get3A_233] : memref<4x64x2048xi32, #tpu.memory_space<vmem>>, vector<1x64x2048xi32>
      %get3A_235 = vector.shape_cast %get3A_234 : vector<1x64x2048xi32> to vector<64x2048xi32>
      %get3A_236 = arith.constant 3 : index
      %get3A_237 = arith.constant 0 : index
      %get3A_238 = arith.constant 0 : index
      %get3A_239 = vector.load %arg5[%get3A_236, %get3A_237, %get3A_238] : memref<4x64x2048xi32, #tpu.memory_space<vmem>>, vector<1x64x2048xi32>
      %get3A_240 = vector.shape_cast %get3A_239 : vector<1x64x2048xi32> to vector<64x2048xi32>
      %jit3A_241 = arith.constant -2147483648 : i32
      %broadcast_in_dim3A_242 = vector.broadcast %jit3A_241 : i32 to vector<64x2048xi32>
      %select_n3A_243 = arith.select %eq3A_200, %get3A_220, %broadcast_in_dim3A_242 : vector<64x2048xi1>, vector<64x2048xi32>
      %select_n3A_244 = arith.select %eq3A_197, %get3A_215, %select_n3A_243 : vector<64x2048xi1>, vector<64x2048xi32>
      %select_n3A_245 = arith.select %eq3A_194, %get3A_210, %select_n3A_244 : vector<64x2048xi1>, vector<64x2048xi32>
      %select_n3A_246 = arith.select %eq3A_191, %get3A_205, %select_n3A_245 : vector<64x2048xi1>, vector<64x2048xi32>
      %jit3A_247 = arith.constant 32768 : i32
      %broadcast_in_dim3A_248 = vector.broadcast %jit3A_247 : i32 to vector<64x2048xi32>
      %select_n3A_249 = arith.select %eq3A_200, %get3A_240, %broadcast_in_dim3A_248 : vector<64x2048xi1>, vector<64x2048xi32>
      %select_n3A_250 = arith.select %eq3A_197, %get3A_235, %select_n3A_249 : vector<64x2048xi1>, vector<64x2048xi32>
      %select_n3A_251 = arith.select %eq3A_194, %get3A_230, %select_n3A_250 : vector<64x2048xi1>, vector<64x2048xi32>
      %select_n3A_252 = arith.select %eq3A_191, %get3A_225, %select_n3A_251 : vector<64x2048xi1>, vector<64x2048xi32>
      %jit3A_253 = arith.constant -2147483648 : i32
      %broadcast_in_dim3A_254 = vector.broadcast %jit3A_253 : i32 to vector<64x2048xi32>
      %select_n3A_255 = arith.select %eq3A_197, %get3A_220, %broadcast_in_dim3A_254 : vector<64x2048xi1>, vector<64x2048xi32>
      %select_n3A_256 = arith.select %eq3A_194, %get3A_215, %select_n3A_255 : vector<64x2048xi1>, vector<64x2048xi32>
      %select_n3A_257 = arith.select %eq3A_191, %get3A_210, %select_n3A_256 : vector<64x2048xi1>, vector<64x2048xi32>
      %jit3A_258 = arith.constant 32768 : i32
      %broadcast_in_dim3A_259 = vector.broadcast %jit3A_258 : i32 to vector<64x2048xi32>
      %select_n3A_260 = arith.select %eq3A_197, %get3A_240, %broadcast_in_dim3A_259 : vector<64x2048xi1>, vector<64x2048xi32>
      %select_n3A_261 = arith.select %eq3A_194, %get3A_235, %select_n3A_260 : vector<64x2048xi1>, vector<64x2048xi32>
      %select_n3A_262 = arith.select %eq3A_191, %get3A_230, %select_n3A_261 : vector<64x2048xi1>, vector<64x2048xi32>
      %jit3A_263 = arith.constant -2147483648 : i32
      %broadcast_in_dim3A_264 = vector.broadcast %jit3A_263 : i32 to vector<64x2048xi32>
      %select_n3A_265 = arith.select %eq3A_194, %get3A_220, %broadcast_in_dim3A_264 : vector<64x2048xi1>, vector<64x2048xi32>
      %select_n3A_266 = arith.select %eq3A_191, %get3A_215, %select_n3A_265 : vector<64x2048xi1>, vector<64x2048xi32>
      %jit3A_267 = arith.constant 32768 : i32
      %broadcast_in_dim3A_268 = vector.broadcast %jit3A_267 : i32 to vector<64x2048xi32>
      %select_n3A_269 = arith.select %eq3A_194, %get3A_240, %broadcast_in_dim3A_268 : vector<64x2048xi1>, vector<64x2048xi32>
      %select_n3A_270 = arith.select %eq3A_191, %get3A_235, %select_n3A_269 : vector<64x2048xi1>, vector<64x2048xi32>
      %jit3A_271 = arith.constant -2147483648 : i32
      %broadcast_in_dim3A_272 = vector.broadcast %jit3A_271 : i32 to vector<64x2048xi32>
      %select_n3A_273 = arith.select %eq3A_191, %get3A_220, %broadcast_in_dim3A_272 : vector<64x2048xi1>, vector<64x2048xi32>
      %jit3A_274 = arith.constant 32768 : i32
      %broadcast_in_dim3A_275 = vector.broadcast %jit3A_274 : i32 to vector<64x2048xi32>
      %select_n3A_276 = arith.select %eq3A_191, %get3A_240, %broadcast_in_dim3A_275 : vector<64x2048xi1>, vector<64x2048xi32>
      %reduce_max3A = arith.constant dense<-2147483648> : vector<64xi32>
      %reduce_max3A_277 = vector.multi_reduction <maxsi>, %select_n3A_246, %reduce_max3A [1] : vector<64x2048xi32> to vector<64xi32>
      %broadcast_in_dim3A_278 = vector.shape_cast %reduce_max3A_277 : vector<64xi32> to vector<64x1xi32>
      %eq3A_279 = vector.broadcast %broadcast_in_dim3A_278 : vector<64x1xi32> to vector<64x2048xi32>
      %eq3A_280 = arith.cmpi eq, %select_n3A_246, %eq3A_279 : vector<64x2048xi32>
      %jit3A_281 = arith.constant 32768 : i32
      %broadcast_in_dim3A_282 = vector.broadcast %jit3A_281 : i32 to vector<64x2048xi32>
      %select_n3A_283 = arith.select %eq3A_280, %select_n3A_252, %broadcast_in_dim3A_282 : vector<64x2048xi1>, vector<64x2048xi32>
      %reduce_min3A = arith.constant dense<2147483647> : vector<64xi32>
      %reduce_min3A_284 = vector.multi_reduction <minsi>, %select_n3A_283, %reduce_min3A [1] : vector<64x2048xi32> to vector<64xi32>
      %broadcast_in_dim3A_285 = vector.shape_cast %reduce_min3A_284 : vector<64xi32> to vector<64x1xi32>
      %mul3A_286 = arith.constant 4 : i32
      %mul3A_287 = arith.muli %scan3A_183, %mul3A_286 : i32
      %add3A_288 = arith.constant 0 : i32
      %add3A_289 = arith.addi %mul3A_287, %add3A_288 : i32
      %eq3A_290 = vector.broadcast %add3A_289 : i32 to vector<64x64xi32>
      %eq3A_291 = arith.cmpi eq, %iota3A_159, %eq3A_290 : vector<64x64xi32>
      %broadcast_in_dim3A_292 = vector.shape_cast %broadcast_in_dim3A_278 : vector<64x1xi32> to vector<64x1xi32>
      %broadcast_in_dim3A_293 = vector.broadcast %broadcast_in_dim3A_292 : vector<64x1xi32> to vector<64x64xi32>
      %select_n3A_294 = arith.select %eq3A_291, %broadcast_in_dim3A_293, %scan3A_185 : vector<64x64xi1>, vector<64x64xi32>
      %broadcast_in_dim3A_295 = vector.shape_cast %broadcast_in_dim3A_285 : vector<64x1xi32> to vector<64x1xi32>
      %broadcast_in_dim3A_296 = vector.broadcast %broadcast_in_dim3A_295 : vector<64x1xi32> to vector<64x64xi32>
      %select_n3A_297 = arith.select %eq3A_291, %broadcast_in_dim3A_296, %scan3A_184 : vector<64x64xi1>, vector<64x64xi32>
      %eq3A_298 = vector.broadcast %broadcast_in_dim3A_285 : vector<64x1xi32> to vector<64x2048xi32>
      %eq3A_299 = arith.cmpi eq, %select_n3A_252, %eq3A_298 : vector<64x2048xi32>
      %convert_element_type3A = arith.extui %eq3A_299 : vector<64x2048xi1> to vector<64x2048xi32>
      %add3A_300 = arith.addi %get3A_188, %convert_element_type3A : vector<64x2048xi32>
      %select_n3A_301 = arith.select %eq3A_299, %select_n3A_257, %select_n3A_246 : vector<64x2048xi1>, vector<64x2048xi32>
      %select_n3A_302 = arith.select %eq3A_299, %select_n3A_262, %select_n3A_252 : vector<64x2048xi1>, vector<64x2048xi32>
      %select_n3A_303 = arith.select %eq3A_299, %select_n3A_266, %select_n3A_257 : vector<64x2048xi1>, vector<64x2048xi32>
      %select_n3A_304 = arith.select %eq3A_299, %select_n3A_270, %select_n3A_262 : vector<64x2048xi1>, vector<64x2048xi32>
      %select_n3A_305 = arith.select %eq3A_299, %select_n3A_273, %select_n3A_266 : vector<64x2048xi1>, vector<64x2048xi32>
      %select_n3A_306 = arith.select %eq3A_299, %select_n3A_276, %select_n3A_270 : vector<64x2048xi1>, vector<64x2048xi32>
      %reduce_max3A_307 = arith.constant dense<-2147483648> : vector<64xi32>
      %reduce_max3A_308 = vector.multi_reduction <maxsi>, %select_n3A_301, %reduce_max3A_307 [1] : vector<64x2048xi32> to vector<64xi32>
      %broadcast_in_dim3A_309 = vector.shape_cast %reduce_max3A_308 : vector<64xi32> to vector<64x1xi32>
      %eq3A_310 = vector.broadcast %broadcast_in_dim3A_309 : vector<64x1xi32> to vector<64x2048xi32>
      %eq3A_311 = arith.cmpi eq, %select_n3A_301, %eq3A_310 : vector<64x2048xi32>
      %jit3A_312 = arith.constant 32768 : i32
      %broadcast_in_dim3A_313 = vector.broadcast %jit3A_312 : i32 to vector<64x2048xi32>
      %select_n3A_314 = arith.select %eq3A_311, %select_n3A_302, %broadcast_in_dim3A_313 : vector<64x2048xi1>, vector<64x2048xi32>
      %reduce_min3A_315 = arith.constant dense<2147483647> : vector<64xi32>
      %reduce_min3A_316 = vector.multi_reduction <minsi>, %select_n3A_314, %reduce_min3A_315 [1] : vector<64x2048xi32> to vector<64xi32>
      %broadcast_in_dim3A_317 = vector.shape_cast %reduce_min3A_316 : vector<64xi32> to vector<64x1xi32>
      %mul3A_318 = arith.constant 4 : i32
      %mul3A_319 = arith.muli %scan3A_183, %mul3A_318 : i32
      %add3A_320 = arith.constant 1 : i32
      %add3A_321 = arith.addi %mul3A_319, %add3A_320 : i32
      %eq3A_322 = vector.broadcast %add3A_321 : i32 to vector<64x64xi32>
      %eq3A_323 = arith.cmpi eq, %iota3A_159, %eq3A_322 : vector<64x64xi32>
      %broadcast_in_dim3A_324 = vector.shape_cast %broadcast_in_dim3A_309 : vector<64x1xi32> to vector<64x1xi32>
      %broadcast_in_dim3A_325 = vector.broadcast %broadcast_in_dim3A_324 : vector<64x1xi32> to vector<64x64xi32>
      %select_n3A_326 = arith.select %eq3A_323, %broadcast_in_dim3A_325, %select_n3A_294 : vector<64x64xi1>, vector<64x64xi32>
      %broadcast_in_dim3A_327 = vector.shape_cast %broadcast_in_dim3A_317 : vector<64x1xi32> to vector<64x1xi32>
      %broadcast_in_dim3A_328 = vector.broadcast %broadcast_in_dim3A_327 : vector<64x1xi32> to vector<64x64xi32>
      %select_n3A_329 = arith.select %eq3A_323, %broadcast_in_dim3A_328, %select_n3A_297 : vector<64x64xi1>, vector<64x64xi32>
      %eq3A_330 = vector.broadcast %broadcast_in_dim3A_317 : vector<64x1xi32> to vector<64x2048xi32>
      %eq3A_331 = arith.cmpi eq, %select_n3A_302, %eq3A_330 : vector<64x2048xi32>
      %convert_element_type3A_332 = arith.extui %eq3A_331 : vector<64x2048xi1> to vector<64x2048xi32>
      %add3A_333 = arith.addi %add3A_300, %convert_element_type3A_332 : vector<64x2048xi32>
      %select_n3A_334 = arith.select %eq3A_331, %select_n3A_303, %select_n3A_301 : vector<64x2048xi1>, vector<64x2048xi32>
      %select_n3A_335 = arith.select %eq3A_331, %select_n3A_304, %select_n3A_302 : vector<64x2048xi1>, vector<64x2048xi32>
      %select_n3A_336 = arith.select %eq3A_331, %select_n3A_305, %select_n3A_303 : vector<64x2048xi1>, vector<64x2048xi32>
      %select_n3A_337 = arith.select %eq3A_331, %select_n3A_306, %select_n3A_304 : vector<64x2048xi1>, vector<64x2048xi32>
      %reduce_max3A_338 = arith.constant dense<-2147483648> : vector<64xi32>
      %reduce_max3A_339 = vector.multi_reduction <maxsi>, %select_n3A_334, %reduce_max3A_338 [1] : vector<64x2048xi32> to vector<64xi32>
      %broadcast_in_dim3A_340 = vector.shape_cast %reduce_max3A_339 : vector<64xi32> to vector<64x1xi32>
      %eq3A_341 = vector.broadcast %broadcast_in_dim3A_340 : vector<64x1xi32> to vector<64x2048xi32>
      %eq3A_342 = arith.cmpi eq, %select_n3A_334, %eq3A_341 : vector<64x2048xi32>
      %jit3A_343 = arith.constant 32768 : i32
      %broadcast_in_dim3A_344 = vector.broadcast %jit3A_343 : i32 to vector<64x2048xi32>
      %select_n3A_345 = arith.select %eq3A_342, %select_n3A_335, %broadcast_in_dim3A_344 : vector<64x2048xi1>, vector<64x2048xi32>
      %reduce_min3A_346 = arith.constant dense<2147483647> : vector<64xi32>
      %reduce_min3A_347 = vector.multi_reduction <minsi>, %select_n3A_345, %reduce_min3A_346 [1] : vector<64x2048xi32> to vector<64xi32>
      %broadcast_in_dim3A_348 = vector.shape_cast %reduce_min3A_347 : vector<64xi32> to vector<64x1xi32>
      %mul3A_349 = arith.constant 4 : i32
      %mul3A_350 = arith.muli %scan3A_183, %mul3A_349 : i32
      %add3A_351 = arith.constant 2 : i32
      %add3A_352 = arith.addi %mul3A_350, %add3A_351 : i32
      %eq3A_353 = vector.broadcast %add3A_352 : i32 to vector<64x64xi32>
      %eq3A_354 = arith.cmpi eq, %iota3A_159, %eq3A_353 : vector<64x64xi32>
      %broadcast_in_dim3A_355 = vector.shape_cast %broadcast_in_dim3A_340 : vector<64x1xi32> to vector<64x1xi32>
      %broadcast_in_dim3A_356 = vector.broadcast %broadcast_in_dim3A_355 : vector<64x1xi32> to vector<64x64xi32>
      %select_n3A_357 = arith.select %eq3A_354, %broadcast_in_dim3A_356, %select_n3A_326 : vector<64x64xi1>, vector<64x64xi32>
      %broadcast_in_dim3A_358 = vector.shape_cast %broadcast_in_dim3A_348 : vector<64x1xi32> to vector<64x1xi32>
      %broadcast_in_dim3A_359 = vector.broadcast %broadcast_in_dim3A_358 : vector<64x1xi32> to vector<64x64xi32>
      %select_n3A_360 = arith.select %eq3A_354, %broadcast_in_dim3A_359, %select_n3A_329 : vector<64x64xi1>, vector<64x64xi32>
      %eq3A_361 = vector.broadcast %broadcast_in_dim3A_348 : vector<64x1xi32> to vector<64x2048xi32>
      %eq3A_362 = arith.cmpi eq, %select_n3A_335, %eq3A_361 : vector<64x2048xi32>
      %convert_element_type3A_363 = arith.extui %eq3A_362 : vector<64x2048xi1> to vector<64x2048xi32>
      %add3A_364 = arith.addi %add3A_333, %convert_element_type3A_363 : vector<64x2048xi32>
      %select_n3A_365 = arith.select %eq3A_362, %select_n3A_336, %select_n3A_334 : vector<64x2048xi1>, vector<64x2048xi32>
      %select_n3A_366 = arith.select %eq3A_362, %select_n3A_337, %select_n3A_335 : vector<64x2048xi1>, vector<64x2048xi32>
      %reduce_max3A_367 = arith.constant dense<-2147483648> : vector<64xi32>
      %reduce_max3A_368 = vector.multi_reduction <maxsi>, %select_n3A_365, %reduce_max3A_367 [1] : vector<64x2048xi32> to vector<64xi32>
      %broadcast_in_dim3A_369 = vector.shape_cast %reduce_max3A_368 : vector<64xi32> to vector<64x1xi32>
      %eq3A_370 = vector.broadcast %broadcast_in_dim3A_369 : vector<64x1xi32> to vector<64x2048xi32>
      %eq3A_371 = arith.cmpi eq, %select_n3A_365, %eq3A_370 : vector<64x2048xi32>
      %jit3A_372 = arith.constant 32768 : i32
      %broadcast_in_dim3A_373 = vector.broadcast %jit3A_372 : i32 to vector<64x2048xi32>
      %select_n3A_374 = arith.select %eq3A_371, %select_n3A_366, %broadcast_in_dim3A_373 : vector<64x2048xi1>, vector<64x2048xi32>
      %reduce_min3A_375 = arith.constant dense<2147483647> : vector<64xi32>
      %reduce_min3A_376 = vector.multi_reduction <minsi>, %select_n3A_374, %reduce_min3A_375 [1] : vector<64x2048xi32> to vector<64xi32>
      %broadcast_in_dim3A_377 = vector.shape_cast %reduce_min3A_376 : vector<64xi32> to vector<64x1xi32>
      %mul3A_378 = arith.constant 4 : i32
      %mul3A_379 = arith.muli %scan3A_183, %mul3A_378 : i32
      %add3A_380 = arith.constant 3 : i32
      %add3A_381 = arith.addi %mul3A_379, %add3A_380 : i32
      %eq3A_382 = vector.broadcast %add3A_381 : i32 to vector<64x64xi32>
      %eq3A_383 = arith.cmpi eq, %iota3A_159, %eq3A_382 : vector<64x64xi32>
      %broadcast_in_dim3A_384 = vector.shape_cast %broadcast_in_dim3A_369 : vector<64x1xi32> to vector<64x1xi32>
      %broadcast_in_dim3A_385 = vector.broadcast %broadcast_in_dim3A_384 : vector<64x1xi32> to vector<64x64xi32>
      %select_n3A_386 = arith.select %eq3A_383, %broadcast_in_dim3A_385, %select_n3A_357 : vector<64x64xi1>, vector<64x64xi32>
      %broadcast_in_dim3A_387 = vector.shape_cast %broadcast_in_dim3A_377 : vector<64x1xi32> to vector<64x1xi32>
      %broadcast_in_dim3A_388 = vector.broadcast %broadcast_in_dim3A_387 : vector<64x1xi32> to vector<64x64xi32>
      %select_n3A_389 = arith.select %eq3A_383, %broadcast_in_dim3A_388, %select_n3A_360 : vector<64x64xi1>, vector<64x64xi32>
      %eq3A_390 = vector.broadcast %broadcast_in_dim3A_377 : vector<64x1xi32> to vector<64x2048xi32>
      %eq3A_391 = arith.cmpi eq, %select_n3A_366, %eq3A_390 : vector<64x2048xi32>
      %convert_element_type3A_392 = arith.extui %eq3A_391 : vector<64x2048xi1> to vector<64x2048xi32>
      %add3A_393 = arith.addi %add3A_364, %convert_element_type3A_392 : vector<64x2048xi32>
      %swap3A_394 = arith.constant 0 : index
      %swap3A_395 = arith.constant 0 : index
      %swap3A_396 = vector.load %arg6[%swap3A_394, %swap3A_395] : memref<64x2048xi32, #tpu.memory_space<vmem>>, vector<64x2048xi32>
      tpu.vector_store %arg6[%swap3A_394, %swap3A_395], %add3A_393 {strides = array<i32>} : memref<64x2048xi32, #tpu.memory_space<vmem>>, vector<64x2048xi32>,
      scf.yield %select_n3A_389, %select_n3A_386 : vector<64x64xi32>, vector<64x64xi32>
    }
    %scan3A_168 = arith.constant 16 : i32
    %swap3A_169 = arith.constant 0 : index
    %swap3A_170 = arith.constant 0 : index
    %swap3A_171 = vector.load %arg2[%swap3A_169, %swap3A_170] : memref<64x64xi32, #tpu.memory_space<vmem>>, vector<64x64xi32>
    tpu.vector_store %arg2[%swap3A_169, %swap3A_170], %scan3A_167#0 {strides = array<i32>} : memref<64x64xi32, #tpu.memory_space<vmem>>, vector<64x64xi32>,
    %ge3A_172 = arith.constant 0 : i32
    %ge3A_173 = vector.broadcast %ge3A_172 : i32 to vector<64x64xi32>
    %ge3A_174 = arith.cmpi sge, %scan3A_167#1, %ge3A_173 : vector<64x64xi32>
    %xor3A_175 = arith.constant 2147483647 : i32
    %xor3A_176 = vector.broadcast %xor3A_175 : i32 to vector<64x64xi32>
    %xor3A_177 = arith.xori %scan3A_167#1, %xor3A_176 : vector<64x64xi32>
    %select_n3A_178 = arith.select %ge3A_174, %scan3A_167#1, %xor3A_177 : vector<64x64xi1>, vector<64x64xi32>
    %bitcast_convert_type3A_179 = tpu.bitcast %select_n3A_178 : vector<64x64xi32> -> vector<64x64xf32>
    %swap3A_180 = arith.constant 0 : index
    %swap3A_181 = arith.constant 0 : index
    %swap3A_182 = vector.load %arg3[%swap3A_180, %swap3A_181] : memref<64x64xf32, #tpu.memory_space<vmem>>, vector<64x64xf32>
    tpu.vector_store %arg3[%swap3A_180, %swap3A_181], %bitcast_convert_type3A_179 {strides = array<i32>} : memref<64x64xf32, #tpu.memory_space<vmem>>, vector<64x64xf32>,
    return
  }
}

</mosaic_0001>

<sc_bundles>
// kernel: kernel.5.cloned.1.call-start
scs
__scs_entry_jumppad:
0x0: {  	(pc) =	sbr.rel $0x88, $3  }
0x1: {  	(tag) =	ssettag $0x0;
	lr =	simm.s32 $0x1  }
0x2: {  	[smem:$0x3FA0] =	sst lr;
	_ =	strace $0xD0000000  }
0x3: {  	_ = 	snop  }
0x4: {  	_ = 	snop  }
0x5: {  	_ = 	snop  }
0x6: {  	_ = 	snop  }
0x7: {  	_ = 	snop  }
__scs_overlays_trampoline_lowered:
0x8: {  	[smem:$0x3FAF] =	sst s0  }
0x9: {  	[smem:$0x3FB0] =	sst s1  }
0xa: {  	[smem:$0x3FB1] =	sst s2  }
0xb: {  	[smem:$0x3FB2] =	sst s3  }
0xc: {  	[smem:$0x3FB3] =	sst s4  }
0xd: {  	[smem:$0x3FB4] =	sst s5  }
0xe: {  	[smem:$0x3FB5] =	sst s6  }
0xf: {  	[smem:$0x3FB6] =	sst s7  }
0x10: {  	[smem:$0x3FB7] =	sst s8  }
0x11: {  	[smem:$0x3FB8] =	sst s9;
	s0 =	simm.s32 @!p0 $0x0  }
0x12: {  	s1 =	sld [smem:$0x3F9E];
	s0 =	simm.s32 @p0 $0x1  }
0x13: {  	[smem:$0x3FB9] =	sst s0;
	s0 =	simm.s32 @!p1 $0x0  }
0x14: {  	s2 =	sld [smem:$0x3F9D];
	s0 =	simm.s32 @p1 $0x1  }
0x15: {  	[smem:$0x3FBA] =	sst s0;
	s0 =	simm.s32 @!p2 $0x0  }
0x16: {  	s3 =	sld [smem:$0x3FDB];
	s0 =	simm.s32 @p2 $0x1  }
0x17: {  	s4 =	simm.s32 $0x1BF5;
	[smem:$0x3FBC] =	sst s0  }
0x18: {  	s0 =	sld [smem:$0x3F9F];
	_ =	swait.ge [sflag:s4], $0x0  }
0x19: {  	s7 =	sld [smem:$0x3FA0]  }
0x1a: {  	s8 =	sadd.s32 $0xFFFFE003, lr  }
0x1b: {  	s9 =	sadd.s32 $0xFFFFFEF7, lr;
	s5 =	simm.s32 $0xFFFFFFFF;
	p2 =	slt.u32 s8, $0xFFFFF086  }
0x1c: {  	p1 =	slt.u32 s9, $0xF7A;
	s5 =	simm.s32 @!p2 $0x0  }
0x1d: {  	s5 =	simm.s32 @p1 $0x1;
	p0 =	seq.s32 s7, s2  }
0x1e: {  	s7 =	smul.u32 @!p0 $0xF7A, s2;
	p2 =	seq.s32 @!p0 s5, $0x0  }
0x1f: {  	s9 =	smul.u32 $0xF7A, s1;
	s8 =	simm.s32 @!p0 $0x1BF5;
	p2 =	por !p2, p0  }
0x20: {  	[sflag:s8] =	ssyncset.s32 @!p0 $0xFFFFF086;
	s6 =	sadd.s32 @!p0 s3, s7;
	s7 =	simm.s32 @!p0 $0x108  }
0x21: {  	s3 =	sadd.s32 s3, s9;
	s6 =	sadd.s32 @!p0 $0x88, s6;
	s7 =	simm.s32 @p2 $0x1082  }
0x22: {  	[simem:s7], [sflag:s8] =	dma.local @!p0 [hbm:s6], $0xF7A  }
0x23: {  	s9 =	sor.u32 $0xD0000000, s2;
	s6 =	simm.s32 $0x108;
	_ =	swait.ge @!p0 [sflag:s8], $0x0  }
0x24: {  	s3 =	sadd.s32 $0x88, s3;
	s6 =	simm.s32 @!p1 $0x1082;
	[sflag:s4] =	ssyncset.s32 $0xFFFFF086  }
0x25: {  	[simem:s6], [sflag:s4] =	dma.local [hbm:s3], $0xF7A  }
0x26: {  	[smem:$0x3FA0] =	sst s1;
	(tag) =	ssettag s2;
	_ =	strace s9  }
0x27: {  	s1 =	sld [smem:$0x3FB0]  }
0x28: {  	s2 =	sld [smem:$0x3FB1]  }
0x29: {  	s4 =	sld [smem:$0x3FB3]  }
0x2a: {  	p0 =	seq.s32 s5, $0x0;
	s5 =	sld [smem:$0x3FB4]  }
0x2b: {  	s6 =	sld [smem:$0x3FB5]  }
0x2c: {  	s7 =	sld [smem:$0x3FB6]  }
0x2d: {  	s3 =	simm.s32 $0x108;
	s8 =	sld [smem:$0x3FB7]  }
0x2e: {  	s3 =	simm.s32 @!p0 $0x1082;
	s9 =	sld [smem:$0x3FB8]  }
0x2f: {  	lr =	sadd.s32 s0, s3;
	s0 =	sld [smem:$0x3FAF]  }
0x30: {  	s3 =	sld [smem:$0x3FB2]  }
0x31: {  	[smem:$0x3FBB] =	sst s10  }
0x32: {  	s10 =	sld [smem:$0x3FB9];
	_ =	sdelay $0x3  }
0x33: {  	p0 =	seq.s32 s10, $0x1;
	s10 =	sld [smem:$0x3FBB];
	_ =	sdelay $0x3  }
0x34: {  	[smem:$0x3FBB] =	sst s10  }
0x35: {  	s10 =	sld [smem:$0x3FBA];
	_ =	sdelay $0x3  }
0x36: {  	p1 =	seq.s32 s10, $0x1;
	s10 =	sld [smem:$0x3FBB];
	_ =	sdelay $0x3  }
0x37: {  	[smem:$0x3FBB] =	sst s10  }
0x38: {  	s10 =	sld [smem:$0x3FBC]  }
0x39: {  	_ = 	snop;
	(pc) =	sbr.ind lr, $3  }
0x3a: {  	_ = 	snop  }
0x3b: {  	_ = 	snop  }
0x3c: {  	p2 =	seq.s32 s10, $0x1;
	s10 =	sld [smem:$0x3FBB]  }
0x3d: {  	_ =	shalt  }
0x3e: {  	_ =	shalt  }
0x3f: {  	_ =	shalt  }
0x40: {  	_ =	shalt  }
0x41: {  	_ =	shalt  }
0x42: {  	_ =	shalt  }
0x43: {  	_ =	shalt  }
0x44: {  	_ =	shalt  }
0x45: {  	_ =	shalt  }
0x46: {  	_ =	shalt  }
0x47: {  	_ =	shalt  }
0x48: {  	_ =	shalt  }
0x49: {  	_ =	shalt  }
0x4a: {  	_ =	shalt  }
0x4b: {  	_ =	shalt  }
0x4c: {  	_ =	shalt  }
0x4d: {  	_ =	shalt  }
0x4e: {  	_ =	shalt  }
0x4f: {  	_ =	shalt  }
0x50: {  	_ =	shalt  }
0x51: {  	_ =	shalt  }
0x52: {  	_ =	shalt  }
0x53: {  	_ =	shalt  }
0x54: {  	_ =	shalt  }
0x55: {  	_ =	shalt  }
0x56: {  	_ =	shalt  }
0x57: {  	_ =	shalt  }
0x58: {  	_ =	shalt  }
0x59: {  	_ =	shalt  }
0x5a: {  	_ =	shalt  }
0x5b: {  	_ =	shalt  }
0x5c: {  	_ =	shalt  }
0x5d: {  	_ =	shalt  }
0x5e: {  	_ =	shalt  }
0x5f: {  	_ =	shalt  }
0x60: {  	_ =	shalt  }
0x61: {  	_ =	shalt  }
0x62: {  	_ =	shalt  }
0x63: {  	_ =	shalt  }
0x64: {  	_ =	shalt  }
0x65: {  	_ =	shalt  }
0x66: {  	_ =	shalt  }
0x67: {  	_ =	shalt  }
0x68: {  	_ =	shalt  }
0x69: {  	_ =	shalt  }
0x6a: {  	_ =	shalt  }
0x6b: {  	_ =	shalt  }
0x6c: {  	_ =	shalt  }
0x6d: {  	_ =	shalt  }
0x6e: {  	_ =	shalt  }
0x6f: {  	_ =	shalt  }
0x70: {  	_ =	shalt  }
0x71: {  	_ =	shalt  }
0x72: {  	_ =	shalt  }
0x73: {  	_ =	shalt  }
0x74: {  	_ =	shalt  }
0x75: {  	_ =	shalt  }
0x76: {  	_ =	shalt  }
0x77: {  	_ =	shalt  }
0x78: {  	_ =	shalt  }
0x79: {  	_ =	shalt  }
0x7a: {  	_ =	shalt  }
0x7b: {  	_ =	shalt  }
0x7c: {  	_ =	shalt  }
0x7d: {  	_ =	shalt  }
0x7e: {  	_ =	shalt  }
0x7f: {  	_ =	shalt  }
0x80: {  	_ =	shalt  }
0x81: {  	_ =	shalt  }
0x82: {  	_ =	shalt  }
0x83: {  	_ =	shalt  }
0x84: {  	_ =	shalt  }
0x85: {  	_ =	shalt  }
0x86: {  	_ =	shalt  }
0x87: {  	_ =	shalt  }
.Lfunc_end0:
.L_simem_size_0:
called_computation_lowered:
.L_overlay_start_0:
0x88: {  	s2 =	sld [smem:$0x3FD9]  }
0x89: {  	s3 =	sld [smem:$0x3FFE];
	_ =	sdelay $0x1  }
0x8a: {  	s1 =	srdreg.scid  }
0x8b: {  	s0 =	sand.u32 $0x1, s1  }
0x8c: {  	s14 =	sshll.u32 s0, $0xA;
	s2 =	sadd.s32 s3, s2  }
0x8d: {  	s2 =	sadd.s32 s2, s14  }
0x8e: {  	[smem:$0x3FC7] =	sst s2  }
0x8f: {  	_ = 	snop  }
0x90: {  	s2 =	sld [smem:$0x3FD0];
	_ =	sdelay $0x2  }
0x91: {  	s15 =	simm.s32 $0xA;
	s4 =	simm.s32 $0x10  }
0x92: {  	[smem:s4], [sflag:s15] =	dma.local [hbm:s2], $0x1  }
0x93: {  	_ =	swait.eq [sflag:s15], $0x1  }
0x94: {  	[sflag:s15] =	ssyncset.done $0x0  }
0x95: {  	[sflag:s15] =	ssyncadd.s32 $0xFFFFFFFF  }
0x96: {  	s16 =	sld [smem:$0x11];
	(tm) =	ssettm $0x1  }
0x97: {  	s17 =	sld [smem:$0x3FFB];
	_ =	sdelay $0x3  }
0x98: {  	_ =	strace s17  }
0x99: {  	s3 =	sld [smem:$0x3FFC];
	_ =	sdelay $0x3  }
0x9a: {  	_ =	strace s3  }
0x9b: {  	s3 =	sld [smem:$0x3FFD];
	_ =	sdelay $0x3  }
0x9c: {  	_ =	strace s3  }
0x9d: {  	_ =	strace $0x8FFFFFFF  }
0x9e: {  	s18 =	sld [smem:$0x3FDB];
	_ =	sdelay $0x1  }
0x9f: {  	s19 =	simm.s32 $_scs_section_size  }
0xa0: {  	s5 =	simm.s32 $_size__tile_overlayer_lowered;
	s6 =	simm.s32 $_tile_overlayer_lowered  }
0xa1: {  	s22 =	simm.s32 $0x1BFF;
	s21 =	sshll.u32 s6, $0x1;
	s3 =	sadd.s32 s19, s18  }
0xa2: {  	s7 =	simm.s32 $0x0;
	s20 =	sshll.u32 s5, $0x1;
	s5 =	sadd.s32 s21, s3  }
0xa3: {  	[timem:s7], [sflag:s22] =	dma.local [hbm:s5], s20  }
0xa4: {  	_ =	swait.ge [sflag:s22], s20  }
0xa5: {  	s4 =	ssub.s32 $0x0, s20;
	[sflag:s22] =	ssyncset.done $0x0  }
0xa6: {  	[sflag:s22] =	ssyncadd.s32 s4;
	_ =	sdelay $0x1  }
0xa7: {  	s23 =	simm.s32 $0x1B8B  }
0xa8: {  	_ =	swait.ge [sflag:s23], $0x1  }
0xa9: {  	[sflag:s23] =	ssyncset.done $0x0  }
0xaa: {  	s25 =	simm.s32 $0x1B8E;
	s24 =	sld [smem:$0x3FFE];
	[sflag:s23] =	ssyncadd.s32 $0xFFFFFFFF  }
0xab: {  	s26 =	simm.s32 $execute0_lowered;
	[smem:$0x3FD2] =	sst s25  }
0xac: {  	s5 =	sshll.u32 s26, $0x1;
	_ =	strace $0x80000046;
	[dreg:$0x1] =	wrdreg $0xFFFFFFFF  }
0xad: {  	s28 =	simm.s32 $_size_execute0_lowered;
	s3 =	sadd.s32 s3, s5;
	[dreg:$0x0] =	wrdreg $0x0  }
0xae: {  	s5 =	sshll.u32 s28, $0x1;
	[dreg:$0x2] =	wrdreg s3  }
0xaf: {  	[dreg:$0x3] =	wrdreg s5  }
0xb0: {  	[dreg:$0x4] =	wrdreg $0xC0  }
0xb1: {  	_ =	task [dreg:s7], $0x5FFFF  }
0xb2: {  	[dreg:$0x1] =	wrdreg $0xFFFFFFFF  }
0xb3: {  	[dreg:$0x0] =	wrdreg $0x60  }
0xb4: {  	[dreg:$0x2] =	wrdreg s24  }
0xb5: {  	[dreg:$0x3] =	wrdreg s16  }
0xb6: {  	[dreg:$0x4] =	wrdreg $0x9  }
0xb7: {  	_ =	task.clear_ibuf [dreg:s7], $0x5FFFF;
	_ =	strace $0x90000046  }
0xb8: {  	s29 =	simm.s32 $0x9;
	_ =	strace $0x8000004D  }
0xb9: {  	_ =	swait.ge [sflag:s29], $0x1  }
0xba: {  	[sflag:s29] =	ssyncadd.s32 $0xFFFFFFFF  }
0xbb: {  	_ =	strace $0x9000004D  }
0xbc: {  	_ =	sfence  }
0xbd: {  	s30 =	sld [smem:$0x0];
	_ =	sdelay $0x2  }
0xbe: {  	s31 =	sshll.u32 s1, $0xD;
	s1 =	sshrl.u32 s1, $0x2  }
0xbf: {  	s3 =	sand.u32 $0x4000, s31;
	s1 =	sadd.s32 s1, s30  }
0xc0: {  	s0 =	sor.u32 s3, s0;
	s1 =	sshll.u32 s1, $0x11  }
0xc1: {  	s0 =	sor.u32 s1, s0  }
0xc2: {  	s0 =	sadd.s32 $0x8F2B, s0  }
0xc3: {  	[sflag:s0] =	ssyncadd.remote.s32 $0x1  }
0xc4: {  	_ =	sfence.sel $0xFFFF  }
0xc5: {  	[dreg:$0x0] =	wrdreg $0xFFFFFFFF;
	(pc) =	sbr.abs _section_cstart, $3  }
0xc6: {  	[dreg:$0x1] =	wrdreg $0xFFFFFFFF  }
0xc7: {  	_ =	task.clear_ibuf [dreg:s7], $0x2FFFF;
	_ =	strace $0x9FFFFFFF  }
0xc8: {  	(tm) =	ssettm $0x7FFFFFFF  }
0xc9: {  	_ =	shalt  }
tec
execute0_lowered:
.L_overlay_start_1:
0x0: {  	(tag) =	ssettag $0x1  }
0x1: {  	s9 =	rddreg [dreg:$0x0];
	s2 =	srdreg.scid  }
0x2: {  	s3 =	rddreg [dreg:$0x1];
	s1 =	stileid.u32;
	s10 =	sand.u32 $0x1, s2  }
0x3: {  	s2 =	simm.s32 $0x0;
	s5 =	sshll.u32 s1, $0x7;
	s4 =	sshll.u32 s10, $0xB  }
0x4: {  	[smem:$0x7FF] =	sst s2;
	s11 =	sor.u32 s5, s4  }
0x5: {  	s0 =	rddreg [dreg:$0x2];
	_ =	strace $0x80000047;
	s4 =	sshrl.u32 s11, $0x3  }
0x6: {  	_ =	strace $0x80000048;
	s3 =	sadd.s32 s3, s4  }
0x7: {  	[tilespmem:s2], [sflag:$0x1] =	stream.linear.gather [hbm4b:s3+s2], $0x80, $0x200038;
	[tilespmem:$0x8100] =	vst v63  }
0x8: {  	_ =	strace $0x90000048  }
0x9: {  	s4 =	simm.s32 $0x1;
	_ =	strace $0x80000049  }
0xa: {  	_ =	swait.ge [sflag:s4], $0x80  }
0xb: {  	[sflag:s4] =	ssyncset.done $0x0  }
0xc: {  	[sflag:s4] =	ssyncadd.s32 $0xFFFFFF80  }
0xd: {  	s6 =	simm.s32 $0x80;
	s7 =	simm.s32 $0x100;
	_ =	strace $0x90000049  }
0xe: {  	s8 =	simm.s32 $0x5;
	s5 =	sadd.s32 $0x600, s9;
	_ =	strace $0x8000004A  }
0xf: {  	[tilespmem:s7], [sflag:$0x5] =	stream.indirect.gather [hbm4b:s5+s6], $0x80, s2, s6, $0x2000b8;
	[tilespmem:$0x8100] =	vst v63  }
0x10: {  	s10 =	ssub.s32 $0x2, s10;
	_ =	swait.ge [sflag:s8], $0x4000  }
0x11: {  	s31 =	sshrl.u32 s10, $0x1;
	s11 =	sshll.u32 s11, $0x4;
	[sflag:s8] =	ssyncset.done $0x0  }
0x12: {  	s9 =	sadd.s32 s11, s9;
	s11 =	ssub.s32 s10, s31;
	[sflag:s8] =	ssyncadd.s32 $0xFFFFC000  }
0x13: {  	s11 =	smax.u32 s11, $0x1;
	_ =	strace $0x9000004A  }
0x14: {  	s9 =	sadd.s32 $0x40600, s9;
	p0 =	sne.s32 s11, $0x1;
	_ =	strace $0x8000004B  }
0x15: {  	[hbm4b:s9+s2] =	stream.linear.scatter [tilespmem:s7], [sflag:$0x3], $0x4000, $0x200038;
	[tilespmem:$0x8100] =	vst v63  }
.Ltmp0:
0x16: {  	_ =	strace $0x9000004B;
	(pc) =	sbr.rel @!p0 .LBB2_2-.Ltmp0, $4  }
0x17: {  	s10 =	simm.s32 $0x3;
	_ =	strace $0x8000004C  }
0x18: {  	_ =	swait.ge [sflag:s10], $0x4000  }
0x19: {  	[sflag:s10] =	ssyncset.done $0x0  }
0x1a: {  	s11 =	sadd.s32 $0xFFFFFFFF, s11;
	[sflag:s10] =	ssyncadd.s32 $0xFFFFC000  }
.LBB2_1:
0x1b: {  	p0 =	sne.s32 s11, $0x1;
	s11 =	sadd.s32 $0xFFFFFFFF, s11;
	_ =	strace $0x9000004C  }
0x1c: {  	_ =	strace $0x80000048  }
0x1d: {  	[tilespmem:s2], [sflag:$0x1] =	stream.linear.gather [hbm4b:s3+s2], $0x80, $0x200038;
	[tilespmem:$0x8100] =	vst v63  }
0x1e: {  	_ =	strace $0x90000048  }
0x1f: {  	_ =	strace $0x80000049  }
0x20: {  	_ =	swait.ge [sflag:s4], $0x80  }
0x21: {  	[sflag:s4] =	ssyncset.done $0x0  }
0x22: {  	[sflag:s4] =	ssyncadd.s32 $0xFFFFFF80  }
0x23: {  	_ =	strace $0x90000049  }
0x24: {  	_ =	strace $0x8000004A  }
0x25: {  	[tilespmem:s7], [sflag:$0x5] =	stream.indirect.gather [hbm4b:s5+s6], $0x80, s2, s6, $0x2000b8;
	[tilespmem:$0x8100] =	vst v63  }
0x26: {  	_ =	swait.ge [sflag:s8], $0x4000  }
0x27: {  	[sflag:s8] =	ssyncset.done $0x0  }
0x28: {  	[sflag:s8] =	ssyncadd.s32 $0xFFFFC000  }
0x29: {  	_ =	strace $0x9000004A  }
0x2a: {  	_ =	strace $0x8000004B  }
0x2b: {  	[hbm4b:s9+s2] =	stream.linear.scatter [tilespmem:s7], [sflag:$0x3], $0x4000, $0x200038;
	[tilespmem:$0x8100] =	vst v63  }
.Ltmp1:
0x2c: {  	_ =	strace $0x9000004B;
	(pc) =	sbr.rel @p0 .LBB2_1-.Ltmp1, $4  }
0x2d: {  	_ =	strace $0x8000004C  }
0x2e: {  	_ =	swait.ge [sflag:s10], $0x4000  }
0x2f: {  	[sflag:s10] =	ssyncset.done $0x0  }
0x30: {  	[sflag:s10] =	ssyncadd.s32 $0xFFFFC000  }
.LBB2_2:
0x31: {  	_ =	strace $0x9000004C  }
0x32: {  	_ =	sfence.sel $0x180000  }
0x33: {  	[bflag:$0x0] =	sbarrier.arrive $0xFFFF  }
0x34: {  	p0 =	sne.s32 s1, $0x0;
	_ =	strace $0x90000047  }
0x35: {  	s0 =	sadd.s32 @!p0 $0x100000, s0;
	[bflag:$0x2] =	sbarrier.arrive $0xFFFF  }
0x36: {  	[sflag:s0] =	ssyncadd.tile.s32 @!p0 $0x1;
	_ =	shalt  }
.Lfunc_end2:
_tile_overlayer_lowered:
.L_overlay_start_2:
0x37: {  	(tag) =	ssettag $0x2  }
0x38: {  	s0 =	rddreg [dreg:$0x0];
	s2 =	stileid.u32  }
0x39: {  	s1 =	rddreg [dreg:$0x1];
	p0 =	sne.s32 s2, $0x0  }
0x3a: {  	s3 =	rddreg [dreg:$0x2];
	[bflag:$0x3] =	sbarrier.arrive $0xFFFF;
	s2 =	simm.s32 @!p0 $0x1C01  }
0x3b: {  	[timem:s3], [sflag:s2] =	dma.local @!p0 [hbm:s0], s1  }
0x3c: {  	s0 =	simm.s32 @!p0 $0x1  }
0x3d: {  	_ =	swait.ge @!p0 [sflag:s0], s1  }
0x3e: {  	s1 =	ssub.s32 @!p0 $0x0, s1;
	[sflag:s0] =	ssyncset.done @!p0 $0x0  }
0x3f: {  	[sflag:s0] =	ssyncadd.s32 @!p0 s1  }
0x40: {  	[bflag:$0x3] =	sbarrier.arrive $0xFFFF  }
0x41: {  	_ =	shalt  }

</sc_bundles>
